<compile_context>
chip_gen: v7x
topology: tpu7x:2x2x1
jax: 0.10.2.dev20260603
libtpu: 0.0.44.dev20260713+nightly
codegen_flags: <defaults>
</compile_context>

<pallas_src>
import functools
import jax
import jax.numpy as jnp
from jax import lax
from jax.experimental import pallas as pl
from jax.experimental.pallas import tpu as pltpu
from jax.experimental.pallas import tpu_sc as plsc

DIM = 64
NW = 32
GSZ = 128
NBUF = 8


def _sc_gather(idx_t, weight):
    s_len, b_len = idx_t.shape
    b_per_w = b_len // NW
    jblk = b_per_w // GSZ
    ng = s_len * jblk
    nblk = ng // NBUF
    mesh = plsc.VectorSubcoreMesh(core_axis_name="c", subcore_axis_name="s")

    @functools.partial(
        pl.kernel,
        out_type=jax.ShapeDtypeStruct((b_len, 56, 128), jnp.float32),
        mesh=mesh,
        scratch_types=[
            pltpu.VMEM((s_len, b_per_w), jnp.int32),
            pltpu.VMEM((NBUF, GSZ, DIM), jnp.float32),
            pltpu.SemaphoreType.DMA((NBUF,)),
            pltpu.SemaphoreType.DMA((NBUF,)),
        ],
        compiler_params=pltpu.CompilerParams(use_tc_tiling_on_sc=False),
    )
    def k(table_hbm, idx_hbm, out_hbm, idx_v, rows_v, gsem, osem):
        wid = lax.axis_index("s") * 2 + lax.axis_index("c")
        pltpu.sync_copy(idx_hbm.at[:, pl.ds(wid * b_per_w, b_per_w)], idx_v)
        base_b = wid * b_per_w

        def gather(g, b):
            j = g // s_len
            s = g - j * s_len
            pltpu.async_copy(
                table_hbm.at[idx_v.at[s, pl.ds(j * GSZ, GSZ)]],
                rows_v.at[b],
                gsem.at[b],
            )

        def write(g, b):
            j = g // s_len
            s = g - j * s_len
            pltpu.async_copy(
                rows_v.at[b],
                out_hbm.at[pl.ds(base_b + j * GSZ, GSZ), s, pl.ds(0, DIM)],
                osem.at[b],
            )

        def wait(sem, b):
            pltpu.make_async_copy(
                table_hbm.at[pl.ds(0, GSZ)], rows_v.at[b], sem.at[b]
            ).wait()

        for b in range(NBUF):
            gather(b, b)

        def blk(G, carry):
            g0 = G * NBUF
            for b in range(NBUF):
                wait(gsem, b)
                write(g0 + b, b)
            for b in range(NBUF):
                wait(osem, b)
                gather(g0 + NBUF + b, b)
            return carry

        lax.fori_loop(0, nblk - 1, blk, 0)

        g0 = (nblk - 1) * NBUF
        for b in range(NBUF):
            wait(gsem, b)
            write(g0 + b, b)
        for b in range(NBUF):
            wait(osem, b)

    return k(weight, idx_t)


def kernel(indices, weight):
    idx_t = jnp.swapaxes(indices.astype(jnp.int32), 0, 1)
    out_p = _sc_gather(idx_t, weight)
    return out_p[:, :indices.shape[1], :DIM]

# --- scband reference (transcript-rebuilt; emitter-appended) ---
"""Pipeline reference for scband-manual-embedding-77000173682891 (READ-ONLY COPY).

The authoritative reference and input builder live on the scoring server;
editing this copy changes nothing except your own understanding.
"""

import jax, jax.numpy as jnp
import numpy as np

NUM_EMBEDDINGS = 1000000
EMBEDDING_DIM = 64

def setup_inputs(seed: int = 0) -> dict:
    key = jax.random.key(seed)
    k_idx, k_w = jax.random.split(key)
    indices = jax.random.randint(k_idx, (16384, 50), 0, NUM_EMBEDDINGS, dtype=jnp.int64 if jax.config.jax_enable_x64 else jnp.int32)
    weight = jax.random.normal(k_w, (NUM_EMBEDDINGS, EMBEDDING_DIM), dtype=jnp.float32)
    return {"indices": indices, "weight": weight}

def reference(indices, weight):
    # Manual embedding lookup: gather rows of the table by index.
    # padding_idx is None, so no masking is applied.
    return jnp.take(weight, indices, axis=0)

if __name__ == "__main__":
    import jax
    _d = setup_inputs()
    print(jax.jit(kernel)(*tuple(_d.values())))

</pallas_src>

<mosaic_0001>
#map = affine_map<(d0, d1) -> (0, 0)>
#map1 = affine_map<(d0, d1) -> (0, 0, 0)>
module attributes {stable_mosaic.version = 14 : i64} {
  func.func @k(%arg0: i32, %arg1: i32, %arg2: memref<1000000x64xf32, #tpu.memory_space<hbm>>, %arg3: memref<50x16384xi32, #tpu.memory_space<hbm>>, %arg4: memref<16384x56x128xf32, #tpu.memory_space<hbm>>, %arg5: memref<50x512xi32, #tpu.memory_space<vmem>>, %arg6: memref<8x128x64xf32, #tpu.memory_space<vmem>>, %arg7: memref<8x!tpu.dma_semaphore, #tpu.memory_space<semaphore_mem>>, %arg8: memref<8x!tpu.dma_semaphore, #tpu.memory_space<semaphore_mem>>) attributes {dimension_semantics = [#tpu.dimension_semantics<core_parallel>, #tpu.dimension_semantics<subcore_parallel>], iteration_bounds = array<i64: 2, 16>, scalar_prefetch = 0 : i64, scratch_operands = 4 : i64, tpu.core_type = #tpu.core_type<sc_vector_subcore>, window_params = [{transform_indices = #map}, {transform_indices = #map}, {transform_indices = #map1}]} {
    %mul3A = arith.constant 2 : i32
    %mul3A_0 = arith.muli %arg1, %mul3A : i32
    %add3A = arith.addi %mul3A_0, %arg0 : i32
    %mul3A_1 = arith.constant 512 : i32
    %mul3A_2 = arith.muli %add3A, %mul3A_1 : i32
    "tpu.region"() ({
      %run_scoped3A = tpu.sem_alloc : memref<!tpu.dma_semaphore, #tpu.memory_space<semaphore_mem>>
      %dma_start3A_584 = arith.constant 0 : i32
      %dma_start3A_585 = tpu.memref_slice %arg3[%dma_start3A_584, %mul3A_2] : memref<50x16384xi32, #tpu.memory_space<hbm>> -> memref<50x512xi32, #tpu.memory_space<hbm>>
      %dma_start3A_586 = arith.constant 0 : i32
      %dma_start3A_587 = tpu.memref_slice %arg3[%dma_start3A_586, %mul3A_2] : memref<50x16384xi32, #tpu.memory_space<hbm>> -> memref<50x512xi32, #tpu.memory_space<hbm>>
      tpu.enqueue_dma source(%dma_start3A_587 : memref<50x512xi32, #tpu.memory_space<hbm>>) target(%arg5 : memref<50x512xi32, #tpu.memory_space<vmem>>) target_semaphore(%run_scoped3A : memref<!tpu.dma_semaphore, #tpu.memory_space<semaphore_mem>>)
      %dma_wait3A_588 = arith.constant 0 : i32
      %dma_wait3A_589 = tpu.memref_slice %arg3[%dma_wait3A_588, %mul3A_2] : memref<50x16384xi32, #tpu.memory_space<hbm>> -> memref<50x512xi32, #tpu.memory_space<hbm>>
      %dma_wait3A_590 = arith.constant 0 : i32
      %dma_wait3A_591 = tpu.memref_slice %arg3[%dma_wait3A_590, %mul3A_2] : memref<50x16384xi32, #tpu.memory_space<hbm>> -> memref<50x512xi32, #tpu.memory_space<hbm>>
      tpu.wait_dma2 semaphore(%run_scoped3A : memref<!tpu.dma_semaphore, #tpu.memory_space<semaphore_mem>>) src(%dma_wait3A_591 : memref<50x512xi32, #tpu.memory_space<hbm>>) dst(%arg5 : memref<50x512xi32, #tpu.memory_space<vmem>>)
      tpu.yield
    }) : () -> ()
    %mul3A_3 = arith.constant 512 : i32
    %mul3A_4 = arith.muli %add3A, %mul3A_3 : i32
    %dma_start3A = arith.constant 0 : i32
    %dma_start3A_5 = arith.constant 0 : i32
    %dma_start3A_6 = arith.constant 0 : i32
    %dma_start3A_7 = arith.constant 0 : i32
    %dma_start3A_8 = arith.constant 0 : i32
    %dma_start3A_9 = tpu.memref_slice %arg6[%dma_start3A_5, %dma_start3A_7, %dma_start3A_8] : memref<8x128x64xf32, #tpu.memory_space<vmem>> -> memref<1x128x64xf32, #tpu.memory_space<vmem>>
    %dma_start3A_10 = tpu.memref_squeeze %dma_start3A_9 : memref<1x128x64xf32, #tpu.memory_space<vmem>> -> memref<128x64xf32, #tpu.memory_space<vmem>>
    %dma_start3A_11 = arith.constant 0 : i32
    %dma_start3A_12 = tpu.memref_slice %arg5[%dma_start3A, %dma_start3A_11] : memref<50x512xi32, #tpu.memory_space<vmem>> -> memref<1x128xi32, #tpu.memory_space<vmem>>
    %dma_start3A_13 = tpu.memref_squeeze %dma_start3A_12 : memref<1x128xi32, #tpu.memory_space<vmem>> -> memref<128xi32, #tpu.memory_space<vmem>>
    %dma_start3A_14 = arith.constant 0 : i32
    %dma_start3A_15 = arith.constant 0 : i32
    %dma_start3A_16 = tpu.memref_slice %arg2[%dma_start3A_14, %dma_start3A_15] : memref<1000000x64xf32, #tpu.memory_space<hbm>> -> memref<1000000x64xf32, #tpu.memory_space<hbm>>
    %dma_start3A_17 = tpu.memref_slice %arg7[%dma_start3A_6] : memref<8x!tpu.dma_semaphore, #tpu.memory_space<semaphore_mem>> -> memref<1x!tpu.dma_semaphore, #tpu.memory_space<semaphore_mem>>
    %dma_start3A_18 = tpu.memref_squeeze %dma_start3A_17 : memref<1x!tpu.dma_semaphore, #tpu.memory_space<semaphore_mem>> -> memref<!tpu.dma_semaphore, #tpu.memory_space<semaphore_mem>>
    tpu.enqueue_indirect_dma source(%dma_start3A_16 : memref<1000000x64xf32, #tpu.memory_space<hbm>>) target(%dma_start3A_10 : memref<128x64xf32, #tpu.memory_space<vmem>>) offsets(%dma_start3A_13 : memref<128xi32, #tpu.memory_space<vmem>>) semaphore(%dma_start3A_18 : memref<!tpu.dma_semaphore, #tpu.memory_space<semaphore_mem>>)
    %dma_start3A_19 = arith.constant 1 : i32
    %dma_start3A_20 = arith.constant 1 : i32
    %dma_start3A_21 = arith.constant 1 : i32
    %dma_start3A_22 = arith.constant 0 : i32
    %dma_start3A_23 = arith.constant 0 : i32
    %dma_start3A_24 = tpu.memref_slice %arg6[%dma_start3A_20, %dma_start3A_22, %dma_start3A_23] : memref<8x128x64xf32, #tpu.memory_space<vmem>> -> memref<1x128x64xf32, #tpu.memory_space<vmem>>
    %dma_start3A_25 = tpu.memref_squeeze %dma_start3A_24 : memref<1x128x64xf32, #tpu.memory_space<vmem>> -> memref<128x64xf32, #tpu.memory_space<vmem>>
    %dma_start3A_26 = arith.constant 0 : i32
    %dma_start3A_27 = tpu.memref_slice %arg5[%dma_start3A_19, %dma_start3A_26] : memref<50x512xi32, #tpu.memory_space<vmem>> -> memref<1x128xi32, #tpu.memory_space<vmem>>
    %dma_start3A_28 = tpu.memref_squeeze %dma_start3A_27 : memref<1x128xi32, #tpu.memory_space<vmem>> -> memref<128xi32, #tpu.memory_space<vmem>>
    %dma_start3A_29 = arith.constant 0 : i32
    %dma_start3A_30 = arith.constant 0 : i32
    %dma_start3A_31 = tpu.memref_slice %arg2[%dma_start3A_29, %dma_start3A_30] : memref<1000000x64xf32, #tpu.memory_space<hbm>> -> memref<1000000x64xf32, #tpu.memory_space<hbm>>
    %dma_start3A_32 = tpu.memref_slice %arg7[%dma_start3A_21] : memref<8x!tpu.dma_semaphore, #tpu.memory_space<semaphore_mem>> -> memref<1x!tpu.dma_semaphore, #tpu.memory_space<semaphore_mem>>
    %dma_start3A_33 = tpu.memref_squeeze %dma_start3A_32 : memref<1x!tpu.dma_semaphore, #tpu.memory_space<semaphore_mem>> -> memref<!tpu.dma_semaphore, #tpu.memory_space<semaphore_mem>>
    tpu.enqueue_indirect_dma source(%dma_start3A_31 : memref<1000000x64xf32, #tpu.memory_space<hbm>>) target(%dma_start3A_25 : memref<128x64xf32, #tpu.memory_space<vmem>>) offsets(%dma_start3A_28 : memref<128xi32, #tpu.memory_space<vmem>>) semaphore(%dma_start3A_33 : memref<!tpu.dma_semaphore, #tpu.memory_space<semaphore_mem>>)
    %dma_start3A_34 = arith.constant 2 : i32
    %dma_start3A_35 = arith.constant 2 : i32
    %dma_start3A_36 = arith.constant 2 : i32
    %dma_start3A_37 = arith.constant 0 : i32
    %dma_start3A_38 = arith.constant 0 : i32
    %dma_start3A_39 = tpu.memref_slice %arg6[%dma_start3A_35, %dma_start3A_37, %dma_start3A_38] : memref<8x128x64xf32, #tpu.memory_space<vmem>> -> memref<1x128x64xf32, #tpu.memory_space<vmem>>
    %dma_start3A_40 = tpu.memref_squeeze %dma_start3A_39 : memref<1x128x64xf32, #tpu.memory_space<vmem>> -> memref<128x64xf32, #tpu.memory_space<vmem>>
    %dma_start3A_41 = arith.constant 0 : i32
    %dma_start3A_42 = tpu.memref_slice %arg5[%dma_start3A_34, %dma_start3A_41] : memref<50x512xi32, #tpu.memory_space<vmem>> -> memref<1x128xi32, #tpu.memory_space<vmem>>
    %dma_start3A_43 = tpu.memref_squeeze %dma_start3A_42 : memref<1x128xi32, #tpu.memory_space<vmem>> -> memref<128xi32, #tpu.memory_space<vmem>>
    %dma_start3A_44 = arith.constant 0 : i32
    %dma_start3A_45 = arith.constant 0 : i32
    %dma_start3A_46 = tpu.memref_slice %arg2[%dma_start3A_44, %dma_start3A_45] : memref<1000000x64xf32, #tpu.memory_space<hbm>> -> memref<1000000x64xf32, #tpu.memory_space<hbm>>
    %dma_start3A_47 = tpu.memref_slice %arg7[%dma_start3A_36] : memref<8x!tpu.dma_semaphore, #tpu.memory_space<semaphore_mem>> -> memref<1x!tpu.dma_semaphore, #tpu.memory_space<semaphore_mem>>
    %dma_start3A_48 = tpu.memref_squeeze %dma_start3A_47 : memref<1x!tpu.dma_semaphore, #tpu.memory_space<semaphore_mem>> -> memref<!tpu.dma_semaphore, #tpu.memory_space<semaphore_mem>>
    tpu.enqueue_indirect_dma source(%dma_start3A_46 : memref<1000000x64xf32, #tpu.memory_space<hbm>>) target(%dma_start3A_40 : memref<128x64xf32, #tpu.memory_space<vmem>>) offsets(%dma_start3A_43 : memref<128xi32, #tpu.memory_space<vmem>>) semaphore(%dma_start3A_48 : memref<!tpu.dma_semaphore, #tpu.memory_space<semaphore_mem>>)
    %dma_start3A_49 = arith.constant 3 : i32
    %dma_start3A_50 = arith.constant 3 : i32
    %dma_start3A_51 = arith.constant 3 : i32
    %dma_start3A_52 = arith.constant 0 : i32
    %dma_start3A_53 = arith.constant 0 : i32
    %dma_start3A_54 = tpu.memref_slice %arg6[%dma_start3A_50, %dma_start3A_52, %dma_start3A_53] : memref<8x128x64xf32, #tpu.memory_space<vmem>> -> memref<1x128x64xf32, #tpu.memory_space<vmem>>
    %dma_start3A_55 = tpu.memref_squeeze %dma_start3A_54 : memref<1x128x64xf32, #tpu.memory_space<vmem>> -> memref<128x64xf32, #tpu.memory_space<vmem>>
    %dma_start3A_56 = arith.constant 0 : i32
    %dma_start3A_57 = tpu.memref_slice %arg5[%dma_start3A_49, %dma_start3A_56] : memref<50x512xi32, #tpu.memory_space<vmem>> -> memref<1x128xi32, #tpu.memory_space<vmem>>
    %dma_start3A_58 = tpu.memref_squeeze %dma_start3A_57 : memref<1x128xi32, #tpu.memory_space<vmem>> -> memref<128xi32, #tpu.memory_space<vmem>>
    %dma_start3A_59 = arith.constant 0 : i32
    %dma_start3A_60 = arith.constant 0 : i32
    %dma_start3A_61 = tpu.memref_slice %arg2[%dma_start3A_59, %dma_start3A_60] : memref<1000000x64xf32, #tpu.memory_space<hbm>> -> memref<1000000x64xf32, #tpu.memory_space<hbm>>
    %dma_start3A_62 = tpu.memref_slice %arg7[%dma_start3A_51] : memref<8x!tpu.dma_semaphore, #tpu.memory_space<semaphore_mem>> -> memref<1x!tpu.dma_semaphore, #tpu.memory_space<semaphore_mem>>
    %dma_start3A_63 = tpu.memref_squeeze %dma_start3A_62 : memref<1x!tpu.dma_semaphore, #tpu.memory_space<semaphore_mem>> -> memref<!tpu.dma_semaphore, #tpu.memory_space<semaphore_mem>>
    tpu.enqueue_indirect_dma source(%dma_start3A_61 : memref<1000000x64xf32, #tpu.memory_space<hbm>>) target(%dma_start3A_55 : memref<128x64xf32, #tpu.memory_space<vmem>>) offsets(%dma_start3A_58 : memref<128xi32, #tpu.memory_space<vmem>>) semaphore(%dma_start3A_63 : memref<!tpu.dma_semaphore, #tpu.memory_space<semaphore_mem>>)
    %dma_start3A_64 = arith.constant 4 : i32
    %dma_start3A_65 = arith.constant 4 : i32
    %dma_start3A_66 = arith.constant 4 : i32
    %dma_start3A_67 = arith.constant 0 : i32
    %dma_start3A_68 = arith.constant 0 : i32
    %dma_start3A_69 = tpu.memref_slice %arg6[%dma_start3A_65, %dma_start3A_67, %dma_start3A_68] : memref<8x128x64xf32, #tpu.memory_space<vmem>> -> memref<1x128x64xf32, #tpu.memory_space<vmem>>
    %dma_start3A_70 = tpu.memref_squeeze %dma_start3A_69 : memref<1x128x64xf32, #tpu.memory_space<vmem>> -> memref<128x64xf32, #tpu.memory_space<vmem>>
    %dma_start3A_71 = arith.constant 0 : i32
    %dma_start3A_72 = tpu.memref_slice %arg5[%dma_start3A_64, %dma_start3A_71] : memref<50x512xi32, #tpu.memory_space<vmem>> -> memref<1x128xi32, #tpu.memory_space<vmem>>
    %dma_start3A_73 = tpu.memref_squeeze %dma_start3A_72 : memref<1x128xi32, #tpu.memory_space<vmem>> -> memref<128xi32, #tpu.memory_space<vmem>>
    %dma_start3A_74 = arith.constant 0 : i32
    %dma_start3A_75 = arith.constant 0 : i32
    %dma_start3A_76 = tpu.memref_slice %arg2[%dma_start3A_74, %dma_start3A_75] : memref<1000000x64xf32, #tpu.memory_space<hbm>> -> memref<1000000x64xf32, #tpu.memory_space<hbm>>
    %dma_start3A_77 = tpu.memref_slice %arg7[%dma_start3A_66] : memref<8x!tpu.dma_semaphore, #tpu.memory_space<semaphore_mem>> -> memref<1x!tpu.dma_semaphore, #tpu.memory_space<semaphore_mem>>
    %dma_start3A_78 = tpu.memref_squeeze %dma_start3A_77 : memref<1x!tpu.dma_semaphore, #tpu.memory_space<semaphore_mem>> -> memref<!tpu.dma_semaphore, #tpu.memory_space<semaphore_mem>>
    tpu.enqueue_indirect_dma source(%dma_start3A_76 : memref<1000000x64xf32, #tpu.memory_space<hbm>>) target(%dma_start3A_70 : memref<128x64xf32, #tpu.memory_space<vmem>>) offsets(%dma_start3A_73 : memref<128xi32, #tpu.memory_space<vmem>>) semaphore(%dma_start3A_78 : memref<!tpu.dma_semaphore, #tpu.memory_space<semaphore_mem>>)
    %dma_start3A_79 = arith.constant 5 : i32
    %dma_start3A_80 = arith.constant 5 : i32
    %dma_start3A_81 = arith.constant 5 : i32
    %dma_start3A_82 = arith.constant 0 : i32
    %dma_start3A_83 = arith.constant 0 : i32
    %dma_start3A_84 = tpu.memref_slice %arg6[%dma_start3A_80, %dma_start3A_82, %dma_start3A_83] : memref<8x128x64xf32, #tpu.memory_space<vmem>> -> memref<1x128x64xf32, #tpu.memory_space<vmem>>
    %dma_start3A_85 = tpu.memref_squeeze %dma_start3A_84 : memref<1x128x64xf32, #tpu.memory_space<vmem>> -> memref<128x64xf32, #tpu.memory_space<vmem>>
    %dma_start3A_86 = arith.constant 0 : i32
    %dma_start3A_87 = tpu.memref_slice %arg5[%dma_start3A_79, %dma_start3A_86] : memref<50x512xi32, #tpu.memory_space<vmem>> -> memref<1x128xi32, #tpu.memory_space<vmem>>
    %dma_start3A_88 = tpu.memref_squeeze %dma_start3A_87 : memref<1x128xi32, #tpu.memory_space<vmem>> -> memref<128xi32, #tpu.memory_space<vmem>>
    %dma_start3A_89 = arith.constant 0 : i32
    %dma_start3A_90 = arith.constant 0 : i32
    %dma_start3A_91 = tpu.memref_slice %arg2[%dma_start3A_89, %dma_start3A_90] : memref<1000000x64xf32, #tpu.memory_space<hbm>> -> memref<1000000x64xf32, #tpu.memory_space<hbm>>
    %dma_start3A_92 = tpu.memref_slice %arg7[%dma_start3A_81] : memref<8x!tpu.dma_semaphore, #tpu.memory_space<semaphore_mem>> -> memref<1x!tpu.dma_semaphore, #tpu.memory_space<semaphore_mem>>
    %dma_start3A_93 = tpu.memref_squeeze %dma_start3A_92 : memref<1x!tpu.dma_semaphore, #tpu.memory_space<semaphore_mem>> -> memref<!tpu.dma_semaphore, #tpu.memory_space<semaphore_mem>>
    tpu.enqueue_indirect_dma source(%dma_start3A_91 : memref<1000000x64xf32, #tpu.memory_space<hbm>>) target(%dma_start3A_85 : memref<128x64xf32, #tpu.memory_space<vmem>>) offsets(%dma_start3A_88 : memref<128xi32, #tpu.memory_space<vmem>>) semaphore(%dma_start3A_93 : memref<!tpu.dma_semaphore, #tpu.memory_space<semaphore_mem>>)
    %dma_start3A_94 = arith.constant 6 : i32
    %dma_start3A_95 = arith.constant 6 : i32
    %dma_start3A_96 = arith.constant 6 : i32
    %dma_start3A_97 = arith.constant 0 : i32
    %dma_start3A_98 = arith.constant 0 : i32
    %dma_start3A_99 = tpu.memref_slice %arg6[%dma_start3A_95, %dma_start3A_97, %dma_start3A_98] : memref<8x128x64xf32, #tpu.memory_space<vmem>> -> memref<1x128x64xf32, #tpu.memory_space<vmem>>
    %dma_start3A_100 = tpu.memref_squeeze %dma_start3A_99 : memref<1x128x64xf32, #tpu.memory_space<vmem>> -> memref<128x64xf32, #tpu.memory_space<vmem>>
    %dma_start3A_101 = arith.constant 0 : i32
    %dma_start3A_102 = tpu.memref_slice %arg5[%dma_start3A_94, %dma_start3A_101] : memref<50x512xi32, #tpu.memory_space<vmem>> -> memref<1x128xi32, #tpu.memory_space<vmem>>
    %dma_start3A_103 = tpu.memref_squeeze %dma_start3A_102 : memref<1x128xi32, #tpu.memory_space<vmem>> -> memref<128xi32, #tpu.memory_space<vmem>>
    %dma_start3A_104 = arith.constant 0 : i32
    %dma_start3A_105 = arith.constant 0 : i32
    %dma_start3A_106 = tpu.memref_slice %arg2[%dma_start3A_104, %dma_start3A_105] : memref<1000000x64xf32, #tpu.memory_space<hbm>> -> memref<1000000x64xf32, #tpu.memory_space<hbm>>
    %dma_start3A_107 = tpu.memref_slice %arg7[%dma_start3A_96] : memref<8x!tpu.dma_semaphore, #tpu.memory_space<semaphore_mem>> -> memref<1x!tpu.dma_semaphore, #tpu.memory_space<semaphore_mem>>
    %dma_start3A_108 = tpu.memref_squeeze %dma_start3A_107 : memref<1x!tpu.dma_semaphore, #tpu.memory_space<semaphore_mem>> -> memref<!tpu.dma_semaphore, #tpu.memory_space<semaphore_mem>>
    tpu.enqueue_indirect_dma source(%dma_start3A_106 : memref<1000000x64xf32, #tpu.memory_space<hbm>>) target(%dma_start3A_100 : memref<128x64xf32, #tpu.memory_space<vmem>>) offsets(%dma_start3A_103 : memref<128xi32, #tpu.memory_space<vmem>>) semaphore(%dma_start3A_108 : memref<!tpu.dma_semaphore, #tpu.memory_space<semaphore_mem>>)
    %dma_start3A_109 = arith.constant 7 : i32
    %dma_start3A_110 = arith.constant 7 : i32
    %dma_start3A_111 = arith.constant 7 : i32
    %dma_start3A_112 = arith.constant 0 : i32
    %dma_start3A_113 = arith.constant 0 : i32
    %dma_start3A_114 = tpu.memref_slice %arg6[%dma_start3A_110, %dma_start3A_112, %dma_start3A_113] : memref<8x128x64xf32, #tpu.memory_space<vmem>> -> memref<1x128x64xf32, #tpu.memory_space<vmem>>
    %dma_start3A_115 = tpu.memref_squeeze %dma_start3A_114 : memref<1x128x64xf32, #tpu.memory_space<vmem>> -> memref<128x64xf32, #tpu.memory_space<vmem>>
    %dma_start3A_116 = arith.constant 0 : i32
    %dma_start3A_117 = tpu.memref_slice %arg5[%dma_start3A_109, %dma_start3A_116] : memref<50x512xi32, #tpu.memory_space<vmem>> -> memref<1x128xi32, #tpu.memory_space<vmem>>
    %dma_start3A_118 = tpu.memref_squeeze %dma_start3A_117 : memref<1x128xi32, #tpu.memory_space<vmem>> -> memref<128xi32, #tpu.memory_space<vmem>>
    %dma_start3A_119 = arith.constant 0 : i32
    %dma_start3A_120 = arith.constant 0 : i32
    %dma_start3A_121 = tpu.memref_slice %arg2[%dma_start3A_119, %dma_start3A_120] : memref<1000000x64xf32, #tpu.memory_space<hbm>> -> memref<1000000x64xf32, #tpu.memory_space<hbm>>
    %dma_start3A_122 = tpu.memref_slice %arg7[%dma_start3A_111] : memref<8x!tpu.dma_semaphore, #tpu.memory_space<semaphore_mem>> -> memref<1x!tpu.dma_semaphore, #tpu.memory_space<semaphore_mem>>
    %dma_start3A_123 = tpu.memref_squeeze %dma_start3A_122 : memref<1x!tpu.dma_semaphore, #tpu.memory_space<semaphore_mem>> -> memref<!tpu.dma_semaphore, #tpu.memory_space<semaphore_mem>>
    tpu.enqueue_indirect_dma source(%dma_start3A_121 : memref<1000000x64xf32, #tpu.memory_space<hbm>>) target(%dma_start3A_115 : memref<128x64xf32, #tpu.memory_space<vmem>>) offsets(%dma_start3A_118 : memref<128xi32, #tpu.memory_space<vmem>>) semaphore(%dma_start3A_123 : memref<!tpu.dma_semaphore, #tpu.memory_space<semaphore_mem>>)
    %scan3A = arith.constant 0 : i32
    %scan3A_124 = arith.constant 0 : i32
    %scan3A_125 = arith.constant 24 : i32
    %scan3A_126 = arith.addi %scan3A_124, %scan3A_125 : i32
    %scan3A_127 = arith.constant 1 : i32
    scf.for %scan3A_584 = %scan3A_124 to %scan3A_126 step %scan3A_127  : i32 {
      %mul3A_585 = arith.constant 8 : i32
      %mul3A_586 = arith.muli %scan3A_584, %mul3A_585 : i32
      %dma_wait3A_587 = arith.constant 0 : i32
      %dma_wait3A_588 = arith.constant 0 : i32
      %dma_wait3A_589 = arith.constant 0 : i32
      %dma_wait3A_590 = arith.constant 0 : i32
      %dma_wait3A_591 = tpu.memref_slice %arg6[%dma_wait3A_587, %dma_wait3A_589, %dma_wait3A_590] : memref<8x128x64xf32, #tpu.memory_space<vmem>> -> memref<1x128x64xf32, #tpu.memory_space<vmem>>
      %dma_wait3A_592 = tpu.memref_squeeze %dma_wait3A_591 : memref<1x128x64xf32, #tpu.memory_space<vmem>> -> memref<128x64xf32, #tpu.memory_space<vmem>>
      %dma_wait3A_593 = arith.constant 0 : i32
      %dma_wait3A_594 = arith.constant 0 : i32
      %dma_wait3A_595 = tpu.memref_slice %arg2[%dma_wait3A_593, %dma_wait3A_594] : memref<1000000x64xf32, #tpu.memory_space<hbm>> -> memref<128x64xf32, #tpu.memory_space<hbm>>
      %dma_wait3A_596 = tpu.memref_slice %arg7[%dma_wait3A_588] : memref<8x!tpu.dma_semaphore, #tpu.memory_space<semaphore_mem>> -> memref<1x!tpu.dma_semaphore, #tpu.memory_space<semaphore_mem>>
      %dma_wait3A_597 = tpu.memref_squeeze %dma_wait3A_596 : memref<1x!tpu.dma_semaphore, #tpu.memory_space<semaphore_mem>> -> memref<!tpu.dma_semaphore, #tpu.memory_space<semaphore_mem>>
      %dma_wait3A_598 = arith.constant 0 : i32
      %dma_wait3A_599 = arith.constant 0 : i32
      %dma_wait3A_600 = tpu.memref_slice %arg6[%dma_wait3A_587, %dma_wait3A_598, %dma_wait3A_599] : memref<8x128x64xf32, #tpu.memory_space<vmem>> -> memref<1x128x64xf32, #tpu.memory_space<vmem>>
      %dma_wait3A_601 = tpu.memref_squeeze %dma_wait3A_600 : memref<1x128x64xf32, #tpu.memory_space<vmem>> -> memref<128x64xf32, #tpu.memory_space<vmem>>
      %dma_wait3A_602 = arith.constant 0 : i32
      %dma_wait3A_603 = arith.constant 0 : i32
      %dma_wait3A_604 = tpu.memref_slice %arg2[%dma_wait3A_602, %dma_wait3A_603] : memref<1000000x64xf32, #tpu.memory_space<hbm>> -> memref<128x64xf32, #tpu.memory_space<hbm>>
      tpu.wait_dma2 semaphore(%dma_wait3A_597 : memref<!tpu.dma_semaphore, #tpu.memory_space<semaphore_mem>>) src(%dma_wait3A_604 : memref<128x64xf32, #tpu.memory_space<hbm>>) dst(%dma_wait3A_601 : memref<128x64xf32, #tpu.memory_space<vmem>>)
      %add3A_605 = arith.constant 0 : i32
      %add3A_606 = arith.addi %mul3A_586, %add3A_605 : i32
      %jit3A = arith.constant 50 : i32
      %div3A = arith.divsi %add3A_606, %jit3A : i32
      %sign3A = arith.constant 0 : i32
      %sign3A_607 = arith.cmpi sgt, %add3A_606, %sign3A : i32
      %sign3A_608 = arith.extui %sign3A_607 : i1 to i32
      %sign3A_609 = arith.constant 0 : i32
      %sign3A_610 = arith.cmpi slt, %add3A_606, %sign3A_609 : i32
      %sign3A_611 = arith.extui %sign3A_610 : i1 to i32
      %sign3A_612 = arith.subi %sign3A_608, %sign3A_611 : i32
      %sign3A_613 = arith.constant 0 : i32
      %sign3A_614 = arith.cmpi sgt, %jit3A, %sign3A_613 : i32
      %sign3A_615 = arith.extui %sign3A_614 : i1 to i32
      %sign3A_616 = arith.constant 0 : i32
      %sign3A_617 = arith.cmpi slt, %jit3A, %sign3A_616 : i32
      %sign3A_618 = arith.extui %sign3A_617 : i1 to i32
      %sign3A_619 = arith.subi %sign3A_615, %sign3A_618 : i32
      %ne3A = arith.cmpi ne, %sign3A_612, %sign3A_619 : i32
      %rem3A = arith.remsi %add3A_606, %jit3A : i32
      %ne3A_620 = arith.constant 0 : i32
      %ne3A_621 = arith.cmpi ne, %rem3A, %ne3A_620 : i32
      %and3A = arith.andi %ne3A, %ne3A_621 : i1
      %sub3A = arith.constant 1 : i32
      %sub3A_622 = arith.subi %div3A, %sub3A : i32
      %select_n3A = arith.select %and3A, %sub3A_622, %div3A : i32
      %mul3A_623 = arith.constant 50 : i32
      %mul3A_624 = arith.muli %select_n3A, %mul3A_623 : i32
      %sub3A_625 = arith.subi %add3A_606, %mul3A_624 : i32
      %mul3A_626 = arith.constant 128 : i32
      %mul3A_627 = arith.muli %select_n3A, %mul3A_626 : i32
      %add3A_628 = arith.addi %mul3A_4, %mul3A_627 : i32
      %dma_start3A_629 = arith.constant 0 : i32
      %dma_start3A_630 = arith.constant 0 : i32
      %dma_start3A_631 = arith.constant 0 : i32
      %dma_start3A_632 = arith.constant 0 : i32
      %dma_start3A_633 = tpu.memref_slice %arg6[%dma_start3A_629, %dma_start3A_631, %dma_start3A_632] : memref<8x128x64xf32, #tpu.memory_space<vmem>> -> memref<1x128x64xf32, #tpu.memory_space<vmem>>
      %dma_start3A_634 = tpu.memref_squeeze %dma_start3A_633 : memref<1x128x64xf32, #tpu.memory_space<vmem>> -> memref<128x64xf32, #tpu.memory_space<vmem>>
      %dma_start3A_635 = arith.constant 0 : i32
      %dma_start3A_636 = tpu.memref_slice %arg4[%add3A_628, %sub3A_625, %dma_start3A_635] : memref<16384x56x128xf32, #tpu.memory_space<hbm>> -> memref<128x1x64xf32, #tpu.memory_space<hbm>>
      %dma_start3A_637 = tpu.memref_squeeze %dma_start3A_636 : memref<128x1x64xf32, #tpu.memory_space<hbm>> -> memref<128x64xf32, #tpu.memory_space<hbm>>
      %dma_start3A_638 = tpu.memref_slice %arg8[%dma_start3A_630] : memref<8x!tpu.dma_semaphore, #tpu.memory_space<semaphore_mem>> -> memref<1x!tpu.dma_semaphore, #tpu.memory_space<semaphore_mem>>
      %dma_start3A_639 = tpu.memref_squeeze %dma_start3A_638 : memref<1x!tpu.dma_semaphore, #tpu.memory_space<semaphore_mem>> -> memref<!tpu.dma_semaphore, #tpu.memory_space<semaphore_mem>>
      %dma_start3A_640 = arith.constant 0 : i32
      %dma_start3A_641 = tpu.memref_slice %arg4[%add3A_628, %sub3A_625, %dma_start3A_640] : memref<16384x56x128xf32, #tpu.memory_space<hbm>> -> memref<128x1x64xf32, #tpu.memory_space<hbm>>
      %dma_start3A_642 = tpu.memref_squeeze %dma_start3A_641 : memref<128x1x64xf32, #tpu.memory_space<hbm>> -> memref<128x64xf32, #tpu.memory_space<hbm>>
      %dma_start3A_643 = arith.constant 0 : i32
      %dma_start3A_644 = arith.constant 0 : i32
      %dma_start3A_645 = tpu.memref_slice %arg6[%dma_start3A_629, %dma_start3A_643, %dma_start3A_644] : memref<8x128x64xf32, #tpu.memory_space<vmem>> -> memref<1x128x64xf32, #tpu.memory_space<vmem>>
      %dma_start3A_646 = tpu.memref_squeeze %dma_start3A_645 : memref<1x128x64xf32, #tpu.memory_space<vmem>> -> memref<128x64xf32, #tpu.memory_space<vmem>>
      tpu.enqueue_dma source(%dma_start3A_646 : memref<128x64xf32, #tpu.memory_space<vmem>>) target(%dma_start3A_642 : memref<128x64xf32, #tpu.memory_space<hbm>>) target_semaphore(%dma_start3A_639 : memref<!tpu.dma_semaphore, #tpu.memory_space<semaphore_mem>>)
      %dma_wait3A_647 = arith.constant 1 : i32
      %dma_wait3A_648 = arith.constant 1 : i32
      %dma_wait3A_649 = arith.constant 0 : i32
      %dma_wait3A_650 = arith.constant 0 : i32
      %dma_wait3A_651 = tpu.memref_slice %arg6[%dma_wait3A_647, %dma_wait3A_649, %dma_wait3A_650] : memref<8x128x64xf32, #tpu.memory_space<vmem>> -> memref<1x128x64xf32, #tpu.memory_space<vmem>>
      %dma_wait3A_652 = tpu.memref_squeeze %dma_wait3A_651 : memref<1x128x64xf32, #tpu.memory_space<vmem>> -> memref<128x64xf32, #tpu.memory_space<vmem>>
      %dma_wait3A_653 = arith.constant 0 : i32
      %dma_wait3A_654 = arith.constant 0 : i32
      %dma_wait3A_655 = tpu.memref_slice %arg2[%dma_wait3A_653, %dma_wait3A_654] : memref<1000000x64xf32, #tpu.memory_space<hbm>> -> memref<128x64xf32, #tpu.memory_space<hbm>>
      %dma_wait3A_656 = tpu.memref_slice %arg7[%dma_wait3A_648] : memref<8x!tpu.dma_semaphore, #tpu.memory_space<semaphore_mem>> -> memref<1x!tpu.dma_semaphore, #tpu.memory_space<semaphore_mem>>
      %dma_wait3A_657 = tpu.memref_squeeze %dma_wait3A_656 : memref<1x!tpu.dma_semaphore, #tpu.memory_space<semaphore_mem>> -> memref<!tpu.dma_semaphore, #tpu.memory_space<semaphore_mem>>
      %dma_wait3A_658 = arith.constant 0 : i32
      %dma_wait3A_659 = arith.constant 0 : i32
      %dma_wait3A_660 = tpu.memref_slice %arg6[%dma_wait3A_647, %dma_wait3A_658, %dma_wait3A_659] : memref<8x128x64xf32, #tpu.memory_space<vmem>> -> memref<1x128x64xf32, #tpu.memory_space<vmem>>
      %dma_wait3A_661 = tpu.memref_squeeze %dma_wait3A_660 : memref<1x128x64xf32, #tpu.memory_space<vmem>> -> memref<128x64xf32, #tpu.memory_space<vmem>>
      %dma_wait3A_662 = arith.constant 0 : i32
      %dma_wait3A_663 = arith.constant 0 : i32
      %dma_wait3A_664 = tpu.memref_slice %arg2[%dma_wait3A_662, %dma_wait3A_663] : memref<1000000x64xf32, #tpu.memory_space<hbm>> -> memref<128x64xf32, #tpu.memory_space<hbm>>
      tpu.wait_dma2 semaphore(%dma_wait3A_657 : memref<!tpu.dma_semaphore, #tpu.memory_space<semaphore_mem>>) src(%dma_wait3A_664 : memref<128x64xf32, #tpu.memory_space<hbm>>) dst(%dma_wait3A_661 : memref<128x64xf32, #tpu.memory_space<vmem>>)
      %add3A_665 = arith.constant 1 : i32
      %add3A_666 = arith.addi %mul3A_586, %add3A_665 : i32
      %jit3A_667 = arith.constant 50 : i32
      %div3A_668 = arith.divsi %add3A_666, %jit3A_667 : i32
      %sign3A_669 = arith.constant 0 : i32
      %sign3A_670 = arith.cmpi sgt, %add3A_666, %sign3A_669 : i32
      %sign3A_671 = arith.extui %sign3A_670 : i1 to i32
      %sign3A_672 = arith.constant 0 : i32
      %sign3A_673 = arith.cmpi slt, %add3A_666, %sign3A_672 : i32
      %sign3A_674 = arith.extui %sign3A_673 : i1 to i32
      %sign3A_675 = arith.subi %sign3A_671, %sign3A_674 : i32
      %sign3A_676 = arith.constant 0 : i32
      %sign3A_677 = arith.cmpi sgt, %jit3A_667, %sign3A_676 : i32
      %sign3A_678 = arith.extui %sign3A_677 : i1 to i32
      %sign3A_679 = arith.constant 0 : i32
      %sign3A_680 = arith.cmpi slt, %jit3A_667, %sign3A_679 : i32
      %sign3A_681 = arith.extui %sign3A_680 : i1 to i32
      %sign3A_682 = arith.subi %sign3A_678, %sign3A_681 : i32
      %ne3A_683 = arith.cmpi ne, %sign3A_675, %sign3A_682 : i32
      %rem3A_684 = arith.remsi %add3A_666, %jit3A_667 : i32
      %ne3A_685 = arith.constant 0 : i32
      %ne3A_686 = arith.cmpi ne, %rem3A_684, %ne3A_685 : i32
      %and3A_687 = arith.andi %ne3A_683, %ne3A_686 : i1
      %sub3A_688 = arith.constant 1 : i32
      %sub3A_689 = arith.subi %div3A_668, %sub3A_688 : i32
      %select_n3A_690 = arith.select %and3A_687, %sub3A_689, %div3A_668 : i32
      %mul3A_691 = arith.constant 50 : i32
      %mul3A_692 = arith.muli %select_n3A_690, %mul3A_691 : i32
      %sub3A_693 = arith.subi %add3A_666, %mul3A_692 : i32
      %mul3A_694 = arith.constant 128 : i32
      %mul3A_695 = arith.muli %select_n3A_690, %mul3A_694 : i32
      %add3A_696 = arith.addi %mul3A_4, %mul3A_695 : i32
      %dma_start3A_697 = arith.constant 1 : i32
      %dma_start3A_698 = arith.constant 1 : i32
      %dma_start3A_699 = arith.constant 0 : i32
      %dma_start3A_700 = arith.constant 0 : i32
      %dma_start3A_701 = tpu.memref_slice %arg6[%dma_start3A_697, %dma_start3A_699, %dma_start3A_700] : memref<8x128x64xf32, #tpu.memory_space<vmem>> -> memref<1x128x64xf32, #tpu.memory_space<vmem>>
      %dma_start3A_702 = tpu.memref_squeeze %dma_start3A_701 : memref<1x128x64xf32, #tpu.memory_space<vmem>> -> memref<128x64xf32, #tpu.memory_space<vmem>>
      %dma_start3A_703 = arith.constant 0 : i32
      %dma_start3A_704 = tpu.memref_slice %arg4[%add3A_696, %sub3A_693, %dma_start3A_703] : memref<16384x56x128xf32, #tpu.memory_space<hbm>> -> memref<128x1x64xf32, #tpu.memory_space<hbm>>
      %dma_start3A_705 = tpu.memref_squeeze %dma_start3A_704 : memref<128x1x64xf32, #tpu.memory_space<hbm>> -> memref<128x64xf32, #tpu.memory_space<hbm>>
      %dma_start3A_706 = tpu.memref_slice %arg8[%dma_start3A_698] : memref<8x!tpu.dma_semaphore, #tpu.memory_space<semaphore_mem>> -> memref<1x!tpu.dma_semaphore, #tpu.memory_space<semaphore_mem>>
      %dma_start3A_707 = tpu.memref_squeeze %dma_start3A_706 : memref<1x!tpu.dma_semaphore, #tpu.memory_space<semaphore_mem>> -> memref<!tpu.dma_semaphore, #tpu.memory_space<semaphore_mem>>
      %dma_start3A_708 = arith.constant 0 : i32
      %dma_start3A_709 = tpu.memref_slice %arg4[%add3A_696, %sub3A_693, %dma_start3A_708] : memref<16384x56x128xf32, #tpu.memory_space<hbm>> -> memref<128x1x64xf32, #tpu.memory_space<hbm>>
      %dma_start3A_710 = tpu.memref_squeeze %dma_start3A_709 : memref<128x1x64xf32, #tpu.memory_space<hbm>> -> memref<128x64xf32, #tpu.memory_space<hbm>>
      %dma_start3A_711 = arith.constant 0 : i32
      %dma_start3A_712 = arith.constant 0 : i32
      %dma_start3A_713 = tpu.memref_slice %arg6[%dma_start3A_697, %dma_start3A_711, %dma_start3A_712] : memref<8x128x64xf32, #tpu.memory_space<vmem>> -> memref<1x128x64xf32, #tpu.memory_space<vmem>>
      %dma_start3A_714 = tpu.memref_squeeze %dma_start3A_713 : memref<1x128x64xf32, #tpu.memory_space<vmem>> -> memref<128x64xf32, #tpu.memory_space<vmem>>
      tpu.enqueue_dma source(%dma_start3A_714 : memref<128x64xf32, #tpu.memory_space<vmem>>) target(%dma_start3A_710 : memref<128x64xf32, #tpu.memory_space<hbm>>) target_semaphore(%dma_start3A_707 : memref<!tpu.dma_semaphore, #tpu.memory_space<semaphore_mem>>)
      %dma_wait3A_715 = arith.constant 2 : i32
      %dma_wait3A_716 = arith.constant 2 : i32
      %dma_wait3A_717 = arith.constant 0 : i32
      %dma_wait3A_718 = arith.constant 0 : i32
      %dma_wait3A_719 = tpu.memref_slice %arg6[%dma_wait3A_715, %dma_wait3A_717, %dma_wait3A_718] : memref<8x128x64xf32, #tpu.memory_space<vmem>> -> memref<1x128x64xf32, #tpu.memory_space<vmem>>
      %dma_wait3A_720 = tpu.memref_squeeze %dma_wait3A_719 : memref<1x128x64xf32, #tpu.memory_space<vmem>> -> memref<128x64xf32, #tpu.memory_space<vmem>>
      %dma_wait3A_721 = arith.constant 0 : i32
      %dma_wait3A_722 = arith.constant 0 : i32
      %dma_wait3A_723 = tpu.memref_slice %arg2[%dma_wait3A_721, %dma_wait3A_722] : memref<1000000x64xf32, #tpu.memory_space<hbm>> -> memref<128x64xf32, #tpu.memory_space<hbm>>
      %dma_wait3A_724 = tpu.memref_slice %arg7[%dma_wait3A_716] : memref<8x!tpu.dma_semaphore, #tpu.memory_space<semaphore_mem>> -> memref<1x!tpu.dma_semaphore, #tpu.memory_space<semaphore_mem>>
      %dma_wait3A_725 = tpu.memref_squeeze %dma_wait3A_724 : memref<1x!tpu.dma_semaphore, #tpu.memory_space<semaphore_mem>> -> memref<!tpu.dma_semaphore, #tpu.memory_space<semaphore_mem>>
      %dma_wait3A_726 = arith.constant 0 : i32
      %dma_wait3A_727 = arith.constant 0 : i32
      %dma_wait3A_728 = tpu.memref_slice %arg6[%dma_wait3A_715, %dma_wait3A_726, %dma_wait3A_727] : memref<8x128x64xf32, #tpu.memory_space<vmem>> -> memref<1x128x64xf32, #tpu.memory_space<vmem>>
      %dma_wait3A_729 = tpu.memref_squeeze %dma_wait3A_728 : memref<1x128x64xf32, #tpu.memory_space<vmem>> -> memref<128x64xf32, #tpu.memory_space<vmem>>
      %dma_wait3A_730 = arith.constant 0 : i32
      %dma_wait3A_731 = arith.constant 0 : i32
      %dma_wait3A_732 = tpu.memref_slice %arg2[%dma_wait3A_730, %dma_wait3A_731] : memref<1000000x64xf32, #tpu.memory_space<hbm>> -> memref<128x64xf32, #tpu.memory_space<hbm>>
      tpu.wait_dma2 semaphore(%dma_wait3A_725 : memref<!tpu.dma_semaphore, #tpu.memory_space<semaphore_mem>>) src(%dma_wait3A_732 : memref<128x64xf32, #tpu.memory_space<hbm>>) dst(%dma_wait3A_729 : memref<128x64xf32, #tpu.memory_space<vmem>>)
      %add3A_733 = arith.constant 2 : i32
      %add3A_734 = arith.addi %mul3A_586, %add3A_733 : i32
      %jit3A_735 = arith.constant 50 : i32
      %div3A_736 = arith.divsi %add3A_734, %jit3A_735 : i32
      %sign3A_737 = arith.constant 0 : i32
      %sign3A_738 = arith.cmpi sgt, %add3A_734, %sign3A_737 : i32
      %sign3A_739 = arith.extui %sign3A_738 : i1 to i32
      %sign3A_740 = arith.constant 0 : i32
      %sign3A_741 = arith.cmpi slt, %add3A_734, %sign3A_740 : i32
      %sign3A_742 = arith.extui %sign3A_741 : i1 to i32
      %sign3A_743 = arith.subi %sign3A_739, %sign3A_742 : i32
      %sign3A_744 = arith.constant 0 : i32
      %sign3A_745 = arith.cmpi sgt, %jit3A_735, %sign3A_744 : i32
      %sign3A_746 = arith.extui %sign3A_745 : i1 to i32
      %sign3A_747 = arith.constant 0 : i32
      %sign3A_748 = arith.cmpi slt, %jit3A_735, %sign3A_747 : i32
      %sign3A_749 = arith.extui %sign3A_748 : i1 to i32
      %sign3A_750 = arith.subi %sign3A_746, %sign3A_749 : i32
      %ne3A_751 = arith.cmpi ne, %sign3A_743, %sign3A_750 : i32
      %rem3A_752 = arith.remsi %add3A_734, %jit3A_735 : i32
      %ne3A_753 = arith.constant 0 : i32
      %ne3A_754 = arith.cmpi ne, %rem3A_752, %ne3A_753 : i32
      %and3A_755 = arith.andi %ne3A_751, %ne3A_754 : i1
      %sub3A_756 = arith.constant 1 : i32
      %sub3A_757 = arith.subi %div3A_736, %sub3A_756 : i32
      %select_n3A_758 = arith.select %and3A_755, %sub3A_757, %div3A_736 : i32
      %mul3A_759 = arith.constant 50 : i32
      %mul3A_760 = arith.muli %select_n3A_758, %mul3A_759 : i32
      %sub3A_761 = arith.subi %add3A_734, %mul3A_760 : i32
      %mul3A_762 = arith.constant 128 : i32
      %mul3A_763 = arith.muli %select_n3A_758, %mul3A_762 : i32
      %add3A_764 = arith.addi %mul3A_4, %mul3A_763 : i32
      %dma_start3A_765 = arith.constant 2 : i32
      %dma_start3A_766 = arith.constant 2 : i32
      %dma_start3A_767 = arith.constant 0 : i32
      %dma_start3A_768 = arith.constant 0 : i32
      %dma_start3A_769 = tpu.memref_slice %arg6[%dma_start3A_765, %dma_start3A_767, %dma_start3A_768] : memref<8x128x64xf32, #tpu.memory_space<vmem>> -> memref<1x128x64xf32, #tpu.memory_space<vmem>>
      %dma_start3A_770 = tpu.memref_squeeze %dma_start3A_769 : memref<1x128x64xf32, #tpu.memory_space<vmem>> -> memref<128x64xf32, #tpu.memory_space<vmem>>
      %dma_start3A_771 = arith.constant 0 : i32
      %dma_start3A_772 = tpu.memref_slice %arg4[%add3A_764, %sub3A_761, %dma_start3A_771] : memref<16384x56x128xf32, #tpu.memory_space<hbm>> -> memref<128x1x64xf32, #tpu.memory_space<hbm>>
      %dma_start3A_773 = tpu.memref_squeeze %dma_start3A_772 : memref<128x1x64xf32, #tpu.memory_space<hbm>> -> memref<128x64xf32, #tpu.memory_space<hbm>>
      %dma_start3A_774 = tpu.memref_slice %arg8[%dma_start3A_766] : memref<8x!tpu.dma_semaphore, #tpu.memory_space<semaphore_mem>> -> memref<1x!tpu.dma_semaphore, #tpu.memory_space<semaphore_mem>>
      %dma_start3A_775 = tpu.memref_squeeze %dma_start3A_774 : memref<1x!tpu.dma_semaphore, #tpu.memory_space<semaphore_mem>> -> memref<!tpu.dma_semaphore, #tpu.memory_space<semaphore_mem>>
      %dma_start3A_776 = arith.constant 0 : i32
      %dma_start3A_777 = tpu.memref_slice %arg4[%add3A_764, %sub3A_761, %dma_start3A_776] : memref<16384x56x128xf32, #tpu.memory_space<hbm>> -> memref<128x1x64xf32, #tpu.memory_space<hbm>>
      %dma_start3A_778 = tpu.memref_squeeze %dma_start3A_777 : memref<128x1x64xf32, #tpu.memory_space<hbm>> -> memref<128x64xf32, #tpu.memory_space<hbm>>
      %dma_start3A_779 = arith.constant 0 : i32
      %dma_start3A_780 = arith.constant 0 : i32
      %dma_start3A_781 = tpu.memref_slice %arg6[%dma_start3A_765, %dma_start3A_779, %dma_start3A_780] : memref<8x128x64xf32, #tpu.memory_space<vmem>> -> memref<1x128x64xf32, #tpu.memory_space<vmem>>
      %dma_start3A_782 = tpu.memref_squeeze %dma_start3A_781 : memref<1x128x64xf32, #tpu.memory_space<vmem>> -> memref<128x64xf32, #tpu.memory_space<vmem>>
      tpu.enqueue_dma source(%dma_start3A_782 : memref<128x64xf32, #tpu.memory_space<vmem>>) target(%dma_start3A_778 : memref<128x64xf32, #tpu.memory_space<hbm>>) target_semaphore(%dma_start3A_775 : memref<!tpu.dma_semaphore, #tpu.memory_space<semaphore_mem>>)
      %dma_wait3A_783 = arith.constant 3 : i32
      %dma_wait3A_784 = arith.constant 3 : i32
      %dma_wait3A_785 = arith.constant 0 : i32
      %dma_wait3A_786 = arith.constant 0 : i32
      %dma_wait3A_787 = tpu.memref_slice %arg6[%dma_wait3A_783, %dma_wait3A_785, %dma_wait3A_786] : memref<8x128x64xf32, #tpu.memory_space<vmem>> -> memref<1x128x64xf32, #tpu.memory_space<vmem>>
      %dma_wait3A_788 = tpu.memref_squeeze %dma_wait3A_787 : memref<1x128x64xf32, #tpu.memory_space<vmem>> -> memref<128x64xf32, #tpu.memory_space<vmem>>
      %dma_wait3A_789 = arith.constant 0 : i32
      %dma_wait3A_790 = arith.constant 0 : i32
      %dma_wait3A_791 = tpu.memref_slice %arg2[%dma_wait3A_789, %dma_wait3A_790] : memref<1000000x64xf32, #tpu.memory_space<hbm>> -> memref<128x64xf32, #tpu.memory_space<hbm>>
      %dma_wait3A_792 = tpu.memref_slice %arg7[%dma_wait3A_784] : memref<8x!tpu.dma_semaphore, #tpu.memory_space<semaphore_mem>> -> memref<1x!tpu.dma_semaphore, #tpu.memory_space<semaphore_mem>>
      %dma_wait3A_793 = tpu.memref_squeeze %dma_wait3A_792 : memref<1x!tpu.dma_semaphore, #tpu.memory_space<semaphore_mem>> -> memref<!tpu.dma_semaphore, #tpu.memory_space<semaphore_mem>>
      %dma_wait3A_794 = arith.constant 0 : i32
      %dma_wait3A_795 = arith.constant 0 : i32
      %dma_wait3A_796 = tpu.memref_slice %arg6[%dma_wait3A_783, %dma_wait3A_794, %dma_wait3A_795] : memref<8x128x64xf32, #tpu.memory_space<vmem>> -> memref<1x128x64xf32, #tpu.memory_space<vmem>>
      %dma_wait3A_797 = tpu.memref_squeeze %dma_wait3A_796 : memref<1x128x64xf32, #tpu.memory_space<vmem>> -> memref<128x64xf32, #tpu.memory_space<vmem>>
      %dma_wait3A_798 = arith.constant 0 : i32
      %dma_wait3A_799 = arith.constant 0 : i32
      %dma_wait3A_800 = tpu.memref_slice %arg2[%dma_wait3A_798, %dma_wait3A_799] : memref<1000000x64xf32, #tpu.memory_space<hbm>> -> memref<128x64xf32, #tpu.memory_space<hbm>>
      tpu.wait_dma2 semaphore(%dma_wait3A_793 : memref<!tpu.dma_semaphore, #tpu.memory_space<semaphore_mem>>) src(%dma_wait3A_800 : memref<128x64xf32, #tpu.memory_space<hbm>>) dst(%dma_wait3A_797 : memref<128x64xf32, #tpu.memory_space<vmem>>)
      %add3A_801 = arith.constant 3 : i32
      %add3A_802 = arith.addi %mul3A_586, %add3A_801 : i32
      %jit3A_803 = arith.constant 50 : i32
      %div3A_804 = arith.divsi %add3A_802, %jit3A_803 : i32
      %sign3A_805 = arith.constant 0 : i32
      %sign3A_806 = arith.cmpi sgt, %add3A_802, %sign3A_805 : i32
      %sign3A_807 = arith.extui %sign3A_806 : i1 to i32
      %sign3A_808 = arith.constant 0 : i32
      %sign3A_809 = arith.cmpi slt, %add3A_802, %sign3A_808 : i32
      %sign3A_810 = arith.extui %sign3A_809 : i1 to i32
      %sign3A_811 = arith.subi %sign3A_807, %sign3A_810 : i32
      %sign3A_812 = arith.constant 0 : i32
      %sign3A_813 = arith.cmpi sgt, %jit3A_803, %sign3A_812 : i32
      %sign3A_814 = arith.extui %sign3A_813 : i1 to i32
      %sign3A_815 = arith.constant 0 : i32
      %sign3A_816 = arith.cmpi slt, %jit3A_803, %sign3A_815 : i32
      %sign3A_817 = arith.extui %sign3A_816 : i1 to i32
      %sign3A_818 = arith.subi %sign3A_814, %sign3A_817 : i32
      %ne3A_819 = arith.cmpi ne, %sign3A_811, %sign3A_818 : i32
      %rem3A_820 = arith.remsi %add3A_802, %jit3A_803 : i32
      %ne3A_821 = arith.constant 0 : i32
      %ne3A_822 = arith.cmpi ne, %rem3A_820, %ne3A_821 : i32
      %and3A_823 = arith.andi %ne3A_819, %ne3A_822 : i1
      %sub3A_824 = arith.constant 1 : i32
      %sub3A_825 = arith.subi %div3A_804, %sub3A_824 : i32
      %select_n3A_826 = arith.select %and3A_823, %sub3A_825, %div3A_804 : i32
      %mul3A_827 = arith.constant 50 : i32
      %mul3A_828 = arith.muli %select_n3A_826, %mul3A_827 : i32
      %sub3A_829 = arith.subi %add3A_802, %mul3A_828 : i32
      %mul3A_830 = arith.constant 128 : i32
      %mul3A_831 = arith.muli %select_n3A_826, %mul3A_830 : i32
      %add3A_832 = arith.addi %mul3A_4, %mul3A_831 : i32
      %dma_start3A_833 = arith.constant 3 : i32
      %dma_start3A_834 = arith.constant 3 : i32
      %dma_start3A_835 = arith.constant 0 : i32
      %dma_start3A_836 = arith.constant 0 : i32
      %dma_start3A_837 = tpu.memref_slice %arg6[%dma_start3A_833, %dma_start3A_835, %dma_start3A_836] : memref<8x128x64xf32, #tpu.memory_space<vmem>> -> memref<1x128x64xf32, #tpu.memory_space<vmem>>
      %dma_start3A_838 = tpu.memref_squeeze %dma_start3A_837 : memref<1x128x64xf32, #tpu.memory_space<vmem>> -> memref<128x64xf32, #tpu.memory_space<vmem>>
      %dma_start3A_839 = arith.constant 0 : i32
      %dma_start3A_840 = tpu.memref_slice %arg4[%add3A_832, %sub3A_829, %dma_start3A_839] : memref<16384x56x128xf32, #tpu.memory_space<hbm>> -> memref<128x1x64xf32, #tpu.memory_space<hbm>>
      %dma_start3A_841 = tpu.memref_squeeze %dma_start3A_840 : memref<128x1x64xf32, #tpu.memory_space<hbm>> -> memref<128x64xf32, #tpu.memory_space<hbm>>
      %dma_start3A_842 = tpu.memref_slice %arg8[%dma_start3A_834] : memref<8x!tpu.dma_semaphore, #tpu.memory_space<semaphore_mem>> -> memref<1x!tpu.dma_semaphore, #tpu.memory_space<semaphore_mem>>
      %dma_start3A_843 = tpu.memref_squeeze %dma_start3A_842 : memref<1x!tpu.dma_semaphore, #tpu.memory_space<semaphore_mem>> -> memref<!tpu.dma_semaphore, #tpu.memory_space<semaphore_mem>>
      %dma_start3A_844 = arith.constant 0 : i32
      %dma_start3A_845 = tpu.memref_slice %arg4[%add3A_832, %sub3A_829, %dma_start3A_844] : memref<16384x56x128xf32, #tpu.memory_space<hbm>> -> memref<128x1x64xf32, #tpu.memory_space<hbm>>
      %dma_start3A_846 = tpu.memref_squeeze %dma_start3A_845 : memref<128x1x64xf32, #tpu.memory_space<hbm>> -> memref<128x64xf32, #tpu.memory_space<hbm>>
      %dma_start3A_847 = arith.constant 0 : i32
      %dma_start3A_848 = arith.constant 0 : i32
      %dma_start3A_849 = tpu.memref_slice %arg6[%dma_start3A_833, %dma_start3A_847, %dma_start3A_848] : memref<8x128x64xf32, #tpu.memory_space<vmem>> -> memref<1x128x64xf32, #tpu.memory_space<vmem>>
      %dma_start3A_850 = tpu.memref_squeeze %dma_start3A_849 : memref<1x128x64xf32, #tpu.memory_space<vmem>> -> memref<128x64xf32, #tpu.memory_space<vmem>>
      tpu.enqueue_dma source(%dma_start3A_850 : memref<128x64xf32, #tpu.memory_space<vmem>>) target(%dma_start3A_846 : memref<128x64xf32, #tpu.memory_space<hbm>>) target_semaphore(%dma_start3A_843 : memref<!tpu.dma_semaphore, #tpu.memory_space<semaphore_mem>>)
      %dma_wait3A_851 = arith.constant 4 : i32
      %dma_wait3A_852 = arith.constant 4 : i32
      %dma_wait3A_853 = arith.constant 0 : i32
      %dma_wait3A_854 = arith.constant 0 : i32
      %dma_wait3A_855 = tpu.memref_slice %arg6[%dma_wait3A_851, %dma_wait3A_853, %dma_wait3A_854] : memref<8x128x64xf32, #tpu.memory_space<vmem>> -> memref<1x128x64xf32, #tpu.memory_space<vmem>>
      %dma_wait3A_856 = tpu.memref_squeeze %dma_wait3A_855 : memref<1x128x64xf32, #tpu.memory_space<vmem>> -> memref<128x64xf32, #tpu.memory_space<vmem>>
      %dma_wait3A_857 = arith.constant 0 : i32
      %dma_wait3A_858 = arith.constant 0 : i32
      %dma_wait3A_859 = tpu.memref_slice %arg2[%dma_wait3A_857, %dma_wait3A_858] : memref<1000000x64xf32, #tpu.memory_space<hbm>> -> memref<128x64xf32, #tpu.memory_space<hbm>>
      %dma_wait3A_860 = tpu.memref_slice %arg7[%dma_wait3A_852] : memref<8x!tpu.dma_semaphore, #tpu.memory_space<semaphore_mem>> -> memref<1x!tpu.dma_semaphore, #tpu.memory_space<semaphore_mem>>
      %dma_wait3A_861 = tpu.memref_squeeze %dma_wait3A_860 : memref<1x!tpu.dma_semaphore, #tpu.memory_space<semaphore_mem>> -> memref<!tpu.dma_semaphore, #tpu.memory_space<semaphore_mem>>
      %dma_wait3A_862 = arith.constant 0 : i32
      %dma_wait3A_863 = arith.constant 0 : i32
      %dma_wait3A_864 = tpu.memref_slice %arg6[%dma_wait3A_851, %dma_wait3A_862, %dma_wait3A_863] : memref<8x128x64xf32, #tpu.memory_space<vmem>> -> memref<1x128x64xf32, #tpu.memory_space<vmem>>
      %dma_wait3A_865 = tpu.memref_squeeze %dma_wait3A_864 : memref<1x128x64xf32, #tpu.memory_space<vmem>> -> memref<128x64xf32, #tpu.memory_space<vmem>>
      %dma_wait3A_866 = arith.constant 0 : i32
      %dma_wait3A_867 = arith.constant 0 : i32
      %dma_wait3A_868 = tpu.memref_slice %arg2[%dma_wait3A_866, %dma_wait3A_867] : memref<1000000x64xf32, #tpu.memory_space<hbm>> -> memref<128x64xf32, #tpu.memory_space<hbm>>
      tpu.wait_dma2 semaphore(%dma_wait3A_861 : memref<!tpu.dma_semaphore, #tpu.memory_space<semaphore_mem>>) src(%dma_wait3A_868 : memref<128x64xf32, #tpu.memory_space<hbm>>) dst(%dma_wait3A_865 : memref<128x64xf32, #tpu.memory_space<vmem>>)
      %add3A_869 = arith.constant 4 : i32
      %add3A_870 = arith.addi %mul3A_586, %add3A_869 : i32
      %jit3A_871 = arith.constant 50 : i32
      %div3A_872 = arith.divsi %add3A_870, %jit3A_871 : i32
      %sign3A_873 = arith.constant 0 : i32
      %sign3A_874 = arith.cmpi sgt, %add3A_870, %sign3A_873 : i32
      %sign3A_875 = arith.extui %sign3A_874 : i1 to i32
      %sign3A_876 = arith.constant 0 : i32
      %sign3A_877 = arith.cmpi slt, %add3A_870, %sign3A_876 : i32
      %sign3A_878 = arith.extui %sign3A_877 : i1 to i32
      %sign3A_879 = arith.subi %sign3A_875, %sign3A_878 : i32
      %sign3A_880 = arith.constant 0 : i32
      %sign3A_881 = arith.cmpi sgt, %jit3A_871, %sign3A_880 : i32
      %sign3A_882 = arith.extui %sign3A_881 : i1 to i32
      %sign3A_883 = arith.constant 0 : i32
      %sign3A_884 = arith.cmpi slt, %jit3A_871, %sign3A_883 : i32
      %sign3A_885 = arith.extui %sign3A_884 : i1 to i32
      %sign3A_886 = arith.subi %sign3A_882, %sign3A_885 : i32
      %ne3A_887 = arith.cmpi ne, %sign3A_879, %sign3A_886 : i32
      %rem3A_888 = arith.remsi %add3A_870, %jit3A_871 : i32
      %ne3A_889 = arith.constant 0 : i32
      %ne3A_890 = arith.cmpi ne, %rem3A_888, %ne3A_889 : i32
      %and3A_891 = arith.andi %ne3A_887, %ne3A_890 : i1
      %sub3A_892 = arith.constant 1 : i32
      %sub3A_893 = arith.subi %div3A_872, %sub3A_892 : i32
      %select_n3A_894 = arith.select %and3A_891, %sub3A_893, %div3A_872 : i32
      %mul3A_895 = arith.constant 50 : i32
      %mul3A_896 = arith.muli %select_n3A_894, %mul3A_895 : i32
      %sub3A_897 = arith.subi %add3A_870, %mul3A_896 : i32
      %mul3A_898 = arith.constant 128 : i32
      %mul3A_899 = arith.muli %select_n3A_894, %mul3A_898 : i32
      %add3A_900 = arith.addi %mul3A_4, %mul3A_899 : i32
      %dma_start3A_901 = arith.constant 4 : i32
      %dma_start3A_902 = arith.constant 4 : i32
      %dma_start3A_903 = arith.constant 0 : i32
      %dma_start3A_904 = arith.constant 0 : i32
      %dma_start3A_905 = tpu.memref_slice %arg6[%dma_start3A_901, %dma_start3A_903, %dma_start3A_904] : memref<8x128x64xf32, #tpu.memory_space<vmem>> -> memref<1x128x64xf32, #tpu.memory_space<vmem>>
      %dma_start3A_906 = tpu.memref_squeeze %dma_start3A_905 : memref<1x128x64xf32, #tpu.memory_space<vmem>> -> memref<128x64xf32, #tpu.memory_space<vmem>>
      %dma_start3A_907 = arith.constant 0 : i32
      %dma_start3A_908 = tpu.memref_slice %arg4[%add3A_900, %sub3A_897, %dma_start3A_907] : memref<16384x56x128xf32, #tpu.memory_space<hbm>> -> memref<128x1x64xf32, #tpu.memory_space<hbm>>
      %dma_start3A_909 = tpu.memref_squeeze %dma_start3A_908 : memref<128x1x64xf32, #tpu.memory_space<hbm>> -> memref<128x64xf32, #tpu.memory_space<hbm>>
      %dma_start3A_910 = tpu.memref_slice %arg8[%dma_start3A_902] : memref<8x!tpu.dma_semaphore, #tpu.memory_space<semaphore_mem>> -> memref<1x!tpu.dma_semaphore, #tpu.memory_space<semaphore_mem>>
      %dma_start3A_911 = tpu.memref_squeeze %dma_start3A_910 : memref<1x!tpu.dma_semaphore, #tpu.memory_space<semaphore_mem>> -> memref<!tpu.dma_semaphore, #tpu.memory_space<semaphore_mem>>
      %dma_start3A_912 = arith.constant 0 : i32
      %dma_start3A_913 = tpu.memref_slice %arg4[%add3A_900, %sub3A_897, %dma_start3A_912] : memref<16384x56x128xf32, #tpu.memory_space<hbm>> -> memref<128x1x64xf32, #tpu.memory_space<hbm>>
      %dma_start3A_914 = tpu.memref_squeeze %dma_start3A_913 : memref<128x1x64xf32, #tpu.memory_space<hbm>> -> memref<128x64xf32, #tpu.memory_space<hbm>>
      %dma_start3A_915 = arith.constant 0 : i32
      %dma_start3A_916 = arith.constant 0 : i32
      %dma_start3A_917 = tpu.memref_slice %arg6[%dma_start3A_901, %dma_start3A_915, %dma_start3A_916] : memref<8x128x64xf32, #tpu.memory_space<vmem>> -> memref<1x128x64xf32, #tpu.memory_space<vmem>>
      %dma_start3A_918 = tpu.memref_squeeze %dma_start3A_917 : memref<1x128x64xf32, #tpu.memory_space<vmem>> -> memref<128x64xf32, #tpu.memory_space<vmem>>
      tpu.enqueue_dma source(%dma_start3A_918 : memref<128x64xf32, #tpu.memory_space<vmem>>) target(%dma_start3A_914 : memref<128x64xf32, #tpu.memory_space<hbm>>) target_semaphore(%dma_start3A_911 : memref<!tpu.dma_semaphore, #tpu.memory_space<semaphore_mem>>)
      %dma_wait3A_919 = arith.constant 5 : i32
      %dma_wait3A_920 = arith.constant 5 : i32
      %dma_wait3A_921 = arith.constant 0 : i32
      %dma_wait3A_922 = arith.constant 0 : i32
      %dma_wait3A_923 = tpu.memref_slice %arg6[%dma_wait3A_919, %dma_wait3A_921, %dma_wait3A_922] : memref<8x128x64xf32, #tpu.memory_space<vmem>> -> memref<1x128x64xf32, #tpu.memory_space<vmem>>
      %dma_wait3A_924 = tpu.memref_squeeze %dma_wait3A_923 : memref<1x128x64xf32, #tpu.memory_space<vmem>> -> memref<128x64xf32, #tpu.memory_space<vmem>>
      %dma_wait3A_925 = arith.constant 0 : i32
      %dma_wait3A_926 = arith.constant 0 : i32
      %dma_wait3A_927 = tpu.memref_slice %arg2[%dma_wait3A_925, %dma_wait3A_926] : memref<1000000x64xf32, #tpu.memory_space<hbm>> -> memref<128x64xf32, #tpu.memory_space<hbm>>
      %dma_wait3A_928 = tpu.memref_slice %arg7[%dma_wait3A_920] : memref<8x!tpu.dma_semaphore, #tpu.memory_space<semaphore_mem>> -> memref<1x!tpu.dma_semaphore, #tpu.memory_space<semaphore_mem>>
      %dma_wait3A_929 = tpu.memref_squeeze %dma_wait3A_928 : memref<1x!tpu.dma_semaphore, #tpu.memory_space<semaphore_mem>> -> memref<!tpu.dma_semaphore, #tpu.memory_space<semaphore_mem>>
      %dma_wait3A_930 = arith.constant 0 : i32
      %dma_wait3A_931 = arith.constant 0 : i32
      %dma_wait3A_932 = tpu.memref_slice %arg6[%dma_wait3A_919, %dma_wait3A_930, %dma_wait3A_931] : memref<8x128x64xf32, #tpu.memory_space<vmem>> -> memref<1x128x64xf32, #tpu.memory_space<vmem>>
      %dma_wait3A_933 = tpu.memref_squeeze %dma_wait3A_932 : memref<1x128x64xf32, #tpu.memory_space<vmem>> -> memref<128x64xf32, #tpu.memory_space<vmem>>
      %dma_wait3A_934 = arith.constant 0 : i32
      %dma_wait3A_935 = arith.constant 0 : i32
      %dma_wait3A_936 = tpu.memref_slice %arg2[%dma_wait3A_934, %dma_wait3A_935] : memref<1000000x64xf32, #tpu.memory_space<hbm>> -> memref<128x64xf32, #tpu.memory_space<hbm>>
      tpu.wait_dma2 semaphore(%dma_wait3A_929 : memref<!tpu.dma_semaphore, #tpu.memory_space<semaphore_mem>>) src(%dma_wait3A_936 : memref<128x64xf32, #tpu.memory_space<hbm>>) dst(%dma_wait3A_933 : memref<128x64xf32, #tpu.memory_space<vmem>>)
      %add3A_937 = arith.constant 5 : i32
      %add3A_938 = arith.addi %mul3A_586, %add3A_937 : i32
      %jit3A_939 = arith.constant 50 : i32
      %div3A_940 = arith.divsi %add3A_938, %jit3A_939 : i32
      %sign3A_941 = arith.constant 0 : i32
      %sign3A_942 = arith.cmpi sgt, %add3A_938, %sign3A_941 : i32
      %sign3A_943 = arith.extui %sign3A_942 : i1 to i32
      %sign3A_944 = arith.constant 0 : i32
      %sign3A_945 = arith.cmpi slt, %add3A_938, %sign3A_944 : i32
      %sign3A_946 = arith.extui %sign3A_945 : i1 to i32
      %sign3A_947 = arith.subi %sign3A_943, %sign3A_946 : i32
      %sign3A_948 = arith.constant 0 : i32
      %sign3A_949 = arith.cmpi sgt, %jit3A_939, %sign3A_948 : i32
      %sign3A_950 = arith.extui %sign3A_949 : i1 to i32
      %sign3A_951 = arith.constant 0 : i32
      %sign3A_952 = arith.cmpi slt, %jit3A_939, %sign3A_951 : i32
      %sign3A_953 = arith.extui %sign3A_952 : i1 to i32
      %sign3A_954 = arith.subi %sign3A_950, %sign3A_953 : i32
      %ne3A_955 = arith.cmpi ne, %sign3A_947, %sign3A_954 : i32
      %rem3A_956 = arith.remsi %add3A_938, %jit3A_939 : i32
      %ne3A_957 = arith.constant 0 : i32
      %ne3A_958 = arith.cmpi ne, %rem3A_956, %ne3A_957 : i32
      %and3A_959 = arith.andi %ne3A_955, %ne3A_958 : i1
      %sub3A_960 = arith.constant 1 : i32
      %sub3A_961 = arith.subi %div3A_940, %sub3A_960 : i32
      %select_n3A_962 = arith.select %and3A_959, %sub3A_961, %div3A_940 : i32
      %mul3A_963 = arith.constant 50 : i32
      %mul3A_964 = arith.muli %select_n3A_962, %mul3A_963 : i32
      %sub3A_965 = arith.subi %add3A_938, %mul3A_964 : i32
      %mul3A_966 = arith.constant 128 : i32
      %mul3A_967 = arith.muli %select_n3A_962, %mul3A_966 : i32
      %add3A_968 = arith.addi %mul3A_4, %mul3A_967 : i32
      %dma_start3A_969 = arith.constant 5 : i32
      %dma_start3A_970 = arith.constant 5 : i32
      %dma_start3A_971 = arith.constant 0 : i32
      %dma_start3A_972 = arith.constant 0 : i32
      %dma_start3A_973 = tpu.memref_slice %arg6[%dma_start3A_969, %dma_start3A_971, %dma_start3A_972] : memref<8x128x64xf32, #tpu.memory_space<vmem>> -> memref<1x128x64xf32, #tpu.memory_space<vmem>>
      %dma_start3A_974 = tpu.memref_squeeze %dma_start3A_973 : memref<1x128x64xf32, #tpu.memory_space<vmem>> -> memref<128x64xf32, #tpu.memory_space<vmem>>
      %dma_start3A_975 = arith.constant 0 : i32
      %dma_start3A_976 = tpu.memref_slice %arg4[%add3A_968, %sub3A_965, %dma_start3A_975] : memref<16384x56x128xf32, #tpu.memory_space<hbm>> -> memref<128x1x64xf32, #tpu.memory_space<hbm>>
      %dma_start3A_977 = tpu.memref_squeeze %dma_start3A_976 : memref<128x1x64xf32, #tpu.memory_space<hbm>> -> memref<128x64xf32, #tpu.memory_space<hbm>>
      %dma_start3A_978 = tpu.memref_slice %arg8[%dma_start3A_970] : memref<8x!tpu.dma_semaphore, #tpu.memory_space<semaphore_mem>> -> memref<1x!tpu.dma_semaphore, #tpu.memory_space<semaphore_mem>>
      %dma_start3A_979 = tpu.memref_squeeze %dma_start3A_978 : memref<1x!tpu.dma_semaphore, #tpu.memory_space<semaphore_mem>> -> memref<!tpu.dma_semaphore, #tpu.memory_space<semaphore_mem>>
      %dma_start3A_980 = arith.constant 0 : i32
      %dma_start3A_981 = tpu.memref_slice %arg4[%add3A_968, %sub3A_965, %dma_start3A_980] : memref<16384x56x128xf32, #tpu.memory_space<hbm>> -> memref<128x1x64xf32, #tpu.memory_space<hbm>>
      %dma_start3A_982 = tpu.memref_squeeze %dma_start3A_981 : memref<128x1x64xf32, #tpu.memory_space<hbm>> -> memref<128x64xf32, #tpu.memory_space<hbm>>
      %dma_start3A_983 = arith.constant 0 : i32
      %dma_start3A_984 = arith.constant 0 : i32
      %dma_start3A_985 = tpu.memref_slice %arg6[%dma_start3A_969, %dma_start3A_983, %dma_start3A_984] : memref<8x128x64xf32, #tpu.memory_space<vmem>> -> memref<1x128x64xf32, #tpu.memory_space<vmem>>
      %dma_start3A_986 = tpu.memref_squeeze %dma_start3A_985 : memref<1x128x64xf32, #tpu.memory_space<vmem>> -> memref<128x64xf32, #tpu.memory_space<vmem>>
      tpu.enqueue_dma source(%dma_start3A_986 : memref<128x64xf32, #tpu.memory_space<vmem>>) target(%dma_start3A_982 : memref<128x64xf32, #tpu.memory_space<hbm>>) target_semaphore(%dma_start3A_979 : memref<!tpu.dma_semaphore, #tpu.memory_space<semaphore_mem>>)
      %dma_wait3A_987 = arith.constant 6 : i32
      %dma_wait3A_988 = arith.constant 6 : i32
      %dma_wait3A_989 = arith.constant 0 : i32
      %dma_wait3A_990 = arith.constant 0 : i32
      %dma_wait3A_991 = tpu.memref_slice %arg6[%dma_wait3A_987, %dma_wait3A_989, %dma_wait3A_990] : memref<8x128x64xf32, #tpu.memory_space<vmem>> -> memref<1x128x64xf32, #tpu.memory_space<vmem>>
      %dma_wait3A_992 = tpu.memref_squeeze %dma_wait3A_991 : memref<1x128x64xf32, #tpu.memory_space<vmem>> -> memref<128x64xf32, #tpu.memory_space<vmem>>
      %dma_wait3A_993 = arith.constant 0 : i32
      %dma_wait3A_994 = arith.constant 0 : i32
      %dma_wait3A_995 = tpu.memref_slice %arg2[%dma_wait3A_993, %dma_wait3A_994] : memref<1000000x64xf32, #tpu.memory_space<hbm>> -> memref<128x64xf32, #tpu.memory_space<hbm>>
      %dma_wait3A_996 = tpu.memref_slice %arg7[%dma_wait3A_988] : memref<8x!tpu.dma_semaphore, #tpu.memory_space<semaphore_mem>> -> memref<1x!tpu.dma_semaphore, #tpu.memory_space<semaphore_mem>>
      %dma_wait3A_997 = tpu.memref_squeeze %dma_wait3A_996 : memref<1x!tpu.dma_semaphore, #tpu.memory_space<semaphore_mem>> -> memref<!tpu.dma_semaphore, #tpu.memory_space<semaphore_mem>>
      %dma_wait3A_998 = arith.constant 0 : i32
      %dma_wait3A_999 = arith.constant 0 : i32
      %dma_wait3A_1000 = tpu.memref_slice %arg6[%dma_wait3A_987, %dma_wait3A_998, %dma_wait3A_999] : memref<8x128x64xf32, #tpu.memory_space<vmem>> -> memref<1x128x64xf32, #tpu.memory_space<vmem>>
      %dma_wait3A_1001 = tpu.memref_squeeze %dma_wait3A_1000 : memref<1x128x64xf32, #tpu.memory_space<vmem>> -> memref<128x64xf32, #tpu.memory_space<vmem>>
      %dma_wait3A_1002 = arith.constant 0 : i32
      %dma_wait3A_1003 = arith.constant 0 : i32
      %dma_wait3A_1004 = tpu.memref_slice %arg2[%dma_wait3A_1002, %dma_wait3A_1003] : memref<1000000x64xf32, #tpu.memory_space<hbm>> -> memref<128x64xf32, #tpu.memory_space<hbm>>
      tpu.wait_dma2 semaphore(%dma_wait3A_997 : memref<!tpu.dma_semaphore, #tpu.memory_space<semaphore_mem>>) src(%dma_wait3A_1004 : memref<128x64xf32, #tpu.memory_space<hbm>>) dst(%dma_wait3A_1001 : memref<128x64xf32, #tpu.memory_space<vmem>>)
      %add3A_1005 = arith.constant 6 : i32
      %add3A_1006 = arith.addi %mul3A_586, %add3A_1005 : i32
      %jit3A_1007 = arith.constant 50 : i32
      %div3A_1008 = arith.divsi %add3A_1006, %jit3A_1007 : i32
      %sign3A_1009 = arith.constant 0 : i32
      %sign3A_1010 = arith.cmpi sgt, %add3A_1006, %sign3A_1009 : i32
      %sign3A_1011 = arith.extui %sign3A_1010 : i1 to i32
      %sign3A_1012 = arith.constant 0 : i32
      %sign3A_1013 = arith.cmpi slt, %add3A_1006, %sign3A_1012 : i32
      %sign3A_1014 = arith.extui %sign3A_1013 : i1 to i32
      %sign3A_1015 = arith.subi %sign3A_1011, %sign3A_1014 : i32
      %sign3A_1016 = arith.constant 0 : i32
      %sign3A_1017 = arith.cmpi sgt, %jit3A_1007, %sign3A_1016 : i32
      %sign3A_1018 = arith.extui %sign3A_1017 : i1 to i32
      %sign3A_1019 = arith.constant 0 : i32
      %sign3A_1020 = arith.cmpi slt, %jit3A_1007, %sign3A_1019 : i32
      %sign3A_1021 = arith.extui %sign3A_1020 : i1 to i32
      %sign3A_1022 = arith.subi %sign3A_1018, %sign3A_1021 : i32
      %ne3A_1023 = arith.cmpi ne, %sign3A_1015, %sign3A_1022 : i32
      %rem3A_1024 = arith.remsi %add3A_1006, %jit3A_1007 : i32
      %ne3A_1025 = arith.constant 0 : i32
      %ne3A_1026 = arith.cmpi ne, %rem3A_1024, %ne3A_1025 : i32
      %and3A_1027 = arith.andi %ne3A_1023, %ne3A_1026 : i1
      %sub3A_1028 = arith.constant 1 : i32
      %sub3A_1029 = arith.subi %div3A_1008, %sub3A_1028 : i32
      %select_n3A_1030 = arith.select %and3A_1027, %sub3A_1029, %div3A_1008 : i32
      %mul3A_1031 = arith.constant 50 : i32
      %mul3A_1032 = arith.muli %select_n3A_1030, %mul3A_1031 : i32
      %sub3A_1033 = arith.subi %add3A_1006, %mul3A_1032 : i32
      %mul3A_1034 = arith.constant 128 : i32
      %mul3A_1035 = arith.muli %select_n3A_1030, %mul3A_1034 : i32
      %add3A_1036 = arith.addi %mul3A_4, %mul3A_1035 : i32
      %dma_start3A_1037 = arith.constant 6 : i32
      %dma_start3A_1038 = arith.constant 6 : i32
      %dma_start3A_1039 = arith.constant 0 : i32
      %dma_start3A_1040 = arith.constant 0 : i32
      %dma_start3A_1041 = tpu.memref_slice %arg6[%dma_start3A_1037, %dma_start3A_1039, %dma_start3A_1040] : memref<8x128x64xf32, #tpu.memory_space<vmem>> -> memref<1x128x64xf32, #tpu.memory_space<vmem>>
      %dma_start3A_1042 = tpu.memref_squeeze %dma_start3A_1041 : memref<1x128x64xf32, #tpu.memory_space<vmem>> -> memref<128x64xf32, #tpu.memory_space<vmem>>
      %dma_start3A_1043 = arith.constant 0 : i32
      %dma_start3A_1044 = tpu.memref_slice %arg4[%add3A_1036, %sub3A_1033, %dma_start3A_1043] : memref<16384x56x128xf32, #tpu.memory_space<hbm>> -> memref<128x1x64xf32, #tpu.memory_space<hbm>>
      %dma_start3A_1045 = tpu.memref_squeeze %dma_start3A_1044 : memref<128x1x64xf32, #tpu.memory_space<hbm>> -> memref<128x64xf32, #tpu.memory_space<hbm>>
      %dma_start3A_1046 = tpu.memref_slice %arg8[%dma_start3A_1038] : memref<8x!tpu.dma_semaphore, #tpu.memory_space<semaphore_mem>> -> memref<1x!tpu.dma_semaphore, #tpu.memory_space<semaphore_mem>>
      %dma_start3A_1047 = tpu.memref_squeeze %dma_start3A_1046 : memref<1x!tpu.dma_semaphore, #tpu.memory_space<semaphore_mem>> -> memref<!tpu.dma_semaphore, #tpu.memory_space<semaphore_mem>>
      %dma_start3A_1048 = arith.constant 0 : i32
      %dma_start3A_1049 = tpu.memref_slice %arg4[%add3A_1036, %sub3A_1033, %dma_start3A_1048] : memref<16384x56x128xf32, #tpu.memory_space<hbm>> -> memref<128x1x64xf32, #tpu.memory_space<hbm>>
      %dma_start3A_1050 = tpu.memref_squeeze %dma_start3A_1049 : memref<128x1x64xf32, #tpu.memory_space<hbm>> -> memref<128x64xf32, #tpu.memory_space<hbm>>
      %dma_start3A_1051 = arith.constant 0 : i32
      %dma_start3A_1052 = arith.constant 0 : i32
      %dma_start3A_1053 = tpu.memref_slice %arg6[%dma_start3A_1037, %dma_start3A_1051, %dma_start3A_1052] : memref<8x128x64xf32, #tpu.memory_space<vmem>> -> memref<1x128x64xf32, #tpu.memory_space<vmem>>
      %dma_start3A_1054 = tpu.memref_squeeze %dma_start3A_1053 : memref<1x128x64xf32, #tpu.memory_space<vmem>> -> memref<128x64xf32, #tpu.memory_space<vmem>>
      tpu.enqueue_dma source(%dma_start3A_1054 : memref<128x64xf32, #tpu.memory_space<vmem>>) target(%dma_start3A_1050 : memref<128x64xf32, #tpu.memory_space<hbm>>) target_semaphore(%dma_start3A_1047 : memref<!tpu.dma_semaphore, #tpu.memory_space<semaphore_mem>>)
      %dma_wait3A_1055 = arith.constant 7 : i32
      %dma_wait3A_1056 = arith.constant 7 : i32
      %dma_wait3A_1057 = arith.constant 0 : i32
      %dma_wait3A_1058 = arith.constant 0 : i32
      %dma_wait3A_1059 = tpu.memref_slice %arg6[%dma_wait3A_1055, %dma_wait3A_1057, %dma_wait3A_1058] : memref<8x128x64xf32, #tpu.memory_space<vmem>> -> memref<1x128x64xf32, #tpu.memory_space<vmem>>
      %dma_wait3A_1060 = tpu.memref_squeeze %dma_wait3A_1059 : memref<1x128x64xf32, #tpu.memory_space<vmem>> -> memref<128x64xf32, #tpu.memory_space<vmem>>
      %dma_wait3A_1061 = arith.constant 0 : i32
      %dma_wait3A_1062 = arith.constant 0 : i32
      %dma_wait3A_1063 = tpu.memref_slice %arg2[%dma_wait3A_1061, %dma_wait3A_1062] : memref<1000000x64xf32, #tpu.memory_space<hbm>> -> memref<128x64xf32, #tpu.memory_space<hbm>>
      %dma_wait3A_1064 = tpu.memref_slice %arg7[%dma_wait3A_1056] : memref<8x!tpu.dma_semaphore, #tpu.memory_space<semaphore_mem>> -> memref<1x!tpu.dma_semaphore, #tpu.memory_space<semaphore_mem>>
      %dma_wait3A_1065 = tpu.memref_squeeze %dma_wait3A_1064 : memref<1x!tpu.dma_semaphore, #tpu.memory_space<semaphore_mem>> -> memref<!tpu.dma_semaphore, #tpu.memory_space<semaphore_mem>>
      %dma_wait3A_1066 = arith.constant 0 : i32
      %dma_wait3A_1067 = arith.constant 0 : i32
      %dma_wait3A_1068 = tpu.memref_slice %arg6[%dma_wait3A_1055, %dma_wait3A_1066, %dma_wait3A_1067] : memref<8x128x64xf32, #tpu.memory_space<vmem>> -> memref<1x128x64xf32, #tpu.memory_space<vmem>>
      %dma_wait3A_1069 = tpu.memref_squeeze %dma_wait3A_1068 : memref<1x128x64xf32, #tpu.memory_space<vmem>> -> memref<128x64xf32, #tpu.memory_space<vmem>>
      %dma_wait3A_1070 = arith.constant 0 : i32
      %dma_wait3A_1071 = arith.constant 0 : i32
      %dma_wait3A_1072 = tpu.memref_slice %arg2[%dma_wait3A_1070, %dma_wait3A_1071] : memref<1000000x64xf32, #tpu.memory_space<hbm>> -> memref<128x64xf32, #tpu.memory_space<hbm>>
      tpu.wait_dma2 semaphore(%dma_wait3A_1065 : memref<!tpu.dma_semaphore, #tpu.memory_space<semaphore_mem>>) src(%dma_wait3A_1072 : memref<128x64xf32, #tpu.memory_space<hbm>>) dst(%dma_wait3A_1069 : memref<128x64xf32, #tpu.memory_space<vmem>>)
      %add3A_1073 = arith.constant 7 : i32
      %add3A_1074 = arith.addi %mul3A_586, %add3A_1073 : i32
      %jit3A_1075 = arith.constant 50 : i32
      %div3A_1076 = arith.divsi %add3A_1074, %jit3A_1075 : i32
      %sign3A_1077 = arith.constant 0 : i32
      %sign3A_1078 = arith.cmpi sgt, %add3A_1074, %sign3A_1077 : i32
      %sign3A_1079 = arith.extui %sign3A_1078 : i1 to i32
      %sign3A_1080 = arith.constant 0 : i32
      %sign3A_1081 = arith.cmpi slt, %add3A_1074, %sign3A_1080 : i32
      %sign3A_1082 = arith.extui %sign3A_1081 : i1 to i32
      %sign3A_1083 = arith.subi %sign3A_1079, %sign3A_1082 : i32
      %sign3A_1084 = arith.constant 0 : i32
      %sign3A_1085 = arith.cmpi sgt, %jit3A_1075, %sign3A_1084 : i32
      %sign3A_1086 = arith.extui %sign3A_1085 : i1 to i32
      %sign3A_1087 = arith.constant 0 : i32
      %sign3A_1088 = arith.cmpi slt, %jit3A_1075, %sign3A_1087 : i32
      %sign3A_1089 = arith.extui %sign3A_1088 : i1 to i32
      %sign3A_1090 = arith.subi %sign3A_1086, %sign3A_1089 : i32
      %ne3A_1091 = arith.cmpi ne, %sign3A_1083, %sign3A_1090 : i32
      %rem3A_1092 = arith.remsi %add3A_1074, %jit3A_1075 : i32
      %ne3A_1093 = arith.constant 0 : i32
      %ne3A_1094 = arith.cmpi ne, %rem3A_1092, %ne3A_1093 : i32
      %and3A_1095 = arith.andi %ne3A_1091, %ne3A_1094 : i1
      %sub3A_1096 = arith.constant 1 : i32
      %sub3A_1097 = arith.subi %div3A_1076, %sub3A_1096 : i32
      %select_n3A_1098 = arith.select %and3A_1095, %sub3A_1097, %div3A_1076 : i32
      %mul3A_1099 = arith.constant 50 : i32
      %mul3A_1100 = arith.muli %select_n3A_1098, %mul3A_1099 : i32
      %sub3A_1101 = arith.subi %add3A_1074, %mul3A_1100 : i32
      %mul3A_1102 = arith.constant 128 : i32
      %mul3A_1103 = arith.muli %select_n3A_1098, %mul3A_1102 : i32
      %add3A_1104 = arith.addi %mul3A_4, %mul3A_1103 : i32
      %dma_start3A_1105 = arith.constant 7 : i32
      %dma_start3A_1106 = arith.constant 7 : i32
      %dma_start3A_1107 = arith.constant 0 : i32
      %dma_start3A_1108 = arith.constant 0 : i32
      %dma_start3A_1109 = tpu.memref_slice %arg6[%dma_start3A_1105, %dma_start3A_1107, %dma_start3A_1108] : memref<8x128x64xf32, #tpu.memory_space<vmem>> -> memref<1x128x64xf32, #tpu.memory_space<vmem>>
      %dma_start3A_1110 = tpu.memref_squeeze %dma_start3A_1109 : memref<1x128x64xf32, #tpu.memory_space<vmem>> -> memref<128x64xf32, #tpu.memory_space<vmem>>
      %dma_start3A_1111 = arith.constant 0 : i32
      %dma_start3A_1112 = tpu.memref_slice %arg4[%add3A_1104, %sub3A_1101, %dma_start3A_1111] : memref<16384x56x128xf32, #tpu.memory_space<hbm>> -> memref<128x1x64xf32, #tpu.memory_space<hbm>>
      %dma_start3A_1113 = tpu.memref_squeeze %dma_start3A_1112 : memref<128x1x64xf32, #tpu.memory_space<hbm>> -> memref<128x64xf32, #tpu.memory_space<hbm>>
      %dma_start3A_1114 = tpu.memref_slice %arg8[%dma_start3A_1106] : memref<8x!tpu.dma_semaphore, #tpu.memory_space<semaphore_mem>> -> memref<1x!tpu.dma_semaphore, #tpu.memory_space<semaphore_mem>>
      %dma_start3A_1115 = tpu.memref_squeeze %dma_start3A_1114 : memref<1x!tpu.dma_semaphore, #tpu.memory_space<semaphore_mem>> -> memref<!tpu.dma_semaphore, #tpu.memory_space<semaphore_mem>>
      %dma_start3A_1116 = arith.constant 0 : i32
      %dma_start3A_1117 = tpu.memref_slice %arg4[%add3A_1104, %sub3A_1101, %dma_start3A_1116] : memref<16384x56x128xf32, #tpu.memory_space<hbm>> -> memref<128x1x64xf32, #tpu.memory_space<hbm>>
      %dma_start3A_1118 = tpu.memref_squeeze %dma_start3A_1117 : memref<128x1x64xf32, #tpu.memory_space<hbm>> -> memref<128x64xf32, #tpu.memory_space<hbm>>
      %dma_start3A_1119 = arith.constant 0 : i32
      %dma_start3A_1120 = arith.constant 0 : i32
      %dma_start3A_1121 = tpu.memref_slice %arg6[%dma_start3A_1105, %dma_start3A_1119, %dma_start3A_1120] : memref<8x128x64xf32, #tpu.memory_space<vmem>> -> memref<1x128x64xf32, #tpu.memory_space<vmem>>
      %dma_start3A_1122 = tpu.memref_squeeze %dma_start3A_1121 : memref<1x128x64xf32, #tpu.memory_space<vmem>> -> memref<128x64xf32, #tpu.memory_space<vmem>>
      tpu.enqueue_dma source(%dma_start3A_1122 : memref<128x64xf32, #tpu.memory_space<vmem>>) target(%dma_start3A_1118 : memref<128x64xf32, #tpu.memory_space<hbm>>) target_semaphore(%dma_start3A_1115 : memref<!tpu.dma_semaphore, #tpu.memory_space<semaphore_mem>>)
      %dma_wait3A_1123 = arith.constant 0 : i32
      %dma_wait3A_1124 = arith.constant 0 : i32
      %dma_wait3A_1125 = arith.constant 0 : i32
      %dma_wait3A_1126 = arith.constant 0 : i32
      %dma_wait3A_1127 = tpu.memref_slice %arg6[%dma_wait3A_1123, %dma_wait3A_1125, %dma_wait3A_1126] : memref<8x128x64xf32, #tpu.memory_space<vmem>> -> memref<1x128x64xf32, #tpu.memory_space<vmem>>
      %dma_wait3A_1128 = tpu.memref_squeeze %dma_wait3A_1127 : memref<1x128x64xf32, #tpu.memory_space<vmem>> -> memref<128x64xf32, #tpu.memory_space<vmem>>
      %dma_wait3A_1129 = arith.constant 0 : i32
      %dma_wait3A_1130 = arith.constant 0 : i32
      %dma_wait3A_1131 = tpu.memref_slice %arg2[%dma_wait3A_1129, %dma_wait3A_1130] : memref<1000000x64xf32, #tpu.memory_space<hbm>> -> memref<128x64xf32, #tpu.memory_space<hbm>>
      %dma_wait3A_1132 = tpu.memref_slice %arg8[%dma_wait3A_1124] : memref<8x!tpu.dma_semaphore, #tpu.memory_space<semaphore_mem>> -> memref<1x!tpu.dma_semaphore, #tpu.memory_space<semaphore_mem>>
      %dma_wait3A_1133 = tpu.memref_squeeze %dma_wait3A_1132 : memref<1x!tpu.dma_semaphore, #tpu.memory_space<semaphore_mem>> -> memref<!tpu.dma_semaphore, #tpu.memory_space<semaphore_mem>>
      %dma_wait3A_1134 = arith.constant 0 : i32
      %dma_wait3A_1135 = arith.constant 0 : i32
      %dma_wait3A_1136 = tpu.memref_slice %arg6[%dma_wait3A_1123, %dma_wait3A_1134, %dma_wait3A_1135] : memref<8x128x64xf32, #tpu.memory_space<vmem>> -> memref<1x128x64xf32, #tpu.memory_space<vmem>>
      %dma_wait3A_1137 = tpu.memref_squeeze %dma_wait3A_1136 : memref<1x128x64xf32, #tpu.memory_space<vmem>> -> memref<128x64xf32, #tpu.memory_space<vmem>>
      %dma_wait3A_1138 = arith.constant 0 : i32
      %dma_wait3A_1139 = arith.constant 0 : i32
      %dma_wait3A_1140 = tpu.memref_slice %arg2[%dma_wait3A_1138, %dma_wait3A_1139] : memref<1000000x64xf32, #tpu.memory_space<hbm>> -> memref<128x64xf32, #tpu.memory_space<hbm>>
      tpu.wait_dma2 semaphore(%dma_wait3A_1133 : memref<!tpu.dma_semaphore, #tpu.memory_space<semaphore_mem>>) src(%dma_wait3A_1140 : memref<128x64xf32, #tpu.memory_space<hbm>>) dst(%dma_wait3A_1137 : memref<128x64xf32, #tpu.memory_space<vmem>>)
      %add3A_1141 = arith.constant 8 : i32
      %add3A_1142 = arith.addi %mul3A_586, %add3A_1141 : i32
      %add3A_1143 = arith.constant 0 : i32
      %add3A_1144 = arith.addi %add3A_1142, %add3A_1143 : i32
      %jit3A_1145 = arith.constant 50 : i32
      %div3A_1146 = arith.divsi %add3A_1144, %jit3A_1145 : i32
      %sign3A_1147 = arith.constant 0 : i32
      %sign3A_1148 = arith.cmpi sgt, %add3A_1144, %sign3A_1147 : i32
      %sign3A_1149 = arith.extui %sign3A_1148 : i1 to i32
      %sign3A_1150 = arith.constant 0 : i32
      %sign3A_1151 = arith.cmpi slt, %add3A_1144, %sign3A_1150 : i32
      %sign3A_1152 = arith.extui %sign3A_1151 : i1 to i32
      %sign3A_1153 = arith.subi %sign3A_1149, %sign3A_1152 : i32
      %sign3A_1154 = arith.constant 0 : i32
      %sign3A_1155 = arith.cmpi sgt, %jit3A_1145, %sign3A_1154 : i32
      %sign3A_1156 = arith.extui %sign3A_1155 : i1 to i32
      %sign3A_1157 = arith.constant 0 : i32
      %sign3A_1158 = arith.cmpi slt, %jit3A_1145, %sign3A_1157 : i32
      %sign3A_1159 = arith.extui %sign3A_1158 : i1 to i32
      %sign3A_1160 = arith.subi %sign3A_1156, %sign3A_1159 : i32
      %ne3A_1161 = arith.cmpi ne, %sign3A_1153, %sign3A_1160 : i32
      %rem3A_1162 = arith.remsi %add3A_1144, %jit3A_1145 : i32
      %ne3A_1163 = arith.constant 0 : i32
      %ne3A_1164 = arith.cmpi ne, %rem3A_1162, %ne3A_1163 : i32
      %and3A_1165 = arith.andi %ne3A_1161, %ne3A_1164 : i1
      %sub3A_1166 = arith.constant 1 : i32
      %sub3A_1167 = arith.subi %div3A_1146, %sub3A_1166 : i32
      %select_n3A_1168 = arith.select %and3A_1165, %sub3A_1167, %div3A_1146 : i32
      %mul3A_1169 = arith.constant 50 : i32
      %mul3A_1170 = arith.muli %select_n3A_1168, %mul3A_1169 : i32
      %sub3A_1171 = arith.subi %add3A_1144, %mul3A_1170 : i32
      %mul3A_1172 = arith.constant 128 : i32
      %mul3A_1173 = arith.muli %select_n3A_1168, %mul3A_1172 : i32
      %dma_start3A_1174 = arith.constant 0 : i32
      %dma_start3A_1175 = arith.constant 0 : i32
      %dma_start3A_1176 = arith.constant 0 : i32
      %dma_start3A_1177 = arith.constant 0 : i32
      %dma_start3A_1178 = tpu.memref_slice %arg6[%dma_start3A_1174, %dma_start3A_1176, %dma_start3A_1177] : memref<8x128x64xf32, #tpu.memory_space<vmem>> -> memref<1x128x64xf32, #tpu.memory_space<vmem>>
      %dma_start3A_1179 = tpu.memref_squeeze %dma_start3A_1178 : memref<1x128x64xf32, #tpu.memory_space<vmem>> -> memref<128x64xf32, #tpu.memory_space<vmem>>
      %dma_start3A_1180 = tpu.memref_slice %arg5[%sub3A_1171, %mul3A_1173] : memref<50x512xi32, #tpu.memory_space<vmem>> -> memref<1x128xi32, #tpu.memory_space<vmem>>
      %dma_start3A_1181 = tpu.memref_squeeze %dma_start3A_1180 : memref<1x128xi32, #tpu.memory_space<vmem>> -> memref<128xi32, #tpu.memory_space<vmem>>
      %dma_start3A_1182 = arith.constant 0 : i32
      %dma_start3A_1183 = arith.constant 0 : i32
      %dma_start3A_1184 = tpu.memref_slice %arg2[%dma_start3A_1182, %dma_start3A_1183] : memref<1000000x64xf32, #tpu.memory_space<hbm>> -> memref<1000000x64xf32, #tpu.memory_space<hbm>>
      %dma_start3A_1185 = tpu.memref_slice %arg7[%dma_start3A_1175] : memref<8x!tpu.dma_semaphore, #tpu.memory_space<semaphore_mem>> -> memref<1x!tpu.dma_semaphore, #tpu.memory_space<semaphore_mem>>
      %dma_start3A_1186 = tpu.memref_squeeze %dma_start3A_1185 : memref<1x!tpu.dma_semaphore, #tpu.memory_space<semaphore_mem>> -> memref<!tpu.dma_semaphore, #tpu.memory_space<semaphore_mem>>
      tpu.enqueue_indirect_dma source(%dma_start3A_1184 : memref<1000000x64xf32, #tpu.memory_space<hbm>>) target(%dma_start3A_1179 : memref<128x64xf32, #tpu.memory_space<vmem>>) offsets(%dma_start3A_1181 : memref<128xi32, #tpu.memory_space<vmem>>) semaphore(%dma_start3A_1186 : memref<!tpu.dma_semaphore, #tpu.memory_space<semaphore_mem>>)
      %dma_wait3A_1187 = arith.constant 1 : i32
      %dma_wait3A_1188 = arith.constant 1 : i32
      %dma_wait3A_1189 = arith.constant 0 : i32
      %dma_wait3A_1190 = arith.constant 0 : i32
      %dma_wait3A_1191 = tpu.memref_slice %arg6[%dma_wait3A_1187, %dma_wait3A_1189, %dma_wait3A_1190] : memref<8x128x64xf32, #tpu.memory_space<vmem>> -> memref<1x128x64xf32, #tpu.memory_space<vmem>>
      %dma_wait3A_1192 = tpu.memref_squeeze %dma_wait3A_1191 : memref<1x128x64xf32, #tpu.memory_space<vmem>> -> memref<128x64xf32, #tpu.memory_space<vmem>>
      %dma_wait3A_1193 = arith.constant 0 : i32
      %dma_wait3A_1194 = arith.constant 0 : i32
      %dma_wait3A_1195 = tpu.memref_slice %arg2[%dma_wait3A_1193, %dma_wait3A_1194] : memref<1000000x64xf32, #tpu.memory_space<hbm>> -> memref<128x64xf32, #tpu.memory_space<hbm>>
      %dma_wait3A_1196 = tpu.memref_slice %arg8[%dma_wait3A_1188] : memref<8x!tpu.dma_semaphore, #tpu.memory_space<semaphore_mem>> -> memref<1x!tpu.dma_semaphore, #tpu.memory_space<semaphore_mem>>
      %dma_wait3A_1197 = tpu.memref_squeeze %dma_wait3A_1196 : memref<1x!tpu.dma_semaphore, #tpu.memory_space<semaphore_mem>> -> memref<!tpu.dma_semaphore, #tpu.memory_space<semaphore_mem>>
      %dma_wait3A_1198 = arith.constant 0 : i32
      %dma_wait3A_1199 = arith.constant 0 : i32
      %dma_wait3A_1200 = tpu.memref_slice %arg6[%dma_wait3A_1187, %dma_wait3A_1198, %dma_wait3A_1199] : memref<8x128x64xf32, #tpu.memory_space<vmem>> -> memref<1x128x64xf32, #tpu.memory_space<vmem>>
      %dma_wait3A_1201 = tpu.memref_squeeze %dma_wait3A_1200 : memref<1x128x64xf32, #tpu.memory_space<vmem>> -> memref<128x64xf32, #tpu.memory_space<vmem>>
      %dma_wait3A_1202 = arith.constant 0 : i32
      %dma_wait3A_1203 = arith.constant 0 : i32
      %dma_wait3A_1204 = tpu.memref_slice %arg2[%dma_wait3A_1202, %dma_wait3A_1203] : memref<1000000x64xf32, #tpu.memory_space<hbm>> -> memref<128x64xf32, #tpu.memory_space<hbm>>
      tpu.wait_dma2 semaphore(%dma_wait3A_1197 : memref<!tpu.dma_semaphore, #tpu.memory_space<semaphore_mem>>) src(%dma_wait3A_1204 : memref<128x64xf32, #tpu.memory_space<hbm>>) dst(%dma_wait3A_1201 : memref<128x64xf32, #tpu.memory_space<vmem>>)
      %add3A_1205 = arith.constant 8 : i32
      %add3A_1206 = arith.addi %mul3A_586, %add3A_1205 : i32
      %add3A_1207 = arith.constant 1 : i32
      %add3A_1208 = arith.addi %add3A_1206, %add3A_1207 : i32
      %jit3A_1209 = arith.constant 50 : i32
      %div3A_1210 = arith.divsi %add3A_1208, %jit3A_1209 : i32
      %sign3A_1211 = arith.constant 0 : i32
      %sign3A_1212 = arith.cmpi sgt, %add3A_1208, %sign3A_1211 : i32
      %sign3A_1213 = arith.extui %sign3A_1212 : i1 to i32
      %sign3A_1214 = arith.constant 0 : i32
      %sign3A_1215 = arith.cmpi slt, %add3A_1208, %sign3A_1214 : i32
      %sign3A_1216 = arith.extui %sign3A_1215 : i1 to i32
      %sign3A_1217 = arith.subi %sign3A_1213, %sign3A_1216 : i32
      %sign3A_1218 = arith.constant 0 : i32
      %sign3A_1219 = arith.cmpi sgt, %jit3A_1209, %sign3A_1218 : i32
      %sign3A_1220 = arith.extui %sign3A_1219 : i1 to i32
      %sign3A_1221 = arith.constant 0 : i32
      %sign3A_1222 = arith.cmpi slt, %jit3A_1209, %sign3A_1221 : i32
      %sign3A_1223 = arith.extui %sign3A_1222 : i1 to i32
      %sign3A_1224 = arith.subi %sign3A_1220, %sign3A_1223 : i32
      %ne3A_1225 = arith.cmpi ne, %sign3A_1217, %sign3A_1224 : i32
      %rem3A_1226 = arith.remsi %add3A_1208, %jit3A_1209 : i32
      %ne3A_1227 = arith.constant 0 : i32
      %ne3A_1228 = arith.cmpi ne, %rem3A_1226, %ne3A_1227 : i32
      %and3A_1229 = arith.andi %ne3A_1225, %ne3A_1228 : i1
      %sub3A_1230 = arith.constant 1 : i32
      %sub3A_1231 = arith.subi %div3A_1210, %sub3A_1230 : i32
      %select_n3A_1232 = arith.select %and3A_1229, %sub3A_1231, %div3A_1210 : i32
      %mul3A_1233 = arith.constant 50 : i32
      %mul3A_1234 = arith.muli %select_n3A_1232, %mul3A_1233 : i32
      %sub3A_1235 = arith.subi %add3A_1208, %mul3A_1234 : i32
      %mul3A_1236 = arith.constant 128 : i32
      %mul3A_1237 = arith.muli %select_n3A_1232, %mul3A_1236 : i32
      %dma_start3A_1238 = arith.constant 1 : i32
      %dma_start3A_1239 = arith.constant 1 : i32
      %dma_start3A_1240 = arith.constant 0 : i32
      %dma_start3A_1241 = arith.constant 0 : i32
      %dma_start3A_1242 = tpu.memref_slice %arg6[%dma_start3A_1238, %dma_start3A_1240, %dma_start3A_1241] : memref<8x128x64xf32, #tpu.memory_space<vmem>> -> memref<1x128x64xf32, #tpu.memory_space<vmem>>
      %dma_start3A_1243 = tpu.memref_squeeze %dma_start3A_1242 : memref<1x128x64xf32, #tpu.memory_space<vmem>> -> memref<128x64xf32, #tpu.memory_space<vmem>>
      %dma_start3A_1244 = tpu.memref_slice %arg5[%sub3A_1235, %mul3A_1237] : memref<50x512xi32, #tpu.memory_space<vmem>> -> memref<1x128xi32, #tpu.memory_space<vmem>>
      %dma_start3A_1245 = tpu.memref_squeeze %dma_start3A_1244 : memref<1x128xi32, #tpu.memory_space<vmem>> -> memref<128xi32, #tpu.memory_space<vmem>>
      %dma_start3A_1246 = arith.constant 0 : i32
      %dma_start3A_1247 = arith.constant 0 : i32
      %dma_start3A_1248 = tpu.memref_slice %arg2[%dma_start3A_1246, %dma_start3A_1247] : memref<1000000x64xf32, #tpu.memory_space<hbm>> -> memref<1000000x64xf32, #tpu.memory_space<hbm>>
      %dma_start3A_1249 = tpu.memref_slice %arg7[%dma_start3A_1239] : memref<8x!tpu.dma_semaphore, #tpu.memory_space<semaphore_mem>> -> memref<1x!tpu.dma_semaphore, #tpu.memory_space<semaphore_mem>>
      %dma_start3A_1250 = tpu.memref_squeeze %dma_start3A_1249 : memref<1x!tpu.dma_semaphore, #tpu.memory_space<semaphore_mem>> -> memref<!tpu.dma_semaphore, #tpu.memory_space<semaphore_mem>>
      tpu.enqueue_indirect_dma source(%dma_start3A_1248 : memref<1000000x64xf32, #tpu.memory_space<hbm>>) target(%dma_start3A_1243 : memref<128x64xf32, #tpu.memory_space<vmem>>) offsets(%dma_start3A_1245 : memref<128xi32, #tpu.memory_space<vmem>>) semaphore(%dma_start3A_1250 : memref<!tpu.dma_semaphore, #tpu.memory_space<semaphore_mem>>)
      %dma_wait3A_1251 = arith.constant 2 : i32
      %dma_wait3A_1252 = arith.constant 2 : i32
      %dma_wait3A_1253 = arith.constant 0 : i32
      %dma_wait3A_1254 = arith.constant 0 : i32
      %dma_wait3A_1255 = tpu.memref_slice %arg6[%dma_wait3A_1251, %dma_wait3A_1253, %dma_wait3A_1254] : memref<8x128x64xf32, #tpu.memory_space<vmem>> -> memref<1x128x64xf32, #tpu.memory_space<vmem>>
      %dma_wait3A_1256 = tpu.memref_squeeze %dma_wait3A_1255 : memref<1x128x64xf32, #tpu.memory_space<vmem>> -> memref<128x64xf32, #tpu.memory_space<vmem>>
      %dma_wait3A_1257 = arith.constant 0 : i32
      %dma_wait3A_1258 = arith.constant 0 : i32
      %dma_wait3A_1259 = tpu.memref_slice %arg2[%dma_wait3A_1257, %dma_wait3A_1258] : memref<1000000x64xf32, #tpu.memory_space<hbm>> -> memref<128x64xf32, #tpu.memory_space<hbm>>
      %dma_wait3A_1260 = tpu.memref_slice %arg8[%dma_wait3A_1252] : memref<8x!tpu.dma_semaphore, #tpu.memory_space<semaphore_mem>> -> memref<1x!tpu.dma_semaphore, #tpu.memory_space<semaphore_mem>>
      %dma_wait3A_1261 = tpu.memref_squeeze %dma_wait3A_1260 : memref<1x!tpu.dma_semaphore, #tpu.memory_space<semaphore_mem>> -> memref<!tpu.dma_semaphore, #tpu.memory_space<semaphore_mem>>
      %dma_wait3A_1262 = arith.constant 0 : i32
      %dma_wait3A_1263 = arith.constant 0 : i32
      %dma_wait3A_1264 = tpu.memref_slice %arg6[%dma_wait3A_1251, %dma_wait3A_1262, %dma_wait3A_1263] : memref<8x128x64xf32, #tpu.memory_space<vmem>> -> memref<1x128x64xf32, #tpu.memory_space<vmem>>
      %dma_wait3A_1265 = tpu.memref_squeeze %dma_wait3A_1264 : memref<1x128x64xf32, #tpu.memory_space<vmem>> -> memref<128x64xf32, #tpu.memory_space<vmem>>
      %dma_wait3A_1266 = arith.constant 0 : i32
      %dma_wait3A_1267 = arith.constant 0 : i32
      %dma_wait3A_1268 = tpu.memref_slice %arg2[%dma_wait3A_1266, %dma_wait3A_1267] : memref<1000000x64xf32, #tpu.memory_space<hbm>> -> memref<128x64xf32, #tpu.memory_space<hbm>>
      tpu.wait_dma2 semaphore(%dma_wait3A_1261 : memref<!tpu.dma_semaphore, #tpu.memory_space<semaphore_mem>>) src(%dma_wait3A_1268 : memref<128x64xf32, #tpu.memory_space<hbm>>) dst(%dma_wait3A_1265 : memref<128x64xf32, #tpu.memory_space<vmem>>)
      %add3A_1269 = arith.constant 8 : i32
      %add3A_1270 = arith.addi %mul3A_586, %add3A_1269 : i32
      %add3A_1271 = arith.constant 2 : i32
      %add3A_1272 = arith.addi %add3A_1270, %add3A_1271 : i32
      %jit3A_1273 = arith.constant 50 : i32
      %div3A_1274 = arith.divsi %add3A_1272, %jit3A_1273 : i32
      %sign3A_1275 = arith.constant 0 : i32
      %sign3A_1276 = arith.cmpi sgt, %add3A_1272, %sign3A_1275 : i32
      %sign3A_1277 = arith.extui %sign3A_1276 : i1 to i32
      %sign3A_1278 = arith.constant 0 : i32
      %sign3A_1279 = arith.cmpi slt, %add3A_1272, %sign3A_1278 : i32
      %sign3A_1280 = arith.extui %sign3A_1279 : i1 to i32
      %sign3A_1281 = arith.subi %sign3A_1277, %sign3A_1280 : i32
      %sign3A_1282 = arith.constant 0 : i32
      %sign3A_1283 = arith.cmpi sgt, %jit3A_1273, %sign3A_1282 : i32
      %sign3A_1284 = arith.extui %sign3A_1283 : i1 to i32
      %sign3A_1285 = arith.constant 0 : i32
      %sign3A_1286 = arith.cmpi slt, %jit3A_1273, %sign3A_1285 : i32
      %sign3A_1287 = arith.extui %sign3A_1286 : i1 to i32
      %sign3A_1288 = arith.subi %sign3A_1284, %sign3A_1287 : i32
      %ne3A_1289 = arith.cmpi ne, %sign3A_1281, %sign3A_1288 : i32
      %rem3A_1290 = arith.remsi %add3A_1272, %jit3A_1273 : i32
      %ne3A_1291 = arith.constant 0 : i32
      %ne3A_1292 = arith.cmpi ne, %rem3A_1290, %ne3A_1291 : i32
      %and3A_1293 = arith.andi %ne3A_1289, %ne3A_1292 : i1
      %sub3A_1294 = arith.constant 1 : i32
      %sub3A_1295 = arith.subi %div3A_1274, %sub3A_1294 : i32
      %select_n3A_1296 = arith.select %and3A_1293, %sub3A_1295, %div3A_1274 : i32
      %mul3A_1297 = arith.constant 50 : i32
      %mul3A_1298 = arith.muli %select_n3A_1296, %mul3A_1297 : i32
      %sub3A_1299 = arith.subi %add3A_1272, %mul3A_1298 : i32
      %mul3A_1300 = arith.constant 128 : i32
      %mul3A_1301 = arith.muli %select_n3A_1296, %mul3A_1300 : i32
      %dma_start3A_1302 = arith.constant 2 : i32
      %dma_start3A_1303 = arith.constant 2 : i32
      %dma_start3A_1304 = arith.constant 0 : i32
      %dma_start3A_1305 = arith.constant 0 : i32
      %dma_start3A_1306 = tpu.memref_slice %arg6[%dma_start3A_1302, %dma_start3A_1304, %dma_start3A_1305] : memref<8x128x64xf32, #tpu.memory_space<vmem>> -> memref<1x128x64xf32, #tpu.memory_space<vmem>>
      %dma_start3A_1307 = tpu.memref_squeeze %dma_start3A_1306 : memref<1x128x64xf32, #tpu.memory_space<vmem>> -> memref<128x64xf32, #tpu.memory_space<vmem>>
      %dma_start3A_1308 = tpu.memref_slice %arg5[%sub3A_1299, %mul3A_1301] : memref<50x512xi32, #tpu.memory_space<vmem>> -> memref<1x128xi32, #tpu.memory_space<vmem>>
      %dma_start3A_1309 = tpu.memref_squeeze %dma_start3A_1308 : memref<1x128xi32, #tpu.memory_space<vmem>> -> memref<128xi32, #tpu.memory_space<vmem>>
      %dma_start3A_1310 = arith.constant 0 : i32
      %dma_start3A_1311 = arith.constant 0 : i32
      %dma_start3A_1312 = tpu.memref_slice %arg2[%dma_start3A_1310, %dma_start3A_1311] : memref<1000000x64xf32, #tpu.memory_space<hbm>> -> memref<1000000x64xf32, #tpu.memory_space<hbm>>
      %dma_start3A_1313 = tpu.memref_slice %arg7[%dma_start3A_1303] : memref<8x!tpu.dma_semaphore, #tpu.memory_space<semaphore_mem>> -> memref<1x!tpu.dma_semaphore, #tpu.memory_space<semaphore_mem>>
      %dma_start3A_1314 = tpu.memref_squeeze %dma_start3A_1313 : memref<1x!tpu.dma_semaphore, #tpu.memory_space<semaphore_mem>> -> memref<!tpu.dma_semaphore, #tpu.memory_space<semaphore_mem>>
      tpu.enqueue_indirect_dma source(%dma_start3A_1312 : memref<1000000x64xf32, #tpu.memory_space<hbm>>) target(%dma_start3A_1307 : memref<128x64xf32, #tpu.memory_space<vmem>>) offsets(%dma_start3A_1309 : memref<128xi32, #tpu.memory_space<vmem>>) semaphore(%dma_start3A_1314 : memref<!tpu.dma_semaphore, #tpu.memory_space<semaphore_mem>>)
      %dma_wait3A_1315 = arith.constant 3 : i32
      %dma_wait3A_1316 = arith.constant 3 : i32
      %dma_wait3A_1317 = arith.constant 0 : i32
      %dma_wait3A_1318 = arith.constant 0 : i32
      %dma_wait3A_1319 = tpu.memref_slice %arg6[%dma_wait3A_1315, %dma_wait3A_1317, %dma_wait3A_1318] : memref<8x128x64xf32, #tpu.memory_space<vmem>> -> memref<1x128x64xf32, #tpu.memory_space<vmem>>
      %dma_wait3A_1320 = tpu.memref_squeeze %dma_wait3A_1319 : memref<1x128x64xf32, #tpu.memory_space<vmem>> -> memref<128x64xf32, #tpu.memory_space<vmem>>
      %dma_wait3A_1321 = arith.constant 0 : i32
      %dma_wait3A_1322 = arith.constant 0 : i32
      %dma_wait3A_1323 = tpu.memref_slice %arg2[%dma_wait3A_1321, %dma_wait3A_1322] : memref<1000000x64xf32, #tpu.memory_space<hbm>> -> memref<128x64xf32, #tpu.memory_space<hbm>>
      %dma_wait3A_1324 = tpu.memref_slice %arg8[%dma_wait3A_1316] : memref<8x!tpu.dma_semaphore, #tpu.memory_space<semaphore_mem>> -> memref<1x!tpu.dma_semaphore, #tpu.memory_space<semaphore_mem>>
      %dma_wait3A_1325 = tpu.memref_squeeze %dma_wait3A_1324 : memref<1x!tpu.dma_semaphore, #tpu.memory_space<semaphore_mem>> -> memref<!tpu.dma_semaphore, #tpu.memory_space<semaphore_mem>>
      %dma_wait3A_1326 = arith.constant 0 : i32
      %dma_wait3A_1327 = arith.constant 0 : i32
      %dma_wait3A_1328 = tpu.memref_slice %arg6[%dma_wait3A_1315, %dma_wait3A_1326, %dma_wait3A_1327] : memref<8x128x64xf32, #tpu.memory_space<vmem>> -> memref<1x128x64xf32, #tpu.memory_space<vmem>>
      %dma_wait3A_1329 = tpu.memref_squeeze %dma_wait3A_1328 : memref<1x128x64xf32, #tpu.memory_space<vmem>> -> memref<128x64xf32, #tpu.memory_space<vmem>>
      %dma_wait3A_1330 = arith.constant 0 : i32
      %dma_wait3A_1331 = arith.constant 0 : i32
      %dma_wait3A_1332 = tpu.memref_slice %arg2[%dma_wait3A_1330, %dma_wait3A_1331] : memref<1000000x64xf32, #tpu.memory_space<hbm>> -> memref<128x64xf32, #tpu.memory_space<hbm>>
      tpu.wait_dma2 semaphore(%dma_wait3A_1325 : memref<!tpu.dma_semaphore, #tpu.memory_space<semaphore_mem>>) src(%dma_wait3A_1332 : memref<128x64xf32, #tpu.memory_space<hbm>>) dst(%dma_wait3A_1329 : memref<128x64xf32, #tpu.memory_space<vmem>>)
      %add3A_1333 = arith.constant 8 : i32
      %add3A_1334 = arith.addi %mul3A_586, %add3A_1333 : i32
      %add3A_1335 = arith.constant 3 : i32
      %add3A_1336 = arith.addi %add3A_1334, %add3A_1335 : i32
      %jit3A_1337 = arith.constant 50 : i32
      %div3A_1338 = arith.divsi %add3A_1336, %jit3A_1337 : i32
      %sign3A_1339 = arith.constant 0 : i32
      %sign3A_1340 = arith.cmpi sgt, %add3A_1336, %sign3A_1339 : i32
      %sign3A_1341 = arith.extui %sign3A_1340 : i1 to i32
      %sign3A_1342 = arith.constant 0 : i32
      %sign3A_1343 = arith.cmpi slt, %add3A_1336, %sign3A_1342 : i32
      %sign3A_1344 = arith.extui %sign3A_1343 : i1 to i32
      %sign3A_1345 = arith.subi %sign3A_1341, %sign3A_1344 : i32
      %sign3A_1346 = arith.constant 0 : i32
      %sign3A_1347 = arith.cmpi sgt, %jit3A_1337, %sign3A_1346 : i32
      %sign3A_1348 = arith.extui %sign3A_1347 : i1 to i32
      %sign3A_1349 = arith.constant 0 : i32
      %sign3A_1350 = arith.cmpi slt, %jit3A_1337, %sign3A_1349 : i32
      %sign3A_1351 = arith.extui %sign3A_1350 : i1 to i32
      %sign3A_1352 = arith.subi %sign3A_1348, %sign3A_1351 : i32
      %ne3A_1353 = arith.cmpi ne, %sign3A_1345, %sign3A_1352 : i32
      %rem3A_1354 = arith.remsi %add3A_1336, %jit3A_1337 : i32
      %ne3A_1355 = arith.constant 0 : i32
      %ne3A_1356 = arith.cmpi ne, %rem3A_1354, %ne3A_1355 : i32
      %and3A_1357 = arith.andi %ne3A_1353, %ne3A_1356 : i1
      %sub3A_1358 = arith.constant 1 : i32
      %sub3A_1359 = arith.subi %div3A_1338, %sub3A_1358 : i32
      %select_n3A_1360 = arith.select %and3A_1357, %sub3A_1359, %div3A_1338 : i32
      %mul3A_1361 = arith.constant 50 : i32
      %mul3A_1362 = arith.muli %select_n3A_1360, %mul3A_1361 : i32
      %sub3A_1363 = arith.subi %add3A_1336, %mul3A_1362 : i32
      %mul3A_1364 = arith.constant 128 : i32
      %mul3A_1365 = arith.muli %select_n3A_1360, %mul3A_1364 : i32
      %dma_start3A_1366 = arith.constant 3 : i32
      %dma_start3A_1367 = arith.constant 3 : i32
      %dma_start3A_1368 = arith.constant 0 : i32
      %dma_start3A_1369 = arith.constant 0 : i32
      %dma_start3A_1370 = tpu.memref_slice %arg6[%dma_start3A_1366, %dma_start3A_1368, %dma_start3A_1369] : memref<8x128x64xf32, #tpu.memory_space<vmem>> -> memref<1x128x64xf32, #tpu.memory_space<vmem>>
      %dma_start3A_1371 = tpu.memref_squeeze %dma_start3A_1370 : memref<1x128x64xf32, #tpu.memory_space<vmem>> -> memref<128x64xf32, #tpu.memory_space<vmem>>
      %dma_start3A_1372 = tpu.memref_slice %arg5[%sub3A_1363, %mul3A_1365] : memref<50x512xi32, #tpu.memory_space<vmem>> -> memref<1x128xi32, #tpu.memory_space<vmem>>
      %dma_start3A_1373 = tpu.memref_squeeze %dma_start3A_1372 : memref<1x128xi32, #tpu.memory_space<vmem>> -> memref<128xi32, #tpu.memory_space<vmem>>
      %dma_start3A_1374 = arith.constant 0 : i32
      %dma_start3A_1375 = arith.constant 0 : i32
      %dma_start3A_1376 = tpu.memref_slice %arg2[%dma_start3A_1374, %dma_start3A_1375] : memref<1000000x64xf32, #tpu.memory_space<hbm>> -> memref<1000000x64xf32, #tpu.memory_space<hbm>>
      %dma_start3A_1377 = tpu.memref_slice %arg7[%dma_start3A_1367] : memref<8x!tpu.dma_semaphore, #tpu.memory_space<semaphore_mem>> -> memref<1x!tpu.dma_semaphore, #tpu.memory_space<semaphore_mem>>
      %dma_start3A_1378 = tpu.memref_squeeze %dma_start3A_1377 : memref<1x!tpu.dma_semaphore, #tpu.memory_space<semaphore_mem>> -> memref<!tpu.dma_semaphore, #tpu.memory_space<semaphore_mem>>
      tpu.enqueue_indirect_dma source(%dma_start3A_1376 : memref<1000000x64xf32, #tpu.memory_space<hbm>>) target(%dma_start3A_1371 : memref<128x64xf32, #tpu.memory_space<vmem>>) offsets(%dma_start3A_1373 : memref<128xi32, #tpu.memory_space<vmem>>) semaphore(%dma_start3A_1378 : memref<!tpu.dma_semaphore, #tpu.memory_space<semaphore_mem>>)
      %dma_wait3A_1379 = arith.constant 4 : i32
      %dma_wait3A_1380 = arith.constant 4 : i32
      %dma_wait3A_1381 = arith.constant 0 : i32
      %dma_wait3A_1382 = arith.constant 0 : i32
      %dma_wait3A_1383 = tpu.memref_slice %arg6[%dma_wait3A_1379, %dma_wait3A_1381, %dma_wait3A_1382] : memref<8x128x64xf32, #tpu.memory_space<vmem>> -> memref<1x128x64xf32, #tpu.memory_space<vmem>>
      %dma_wait3A_1384 = tpu.memref_squeeze %dma_wait3A_1383 : memref<1x128x64xf32, #tpu.memory_space<vmem>> -> memref<128x64xf32, #tpu.memory_space<vmem>>
      %dma_wait3A_1385 = arith.constant 0 : i32
      %dma_wait3A_1386 = arith.constant 0 : i32
      %dma_wait3A_1387 = tpu.memref_slice %arg2[%dma_wait3A_1385, %dma_wait3A_1386] : memref<1000000x64xf32, #tpu.memory_space<hbm>> -> memref<128x64xf32, #tpu.memory_space<hbm>>
      %dma_wait3A_1388 = tpu.memref_slice %arg8[%dma_wait3A_1380] : memref<8x!tpu.dma_semaphore, #tpu.memory_space<semaphore_mem>> -> memref<1x!tpu.dma_semaphore, #tpu.memory_space<semaphore_mem>>
      %dma_wait3A_1389 = tpu.memref_squeeze %dma_wait3A_1388 : memref<1x!tpu.dma_semaphore, #tpu.memory_space<semaphore_mem>> -> memref<!tpu.dma_semaphore, #tpu.memory_space<semaphore_mem>>
      %dma_wait3A_1390 = arith.constant 0 : i32
      %dma_wait3A_1391 = arith.constant 0 : i32
      %dma_wait3A_1392 = tpu.memref_slice %arg6[%dma_wait3A_1379, %dma_wait3A_1390, %dma_wait3A_1391] : memref<8x128x64xf32, #tpu.memory_space<vmem>> -> memref<1x128x64xf32, #tpu.memory_space<vmem>>
      %dma_wait3A_1393 = tpu.memref_squeeze %dma_wait3A_1392 : memref<1x128x64xf32, #tpu.memory_space<vmem>> -> memref<128x64xf32, #tpu.memory_space<vmem>>
      %dma_wait3A_1394 = arith.constant 0 : i32
      %dma_wait3A_1395 = arith.constant 0 : i32
      %dma_wait3A_1396 = tpu.memref_slice %arg2[%dma_wait3A_1394, %dma_wait3A_1395] : memref<1000000x64xf32, #tpu.memory_space<hbm>> -> memref<128x64xf32, #tpu.memory_space<hbm>>
      tpu.wait_dma2 semaphore(%dma_wait3A_1389 : memref<!tpu.dma_semaphore, #tpu.memory_space<semaphore_mem>>) src(%dma_wait3A_1396 : memref<128x64xf32, #tpu.memory_space<hbm>>) dst(%dma_wait3A_1393 : memref<128x64xf32, #tpu.memory_space<vmem>>)
      %add3A_1397 = arith.constant 8 : i32
      %add3A_1398 = arith.addi %mul3A_586, %add3A_1397 : i32
      %add3A_1399 = arith.constant 4 : i32
      %add3A_1400 = arith.addi %add3A_1398, %add3A_1399 : i32
      %jit3A_1401 = arith.constant 50 : i32
      %div3A_1402 = arith.divsi %add3A_1400, %jit3A_1401 : i32
      %sign3A_1403 = arith.constant 0 : i32
      %sign3A_1404 = arith.cmpi sgt, %add3A_1400, %sign3A_1403 : i32
      %sign3A_1405 = arith.extui %sign3A_1404 : i1 to i32
      %sign3A_1406 = arith.constant 0 : i32
      %sign3A_1407 = arith.cmpi slt, %add3A_1400, %sign3A_1406 : i32
      %sign3A_1408 = arith.extui %sign3A_1407 : i1 to i32
      %sign3A_1409 = arith.subi %sign3A_1405, %sign3A_1408 : i32
      %sign3A_1410 = arith.constant 0 : i32
      %sign3A_1411 = arith.cmpi sgt, %jit3A_1401, %sign3A_1410 : i32
      %sign3A_1412 = arith.extui %sign3A_1411 : i1 to i32
      %sign3A_1413 = arith.constant 0 : i32
      %sign3A_1414 = arith.cmpi slt, %jit3A_1401, %sign3A_1413 : i32
      %sign3A_1415 = arith.extui %sign3A_1414 : i1 to i32
      %sign3A_1416 = arith.subi %sign3A_1412, %sign3A_1415 : i32
      %ne3A_1417 = arith.cmpi ne, %sign3A_1409, %sign3A_1416 : i32
      %rem3A_1418 = arith.remsi %add3A_1400, %jit3A_1401 : i32
      %ne3A_1419 = arith.constant 0 : i32
      %ne3A_1420 = arith.cmpi ne, %rem3A_1418, %ne3A_1419 : i32
      %and3A_1421 = arith.andi %ne3A_1417, %ne3A_1420 : i1
      %sub3A_1422 = arith.constant 1 : i32
      %sub3A_1423 = arith.subi %div3A_1402, %sub3A_1422 : i32
      %select_n3A_1424 = arith.select %and3A_1421, %sub3A_1423, %div3A_1402 : i32
      %mul3A_1425 = arith.constant 50 : i32
      %mul3A_1426 = arith.muli %select_n3A_1424, %mul3A_1425 : i32
      %sub3A_1427 = arith.subi %add3A_1400, %mul3A_1426 : i32
      %mul3A_1428 = arith.constant 128 : i32
      %mul3A_1429 = arith.muli %select_n3A_1424, %mul3A_1428 : i32
      %dma_start3A_1430 = arith.constant 4 : i32
      %dma_start3A_1431 = arith.constant 4 : i32
      %dma_start3A_1432 = arith.constant 0 : i32
      %dma_start3A_1433 = arith.constant 0 : i32
      %dma_start3A_1434 = tpu.memref_slice %arg6[%dma_start3A_1430, %dma_start3A_1432, %dma_start3A_1433] : memref<8x128x64xf32, #tpu.memory_space<vmem>> -> memref<1x128x64xf32, #tpu.memory_space<vmem>>
      %dma_start3A_1435 = tpu.memref_squeeze %dma_start3A_1434 : memref<1x128x64xf32, #tpu.memory_space<vmem>> -> memref<128x64xf32, #tpu.memory_space<vmem>>
      %dma_start3A_1436 = tpu.memref_slice %arg5[%sub3A_1427, %mul3A_1429] : memref<50x512xi32, #tpu.memory_space<vmem>> -> memref<1x128xi32, #tpu.memory_space<vmem>>
      %dma_start3A_1437 = tpu.memref_squeeze %dma_start3A_1436 : memref<1x128xi32, #tpu.memory_space<vmem>> -> memref<128xi32, #tpu.memory_space<vmem>>
      %dma_start3A_1438 = arith.constant 0 : i32
      %dma_start3A_1439 = arith.constant 0 : i32
      %dma_start3A_1440 = tpu.memref_slice %arg2[%dma_start3A_1438, %dma_start3A_1439] : memref<1000000x64xf32, #tpu.memory_space<hbm>> -> memref<1000000x64xf32, #tpu.memory_space<hbm>>
      %dma_start3A_1441 = tpu.memref_slice %arg7[%dma_start3A_1431] : memref<8x!tpu.dma_semaphore, #tpu.memory_space<semaphore_mem>> -> memref<1x!tpu.dma_semaphore, #tpu.memory_space<semaphore_mem>>
      %dma_start3A_1442 = tpu.memref_squeeze %dma_start3A_1441 : memref<1x!tpu.dma_semaphore, #tpu.memory_space<semaphore_mem>> -> memref<!tpu.dma_semaphore, #tpu.memory_space<semaphore_mem>>
      tpu.enqueue_indirect_dma source(%dma_start3A_1440 : memref<1000000x64xf32, #tpu.memory_space<hbm>>) target(%dma_start3A_1435 : memref<128x64xf32, #tpu.memory_space<vmem>>) offsets(%dma_start3A_1437 : memref<128xi32, #tpu.memory_space<vmem>>) semaphore(%dma_start3A_1442 : memref<!tpu.dma_semaphore, #tpu.memory_space<semaphore_mem>>)
      %dma_wait3A_1443 = arith.constant 5 : i32
      %dma_wait3A_1444 = arith.constant 5 : i32
      %dma_wait3A_1445 = arith.constant 0 : i32
      %dma_wait3A_1446 = arith.constant 0 : i32
      %dma_wait3A_1447 = tpu.memref_slice %arg6[%dma_wait3A_1443, %dma_wait3A_1445, %dma_wait3A_1446] : memref<8x128x64xf32, #tpu.memory_space<vmem>> -> memref<1x128x64xf32, #tpu.memory_space<vmem>>
      %dma_wait3A_1448 = tpu.memref_squeeze %dma_wait3A_1447 : memref<1x128x64xf32, #tpu.memory_space<vmem>> -> memref<128x64xf32, #tpu.memory_space<vmem>>
      %dma_wait3A_1449 = arith.constant 0 : i32
      %dma_wait3A_1450 = arith.constant 0 : i32
      %dma_wait3A_1451 = tpu.memref_slice %arg2[%dma_wait3A_1449, %dma_wait3A_1450] : memref<1000000x64xf32, #tpu.memory_space<hbm>> -> memref<128x64xf32, #tpu.memory_space<hbm>>
      %dma_wait3A_1452 = tpu.memref_slice %arg8[%dma_wait3A_1444] : memref<8x!tpu.dma_semaphore, #tpu.memory_space<semaphore_mem>> -> memref<1x!tpu.dma_semaphore, #tpu.memory_space<semaphore_mem>>
      %dma_wait3A_1453 = tpu.memref_squeeze %dma_wait3A_1452 : memref<1x!tpu.dma_semaphore, #tpu.memory_space<semaphore_mem>> -> memref<!tpu.dma_semaphore, #tpu.memory_space<semaphore_mem>>
      %dma_wait3A_1454 = arith.constant 0 : i32
      %dma_wait3A_1455 = arith.constant 0 : i32
      %dma_wait3A_1456 = tpu.memref_slice %arg6[%dma_wait3A_1443, %dma_wait3A_1454, %dma_wait3A_1455] : memref<8x128x64xf32, #tpu.memory_space<vmem>> -> memref<1x128x64xf32, #tpu.memory_space<vmem>>
      %dma_wait3A_1457 = tpu.memref_squeeze %dma_wait3A_1456 : memref<1x128x64xf32, #tpu.memory_space<vmem>> -> memref<128x64xf32, #tpu.memory_space<vmem>>
      %dma_wait3A_1458 = arith.constant 0 : i32
      %dma_wait3A_1459 = arith.constant 0 : i32
      %dma_wait3A_1460 = tpu.memref_slice %arg2[%dma_wait3A_1458, %dma_wait3A_1459] : memref<1000000x64xf32, #tpu.memory_space<hbm>> -> memref<128x64xf32, #tpu.memory_space<hbm>>
      tpu.wait_dma2 semaphore(%dma_wait3A_1453 : memref<!tpu.dma_semaphore, #tpu.memory_space<semaphore_mem>>) src(%dma_wait3A_1460 : memref<128x64xf32, #tpu.memory_space<hbm>>) dst(%dma_wait3A_1457 : memref<128x64xf32, #tpu.memory_space<vmem>>)
      %add3A_1461 = arith.constant 8 : i32
      %add3A_1462 = arith.addi %mul3A_586, %add3A_1461 : i32
      %add3A_1463 = arith.constant 5 : i32
      %add3A_1464 = arith.addi %add3A_1462, %add3A_1463 : i32
      %jit3A_1465 = arith.constant 50 : i32
      %div3A_1466 = arith.divsi %add3A_1464, %jit3A_1465 : i32
      %sign3A_1467 = arith.constant 0 : i32
      %sign3A_1468 = arith.cmpi sgt, %add3A_1464, %sign3A_1467 : i32
      %sign3A_1469 = arith.extui %sign3A_1468 : i1 to i32
      %sign3A_1470 = arith.constant 0 : i32
      %sign3A_1471 = arith.cmpi slt, %add3A_1464, %sign3A_1470 : i32
      %sign3A_1472 = arith.extui %sign3A_1471 : i1 to i32
      %sign3A_1473 = arith.subi %sign3A_1469, %sign3A_1472 : i32
      %sign3A_1474 = arith.constant 0 : i32
      %sign3A_1475 = arith.cmpi sgt, %jit3A_1465, %sign3A_1474 : i32
      %sign3A_1476 = arith.extui %sign3A_1475 : i1 to i32
      %sign3A_1477 = arith.constant 0 : i32
      %sign3A_1478 = arith.cmpi slt, %jit3A_1465, %sign3A_1477 : i32
      %sign3A_1479 = arith.extui %sign3A_1478 : i1 to i32
      %sign3A_1480 = arith.subi %sign3A_1476, %sign3A_1479 : i32
      %ne3A_1481 = arith.cmpi ne, %sign3A_1473, %sign3A_1480 : i32
      %rem3A_1482 = arith.remsi %add3A_1464, %jit3A_1465 : i32
      %ne3A_1483 = arith.constant 0 : i32
      %ne3A_1484 = arith.cmpi ne, %rem3A_1482, %ne3A_1483 : i32
      %and3A_1485 = arith.andi %ne3A_1481, %ne3A_1484 : i1
      %sub3A_1486 = arith.constant 1 : i32
      %sub3A_1487 = arith.subi %div3A_1466, %sub3A_1486 : i32
      %select_n3A_1488 = arith.select %and3A_1485, %sub3A_1487, %div3A_1466 : i32
      %mul3A_1489 = arith.constant 50 : i32
      %mul3A_1490 = arith.muli %select_n3A_1488, %mul3A_1489 : i32
      %sub3A_1491 = arith.subi %add3A_1464, %mul3A_1490 : i32
      %mul3A_1492 = arith.constant 128 : i32
      %mul3A_1493 = arith.muli %select_n3A_1488, %mul3A_1492 : i32
      %dma_start3A_1494 = arith.constant 5 : i32
      %dma_start3A_1495 = arith.constant 5 : i32
      %dma_start3A_1496 = arith.constant 0 : i32
      %dma_start3A_1497 = arith.constant 0 : i32
      %dma_start3A_1498 = tpu.memref_slice %arg6[%dma_start3A_1494, %dma_start3A_1496, %dma_start3A_1497] : memref<8x128x64xf32, #tpu.memory_space<vmem>> -> memref<1x128x64xf32, #tpu.memory_space<vmem>>
      %dma_start3A_1499 = tpu.memref_squeeze %dma_start3A_1498 : memref<1x128x64xf32, #tpu.memory_space<vmem>> -> memref<128x64xf32, #tpu.memory_space<vmem>>
      %dma_start3A_1500 = tpu.memref_slice %arg5[%sub3A_1491, %mul3A_1493] : memref<50x512xi32, #tpu.memory_space<vmem>> -> memref<1x128xi32, #tpu.memory_space<vmem>>
      %dma_start3A_1501 = tpu.memref_squeeze %dma_start3A_1500 : memref<1x128xi32, #tpu.memory_space<vmem>> -> memref<128xi32, #tpu.memory_space<vmem>>
      %dma_start3A_1502 = arith.constant 0 : i32
      %dma_start3A_1503 = arith.constant 0 : i32
      %dma_start3A_1504 = tpu.memref_slice %arg2[%dma_start3A_1502, %dma_start3A_1503] : memref<1000000x64xf32, #tpu.memory_space<hbm>> -> memref<1000000x64xf32, #tpu.memory_space<hbm>>
      %dma_start3A_1505 = tpu.memref_slice %arg7[%dma_start3A_1495] : memref<8x!tpu.dma_semaphore, #tpu.memory_space<semaphore_mem>> -> memref<1x!tpu.dma_semaphore, #tpu.memory_space<semaphore_mem>>
      %dma_start3A_1506 = tpu.memref_squeeze %dma_start3A_1505 : memref<1x!tpu.dma_semaphore, #tpu.memory_space<semaphore_mem>> -> memref<!tpu.dma_semaphore, #tpu.memory_space<semaphore_mem>>
      tpu.enqueue_indirect_dma source(%dma_start3A_1504 : memref<1000000x64xf32, #tpu.memory_space<hbm>>) target(%dma_start3A_1499 : memref<128x64xf32, #tpu.memory_space<vmem>>) offsets(%dma_start3A_1501 : memref<128xi32, #tpu.memory_space<vmem>>) semaphore(%dma_start3A_1506 : memref<!tpu.dma_semaphore, #tpu.memory_space<semaphore_mem>>)
      %dma_wait3A_1507 = arith.constant 6 : i32
      %dma_wait3A_1508 = arith.constant 6 : i32
      %dma_wait3A_1509 = arith.constant 0 : i32
      %dma_wait3A_1510 = arith.constant 0 : i32
      %dma_wait3A_1511 = tpu.memref_slice %arg6[%dma_wait3A_1507, %dma_wait3A_1509, %dma_wait3A_1510] : memref<8x128x64xf32, #tpu.memory_space<vmem>> -> memref<1x128x64xf32, #tpu.memory_space<vmem>>
      %dma_wait3A_1512 = tpu.memref_squeeze %dma_wait3A_1511 : memref<1x128x64xf32, #tpu.memory_space<vmem>> -> memref<128x64xf32, #tpu.memory_space<vmem>>
      %dma_wait3A_1513 = arith.constant 0 : i32
      %dma_wait3A_1514 = arith.constant 0 : i32
      %dma_wait3A_1515 = tpu.memref_slice %arg2[%dma_wait3A_1513, %dma_wait3A_1514] : memref<1000000x64xf32, #tpu.memory_space<hbm>> -> memref<128x64xf32, #tpu.memory_space<hbm>>
      %dma_wait3A_1516 = tpu.memref_slice %arg8[%dma_wait3A_1508] : memref<8x!tpu.dma_semaphore, #tpu.memory_space<semaphore_mem>> -> memref<1x!tpu.dma_semaphore, #tpu.memory_space<semaphore_mem>>
      %dma_wait3A_1517 = tpu.memref_squeeze %dma_wait3A_1516 : memref<1x!tpu.dma_semaphore, #tpu.memory_space<semaphore_mem>> -> memref<!tpu.dma_semaphore, #tpu.memory_space<semaphore_mem>>
      %dma_wait3A_1518 = arith.constant 0 : i32
      %dma_wait3A_1519 = arith.constant 0 : i32
      %dma_wait3A_1520 = tpu.memref_slice %arg6[%dma_wait3A_1507, %dma_wait3A_1518, %dma_wait3A_1519] : memref<8x128x64xf32, #tpu.memory_space<vmem>> -> memref<1x128x64xf32, #tpu.memory_space<vmem>>
      %dma_wait3A_1521 = tpu.memref_squeeze %dma_wait3A_1520 : memref<1x128x64xf32, #tpu.memory_space<vmem>> -> memref<128x64xf32, #tpu.memory_space<vmem>>
      %dma_wait3A_1522 = arith.constant 0 : i32
      %dma_wait3A_1523 = arith.constant 0 : i32
      %dma_wait3A_1524 = tpu.memref_slice %arg2[%dma_wait3A_1522, %dma_wait3A_1523] : memref<1000000x64xf32, #tpu.memory_space<hbm>> -> memref<128x64xf32, #tpu.memory_space<hbm>>
      tpu.wait_dma2 semaphore(%dma_wait3A_1517 : memref<!tpu.dma_semaphore, #tpu.memory_space<semaphore_mem>>) src(%dma_wait3A_1524 : memref<128x64xf32, #tpu.memory_space<hbm>>) dst(%dma_wait3A_1521 : memref<128x64xf32, #tpu.memory_space<vmem>>)
      %add3A_1525 = arith.constant 8 : i32
      %add3A_1526 = arith.addi %mul3A_586, %add3A_1525 : i32
      %add3A_1527 = arith.constant 6 : i32
      %add3A_1528 = arith.addi %add3A_1526, %add3A_1527 : i32
      %jit3A_1529 = arith.constant 50 : i32
      %div3A_1530 = arith.divsi %add3A_1528, %jit3A_1529 : i32
      %sign3A_1531 = arith.constant 0 : i32
      %sign3A_1532 = arith.cmpi sgt, %add3A_1528, %sign3A_1531 : i32
      %sign3A_1533 = arith.extui %sign3A_1532 : i1 to i32
      %sign3A_1534 = arith.constant 0 : i32
      %sign3A_1535 = arith.cmpi slt, %add3A_1528, %sign3A_1534 : i32
      %sign3A_1536 = arith.extui %sign3A_1535 : i1 to i32
      %sign3A_1537 = arith.subi %sign3A_1533, %sign3A_1536 : i32
      %sign3A_1538 = arith.constant 0 : i32
      %sign3A_1539 = arith.cmpi sgt, %jit3A_1529, %sign3A_1538 : i32
      %sign3A_1540 = arith.extui %sign3A_1539 : i1 to i32
      %sign3A_1541 = arith.constant 0 : i32
      %sign3A_1542 = arith.cmpi slt, %jit3A_1529, %sign3A_1541 : i32
      %sign3A_1543 = arith.extui %sign3A_1542 : i1 to i32
      %sign3A_1544 = arith.subi %sign3A_1540, %sign3A_1543 : i32
      %ne3A_1545 = arith.cmpi ne, %sign3A_1537, %sign3A_1544 : i32
      %rem3A_1546 = arith.remsi %add3A_1528, %jit3A_1529 : i32
      %ne3A_1547 = arith.constant 0 : i32
      %ne3A_1548 = arith.cmpi ne, %rem3A_1546, %ne3A_1547 : i32
      %and3A_1549 = arith.andi %ne3A_1545, %ne3A_1548 : i1
      %sub3A_1550 = arith.constant 1 : i32
      %sub3A_1551 = arith.subi %div3A_1530, %sub3A_1550 : i32
      %select_n3A_1552 = arith.select %and3A_1549, %sub3A_1551, %div3A_1530 : i32
      %mul3A_1553 = arith.constant 50 : i32
      %mul3A_1554 = arith.muli %select_n3A_1552, %mul3A_1553 : i32
      %sub3A_1555 = arith.subi %add3A_1528, %mul3A_1554 : i32
      %mul3A_1556 = arith.constant 128 : i32
      %mul3A_1557 = arith.muli %select_n3A_1552, %mul3A_1556 : i32
      %dma_start3A_1558 = arith.constant 6 : i32
      %dma_start3A_1559 = arith.constant 6 : i32
      %dma_start3A_1560 = arith.constant 0 : i32
      %dma_start3A_1561 = arith.constant 0 : i32
      %dma_start3A_1562 = tpu.memref_slice %arg6[%dma_start3A_1558, %dma_start3A_1560, %dma_start3A_1561] : memref<8x128x64xf32, #tpu.memory_space<vmem>> -> memref<1x128x64xf32, #tpu.memory_space<vmem>>
      %dma_start3A_1563 = tpu.memref_squeeze %dma_start3A_1562 : memref<1x128x64xf32, #tpu.memory_space<vmem>> -> memref<128x64xf32, #tpu.memory_space<vmem>>
      %dma_start3A_1564 = tpu.memref_slice %arg5[%sub3A_1555, %mul3A_1557] : memref<50x512xi32, #tpu.memory_space<vmem>> -> memref<1x128xi32, #tpu.memory_space<vmem>>
      %dma_start3A_1565 = tpu.memref_squeeze %dma_start3A_1564 : memref<1x128xi32, #tpu.memory_space<vmem>> -> memref<128xi32, #tpu.memory_space<vmem>>
      %dma_start3A_1566 = arith.constant 0 : i32
      %dma_start3A_1567 = arith.constant 0 : i32
      %dma_start3A_1568 = tpu.memref_slice %arg2[%dma_start3A_1566, %dma_start3A_1567] : memref<1000000x64xf32, #tpu.memory_space<hbm>> -> memref<1000000x64xf32, #tpu.memory_space<hbm>>
      %dma_start3A_1569 = tpu.memref_slice %arg7[%dma_start3A_1559] : memref<8x!tpu.dma_semaphore, #tpu.memory_space<semaphore_mem>> -> memref<1x!tpu.dma_semaphore, #tpu.memory_space<semaphore_mem>>
      %dma_start3A_1570 = tpu.memref_squeeze %dma_start3A_1569 : memref<1x!tpu.dma_semaphore, #tpu.memory_space<semaphore_mem>> -> memref<!tpu.dma_semaphore, #tpu.memory_space<semaphore_mem>>
      tpu.enqueue_indirect_dma source(%dma_start3A_1568 : memref<1000000x64xf32, #tpu.memory_space<hbm>>) target(%dma_start3A_1563 : memref<128x64xf32, #tpu.memory_space<vmem>>) offsets(%dma_start3A_1565 : memref<128xi32, #tpu.memory_space<vmem>>) semaphore(%dma_start3A_1570 : memref<!tpu.dma_semaphore, #tpu.memory_space<semaphore_mem>>)
      %dma_wait3A_1571 = arith.constant 7 : i32
      %dma_wait3A_1572 = arith.constant 7 : i32
      %dma_wait3A_1573 = arith.constant 0 : i32
      %dma_wait3A_1574 = arith.constant 0 : i32
      %dma_wait3A_1575 = tpu.memref_slice %arg6[%dma_wait3A_1571, %dma_wait3A_1573, %dma_wait3A_1574] : memref<8x128x64xf32, #tpu.memory_space<vmem>> -> memref<1x128x64xf32, #tpu.memory_space<vmem>>
      %dma_wait3A_1576 = tpu.memref_squeeze %dma_wait3A_1575 : memref<1x128x64xf32, #tpu.memory_space<vmem>> -> memref<128x64xf32, #tpu.memory_space<vmem>>
      %dma_wait3A_1577 = arith.constant 0 : i32
      %dma_wait3A_1578 = arith.constant 0 : i32
      %dma_wait3A_1579 = tpu.memref_slice %arg2[%dma_wait3A_1577, %dma_wait3A_1578] : memref<1000000x64xf32, #tpu.memory_space<hbm>> -> memref<128x64xf32, #tpu.memory_space<hbm>>
      %dma_wait3A_1580 = tpu.memref_slice %arg8[%dma_wait3A_1572] : memref<8x!tpu.dma_semaphore, #tpu.memory_space<semaphore_mem>> -> memref<1x!tpu.dma_semaphore, #tpu.memory_space<semaphore_mem>>
      %dma_wait3A_1581 = tpu.memref_squeeze %dma_wait3A_1580 : memref<1x!tpu.dma_semaphore, #tpu.memory_space<semaphore_mem>> -> memref<!tpu.dma_semaphore, #tpu.memory_space<semaphore_mem>>
      %dma_wait3A_1582 = arith.constant 0 : i32
      %dma_wait3A_1583 = arith.constant 0 : i32
      %dma_wait3A_1584 = tpu.memref_slice %arg6[%dma_wait3A_1571, %dma_wait3A_1582, %dma_wait3A_1583] : memref<8x128x64xf32, #tpu.memory_space<vmem>> -> memref<1x128x64xf32, #tpu.memory_space<vmem>>
      %dma_wait3A_1585 = tpu.memref_squeeze %dma_wait3A_1584 : memref<1x128x64xf32, #tpu.memory_space<vmem>> -> memref<128x64xf32, #tpu.memory_space<vmem>>
      %dma_wait3A_1586 = arith.constant 0 : i32
      %dma_wait3A_1587 = arith.constant 0 : i32
      %dma_wait3A_1588 = tpu.memref_slice %arg2[%dma_wait3A_1586, %dma_wait3A_1587] : memref<1000000x64xf32, #tpu.memory_space<hbm>> -> memref<128x64xf32, #tpu.memory_space<hbm>>
      tpu.wait_dma2 semaphore(%dma_wait3A_1581 : memref<!tpu.dma_semaphore, #tpu.memory_space<semaphore_mem>>) src(%dma_wait3A_1588 : memref<128x64xf32, #tpu.memory_space<hbm>>) dst(%dma_wait3A_1585 : memref<128x64xf32, #tpu.memory_space<vmem>>)
      %add3A_1589 = arith.constant 8 : i32
      %add3A_1590 = arith.addi %mul3A_586, %add3A_1589 : i32
      %add3A_1591 = arith.constant 7 : i32
      %add3A_1592 = arith.addi %add3A_1590, %add3A_1591 : i32
      %jit3A_1593 = arith.constant 50 : i32
      %div3A_1594 = arith.divsi %add3A_1592, %jit3A_1593 : i32
      %sign3A_1595 = arith.constant 0 : i32
      %sign3A_1596 = arith.cmpi sgt, %add3A_1592, %sign3A_1595 : i32
      %sign3A_1597 = arith.extui %sign3A_1596 : i1 to i32
      %sign3A_1598 = arith.constant 0 : i32
      %sign3A_1599 = arith.cmpi slt, %add3A_1592, %sign3A_1598 : i32
      %sign3A_1600 = arith.extui %sign3A_1599 : i1 to i32
      %sign3A_1601 = arith.subi %sign3A_1597, %sign3A_1600 : i32
      %sign3A_1602 = arith.constant 0 : i32
      %sign3A_1603 = arith.cmpi sgt, %jit3A_1593, %sign3A_1602 : i32
      %sign3A_1604 = arith.extui %sign3A_1603 : i1 to i32
      %sign3A_1605 = arith.constant 0 : i32
      %sign3A_1606 = arith.cmpi slt, %jit3A_1593, %sign3A_1605 : i32
      %sign3A_1607 = arith.extui %sign3A_1606 : i1 to i32
      %sign3A_1608 = arith.subi %sign3A_1604, %sign3A_1607 : i32
      %ne3A_1609 = arith.cmpi ne, %sign3A_1601, %sign3A_1608 : i32
      %rem3A_1610 = arith.remsi %add3A_1592, %jit3A_1593 : i32
      %ne3A_1611 = arith.constant 0 : i32
      %ne3A_1612 = arith.cmpi ne, %rem3A_1610, %ne3A_1611 : i32
      %and3A_1613 = arith.andi %ne3A_1609, %ne3A_1612 : i1
      %sub3A_1614 = arith.constant 1 : i32
      %sub3A_1615 = arith.subi %div3A_1594, %sub3A_1614 : i32
      %select_n3A_1616 = arith.select %and3A_1613, %sub3A_1615, %div3A_1594 : i32
      %mul3A_1617 = arith.constant 50 : i32
      %mul3A_1618 = arith.muli %select_n3A_1616, %mul3A_1617 : i32
      %sub3A_1619 = arith.subi %add3A_1592, %mul3A_1618 : i32
      %mul3A_1620 = arith.constant 128 : i32
      %mul3A_1621 = arith.muli %select_n3A_1616, %mul3A_1620 : i32
      %dma_start3A_1622 = arith.constant 7 : i32
      %dma_start3A_1623 = arith.constant 7 : i32
      %dma_start3A_1624 = arith.constant 0 : i32
      %dma_start3A_1625 = arith.constant 0 : i32
      %dma_start3A_1626 = tpu.memref_slice %arg6[%dma_start3A_1622, %dma_start3A_1624, %dma_start3A_1625] : memref<8x128x64xf32, #tpu.memory_space<vmem>> -> memref<1x128x64xf32, #tpu.memory_space<vmem>>
      %dma_start3A_1627 = tpu.memref_squeeze %dma_start3A_1626 : memref<1x128x64xf32, #tpu.memory_space<vmem>> -> memref<128x64xf32, #tpu.memory_space<vmem>>
      %dma_start3A_1628 = tpu.memref_slice %arg5[%sub3A_1619, %mul3A_1621] : memref<50x512xi32, #tpu.memory_space<vmem>> -> memref<1x128xi32, #tpu.memory_space<vmem>>
      %dma_start3A_1629 = tpu.memref_squeeze %dma_start3A_1628 : memref<1x128xi32, #tpu.memory_space<vmem>> -> memref<128xi32, #tpu.memory_space<vmem>>
      %dma_start3A_1630 = arith.constant 0 : i32
      %dma_start3A_1631 = arith.constant 0 : i32
      %dma_start3A_1632 = tpu.memref_slice %arg2[%dma_start3A_1630, %dma_start3A_1631] : memref<1000000x64xf32, #tpu.memory_space<hbm>> -> memref<1000000x64xf32, #tpu.memory_space<hbm>>
      %dma_start3A_1633 = tpu.memref_slice %arg7[%dma_start3A_1623] : memref<8x!tpu.dma_semaphore, #tpu.memory_space<semaphore_mem>> -> memref<1x!tpu.dma_semaphore, #tpu.memory_space<semaphore_mem>>
      %dma_start3A_1634 = tpu.memref_squeeze %dma_start3A_1633 : memref<1x!tpu.dma_semaphore, #tpu.memory_space<semaphore_mem>> -> memref<!tpu.dma_semaphore, #tpu.memory_space<semaphore_mem>>
      tpu.enqueue_indirect_dma source(%dma_start3A_1632 : memref<1000000x64xf32, #tpu.memory_space<hbm>>) target(%dma_start3A_1627 : memref<128x64xf32, #tpu.memory_space<vmem>>) offsets(%dma_start3A_1629 : memref<128xi32, #tpu.memory_space<vmem>>) semaphore(%dma_start3A_1634 : memref<!tpu.dma_semaphore, #tpu.memory_space<semaphore_mem>>)
    }
    %scan3A_128 = arith.constant 24 : i32
    %dma_wait3A = arith.constant 0 : i32
    %dma_wait3A_129 = arith.constant 0 : i32
    %dma_wait3A_130 = arith.constant 0 : i32
    %dma_wait3A_131 = arith.constant 0 : i32
    %dma_wait3A_132 = tpu.memref_slice %arg6[%dma_wait3A, %dma_wait3A_130, %dma_wait3A_131] : memref<8x128x64xf32, #tpu.memory_space<vmem>> -> memref<1x128x64xf32, #tpu.memory_space<vmem>>
    %dma_wait3A_133 = tpu.memref_squeeze %dma_wait3A_132 : memref<1x128x64xf32, #tpu.memory_space<vmem>> -> memref<128x64xf32, #tpu.memory_space<vmem>>
    %dma_wait3A_134 = arith.constant 0 : i32
    %dma_wait3A_135 = arith.constant 0 : i32
    %dma_wait3A_136 = tpu.memref_slice %arg2[%dma_wait3A_134, %dma_wait3A_135] : memref<1000000x64xf32, #tpu.memory_space<hbm>> -> memref<128x64xf32, #tpu.memory_space<hbm>>
    %dma_wait3A_137 = tpu.memref_slice %arg7[%dma_wait3A_129] : memref<8x!tpu.dma_semaphore, #tpu.memory_space<semaphore_mem>> -> memref<1x!tpu.dma_semaphore, #tpu.memory_space<semaphore_mem>>
    %dma_wait3A_138 = tpu.memref_squeeze %dma_wait3A_137 : memref<1x!tpu.dma_semaphore, #tpu.memory_space<semaphore_mem>> -> memref<!tpu.dma_semaphore, #tpu.memory_space<semaphore_mem>>
    %dma_wait3A_139 = arith.constant 0 : i32
    %dma_wait3A_140 = arith.constant 0 : i32
    %dma_wait3A_141 = tpu.memref_slice %arg6[%dma_wait3A, %dma_wait3A_139, %dma_wait3A_140] : memref<8x128x64xf32, #tpu.memory_space<vmem>> -> memref<1x128x64xf32, #tpu.memory_space<vmem>>
    %dma_wait3A_142 = tpu.memref_squeeze %dma_wait3A_141 : memref<1x128x64xf32, #tpu.memory_space<vmem>> -> memref<128x64xf32, #tpu.memory_space<vmem>>
    %dma_wait3A_143 = arith.constant 0 : i32
    %dma_wait3A_144 = arith.constant 0 : i32
    %dma_wait3A_145 = tpu.memref_slice %arg2[%dma_wait3A_143, %dma_wait3A_144] : memref<1000000x64xf32, #tpu.memory_space<hbm>> -> memref<128x64xf32, #tpu.memory_space<hbm>>
    tpu.wait_dma2 semaphore(%dma_wait3A_138 : memref<!tpu.dma_semaphore, #tpu.memory_space<semaphore_mem>>) src(%dma_wait3A_145 : memref<128x64xf32, #tpu.memory_space<hbm>>) dst(%dma_wait3A_142 : memref<128x64xf32, #tpu.memory_space<vmem>>)
    %add3A_146 = arith.constant 384 : i32
    %add3A_147 = arith.addi %mul3A_4, %add3A_146 : i32
    %dma_start3A_148 = arith.constant 0 : i32
    %dma_start3A_149 = arith.constant 42 : i32
    %dma_start3A_150 = arith.constant 0 : i32
    %dma_start3A_151 = arith.constant 0 : i32
    %dma_start3A_152 = arith.constant 0 : i32
    %dma_start3A_153 = tpu.memref_slice %arg6[%dma_start3A_148, %dma_start3A_151, %dma_start3A_152] : memref<8x128x64xf32, #tpu.memory_space<vmem>> -> memref<1x128x64xf32, #tpu.memory_space<vmem>>
    %dma_start3A_154 = tpu.memref_squeeze %dma_start3A_153 : memref<1x128x64xf32, #tpu.memory_space<vmem>> -> memref<128x64xf32, #tpu.memory_space<vmem>>
    %dma_start3A_155 = arith.constant 0 : i32
    %dma_start3A_156 = tpu.memref_slice %arg4[%add3A_147, %dma_start3A_149, %dma_start3A_155] : memref<16384x56x128xf32, #tpu.memory_space<hbm>> -> memref<128x1x64xf32, #tpu.memory_space<hbm>>
    %dma_start3A_157 = tpu.memref_squeeze %dma_start3A_156 : memref<128x1x64xf32, #tpu.memory_space<hbm>> -> memref<128x64xf32, #tpu.memory_space<hbm>>
    %dma_start3A_158 = tpu.memref_slice %arg8[%dma_start3A_150] : memref<8x!tpu.dma_semaphore, #tpu.memory_space<semaphore_mem>> -> memref<1x!tpu.dma_semaphore, #tpu.memory_space<semaphore_mem>>
    %dma_start3A_159 = tpu.memref_squeeze %dma_start3A_158 : memref<1x!tpu.dma_semaphore, #tpu.memory_space<semaphore_mem>> -> memref<!tpu.dma_semaphore, #tpu.memory_space<semaphore_mem>>
    %dma_start3A_160 = arith.constant 0 : i32
    %dma_start3A_161 = tpu.memref_slice %arg4[%add3A_147, %dma_start3A_149, %dma_start3A_160] : memref<16384x56x128xf32, #tpu.memory_space<hbm>> -> memref<128x1x64xf32, #tpu.memory_space<hbm>>
    %dma_start3A_162 = tpu.memref_squeeze %dma_start3A_161 : memref<128x1x64xf32, #tpu.memory_space<hbm>> -> memref<128x64xf32, #tpu.memory_space<hbm>>
    %dma_start3A_163 = arith.constant 0 : i32
    %dma_start3A_164 = arith.constant 0 : i32
    %dma_start3A_165 = tpu.memref_slice %arg6[%dma_start3A_148, %dma_start3A_163, %dma_start3A_164] : memref<8x128x64xf32, #tpu.memory_space<vmem>> -> memref<1x128x64xf32, #tpu.memory_space<vmem>>
    %dma_start3A_166 = tpu.memref_squeeze %dma_start3A_165 : memref<1x128x64xf32, #tpu.memory_space<vmem>> -> memref<128x64xf32, #tpu.memory_space<vmem>>
    tpu.enqueue_dma source(%dma_start3A_166 : memref<128x64xf32, #tpu.memory_space<vmem>>) target(%dma_start3A_162 : memref<128x64xf32, #tpu.memory_space<hbm>>) target_semaphore(%dma_start3A_159 : memref<!tpu.dma_semaphore, #tpu.memory_space<semaphore_mem>>)
    %dma_wait3A_167 = arith.constant 1 : i32
    %dma_wait3A_168 = arith.constant 1 : i32
    %dma_wait3A_169 = arith.constant 0 : i32
    %dma_wait3A_170 = arith.constant 0 : i32
    %dma_wait3A_171 = tpu.memref_slice %arg6[%dma_wait3A_167, %dma_wait3A_169, %dma_wait3A_170] : memref<8x128x64xf32, #tpu.memory_space<vmem>> -> memref<1x128x64xf32, #tpu.memory_space<vmem>>
    %dma_wait3A_172 = tpu.memref_squeeze %dma_wait3A_171 : memref<1x128x64xf32, #tpu.memory_space<vmem>> -> memref<128x64xf32, #tpu.memory_space<vmem>>
    %dma_wait3A_173 = arith.constant 0 : i32
    %dma_wait3A_174 = arith.constant 0 : i32
    %dma_wait3A_175 = tpu.memref_slice %arg2[%dma_wait3A_173, %dma_wait3A_174] : memref<1000000x64xf32, #tpu.memory_space<hbm>> -> memref<128x64xf32, #tpu.memory_space<hbm>>
    %dma_wait3A_176 = tpu.memref_slice %arg7[%dma_wait3A_168] : memref<8x!tpu.dma_semaphore, #tpu.memory_space<semaphore_mem>> -> memref<1x!tpu.dma_semaphore, #tpu.memory_space<semaphore_mem>>
    %dma_wait3A_177 = tpu.memref_squeeze %dma_wait3A_176 : memref<1x!tpu.dma_semaphore, #tpu.memory_space<semaphore_mem>> -> memref<!tpu.dma_semaphore, #tpu.memory_space<semaphore_mem>>
    %dma_wait3A_178 = arith.constant 0 : i32
    %dma_wait3A_179 = arith.constant 0 : i32
    %dma_wait3A_180 = tpu.memref_slice %arg6[%dma_wait3A_167, %dma_wait3A_178, %dma_wait3A_179] : memref<8x128x64xf32, #tpu.memory_space<vmem>> -> memref<1x128x64xf32, #tpu.memory_space<vmem>>
    %dma_wait3A_181 = tpu.memref_squeeze %dma_wait3A_180 : memref<1x128x64xf32, #tpu.memory_space<vmem>> -> memref<128x64xf32, #tpu.memory_space<vmem>>
    %dma_wait3A_182 = arith.constant 0 : i32
    %dma_wait3A_183 = arith.constant 0 : i32
    %dma_wait3A_184 = tpu.memref_slice %arg2[%dma_wait3A_182, %dma_wait3A_183] : memref<1000000x64xf32, #tpu.memory_space<hbm>> -> memref<128x64xf32, #tpu.memory_space<hbm>>
    tpu.wait_dma2 semaphore(%dma_wait3A_177 : memref<!tpu.dma_semaphore, #tpu.memory_space<semaphore_mem>>) src(%dma_wait3A_184 : memref<128x64xf32, #tpu.memory_space<hbm>>) dst(%dma_wait3A_181 : memref<128x64xf32, #tpu.memory_space<vmem>>)
    %add3A_185 = arith.constant 384 : i32
    %add3A_186 = arith.addi %mul3A_4, %add3A_185 : i32
    %dma_start3A_187 = arith.constant 1 : i32
    %dma_start3A_188 = arith.constant 43 : i32
    %dma_start3A_189 = arith.constant 1 : i32
    %dma_start3A_190 = arith.constant 0 : i32
    %dma_start3A_191 = arith.constant 0 : i32
    %dma_start3A_192 = tpu.memref_slice %arg6[%dma_start3A_187, %dma_start3A_190, %dma_start3A_191] : memref<8x128x64xf32, #tpu.memory_space<vmem>> -> memref<1x128x64xf32, #tpu.memory_space<vmem>>
    %dma_start3A_193 = tpu.memref_squeeze %dma_start3A_192 : memref<1x128x64xf32, #tpu.memory_space<vmem>> -> memref<128x64xf32, #tpu.memory_space<vmem>>
    %dma_start3A_194 = arith.constant 0 : i32
    %dma_start3A_195 = tpu.memref_slice %arg4[%add3A_186, %dma_start3A_188, %dma_start3A_194] : memref<16384x56x128xf32, #tpu.memory_space<hbm>> -> memref<128x1x64xf32, #tpu.memory_space<hbm>>
    %dma_start3A_196 = tpu.memref_squeeze %dma_start3A_195 : memref<128x1x64xf32, #tpu.memory_space<hbm>> -> memref<128x64xf32, #tpu.memory_space<hbm>>
    %dma_start3A_197 = tpu.memref_slice %arg8[%dma_start3A_189] : memref<8x!tpu.dma_semaphore, #tpu.memory_space<semaphore_mem>> -> memref<1x!tpu.dma_semaphore, #tpu.memory_space<semaphore_mem>>
    %dma_start3A_198 = tpu.memref_squeeze %dma_start3A_197 : memref<1x!tpu.dma_semaphore, #tpu.memory_space<semaphore_mem>> -> memref<!tpu.dma_semaphore, #tpu.memory_space<semaphore_mem>>
    %dma_start3A_199 = arith.constant 0 : i32
    %dma_start3A_200 = tpu.memref_slice %arg4[%add3A_186, %dma_start3A_188, %dma_start3A_199] : memref<16384x56x128xf32, #tpu.memory_space<hbm>> -> memref<128x1x64xf32, #tpu.memory_space<hbm>>
    %dma_start3A_201 = tpu.memref_squeeze %dma_start3A_200 : memref<128x1x64xf32, #tpu.memory_space<hbm>> -> memref<128x64xf32, #tpu.memory_space<hbm>>
    %dma_start3A_202 = arith.constant 0 : i32
    %dma_start3A_203 = arith.constant 0 : i32
    %dma_start3A_204 = tpu.memref_slice %arg6[%dma_start3A_187, %dma_start3A_202, %dma_start3A_203] : memref<8x128x64xf32, #tpu.memory_space<vmem>> -> memref<1x128x64xf32, #tpu.memory_space<vmem>>
    %dma_start3A_205 = tpu.memref_squeeze %dma_start3A_204 : memref<1x128x64xf32, #tpu.memory_space<vmem>> -> memref<128x64xf32, #tpu.memory_space<vmem>>
    tpu.enqueue_dma source(%dma_start3A_205 : memref<128x64xf32, #tpu.memory_space<vmem>>) target(%dma_start3A_201 : memref<128x64xf32, #tpu.memory_space<hbm>>) target_semaphore(%dma_start3A_198 : memref<!tpu.dma_semaphore, #tpu.memory_space<semaphore_mem>>)
    %dma_wait3A_206 = arith.constant 2 : i32
    %dma_wait3A_207 = arith.constant 2 : i32
    %dma_wait3A_208 = arith.constant 0 : i32
    %dma_wait3A_209 = arith.constant 0 : i32
    %dma_wait3A_210 = tpu.memref_slice %arg6[%dma_wait3A_206, %dma_wait3A_208, %dma_wait3A_209] : memref<8x128x64xf32, #tpu.memory_space<vmem>> -> memref<1x128x64xf32, #tpu.memory_space<vmem>>
    %dma_wait3A_211 = tpu.memref_squeeze %dma_wait3A_210 : memref<1x128x64xf32, #tpu.memory_space<vmem>> -> memref<128x64xf32, #tpu.memory_space<vmem>>
    %dma_wait3A_212 = arith.constant 0 : i32
    %dma_wait3A_213 = arith.constant 0 : i32
    %dma_wait3A_214 = tpu.memref_slice %arg2[%dma_wait3A_212, %dma_wait3A_213] : memref<1000000x64xf32, #tpu.memory_space<hbm>> -> memref<128x64xf32, #tpu.memory_space<hbm>>
    %dma_wait3A_215 = tpu.memref_slice %arg7[%dma_wait3A_207] : memref<8x!tpu.dma_semaphore, #tpu.memory_space<semaphore_mem>> -> memref<1x!tpu.dma_semaphore, #tpu.memory_space<semaphore_mem>>
    %dma_wait3A_216 = tpu.memref_squeeze %dma_wait3A_215 : memref<1x!tpu.dma_semaphore, #tpu.memory_space<semaphore_mem>> -> memref<!tpu.dma_semaphore, #tpu.memory_space<semaphore_mem>>
    %dma_wait3A_217 = arith.constant 0 : i32
    %dma_wait3A_218 = arith.constant 0 : i32
    %dma_wait3A_219 = tpu.memref_slice %arg6[%dma_wait3A_206, %dma_wait3A_217, %dma_wait3A_218] : memref<8x128x64xf32, #tpu.memory_space<vmem>> -> memref<1x128x64xf32, #tpu.memory_space<vmem>>
    %dma_wait3A_220 = tpu.memref_squeeze %dma_wait3A_219 : memref<1x128x64xf32, #tpu.memory_space<vmem>> -> memref<128x64xf32, #tpu.memory_space<vmem>>
    %dma_wait3A_221 = arith.constant 0 : i32
    %dma_wait3A_222 = arith.constant 0 : i32
    %dma_wait3A_223 = tpu.memref_slice %arg2[%dma_wait3A_221, %dma_wait3A_222] : memref<1000000x64xf32, #tpu.memory_space<hbm>> -> memref<128x64xf32, #tpu.memory_space<hbm>>
    tpu.wait_dma2 semaphore(%dma_wait3A_216 : memref<!tpu.dma_semaphore, #tpu.memory_space<semaphore_mem>>) src(%dma_wait3A_223 : memref<128x64xf32, #tpu.memory_space<hbm>>) dst(%dma_wait3A_220 : memref<128x64xf32, #tpu.memory_space<vmem>>)
    %add3A_224 = arith.constant 384 : i32
    %add3A_225 = arith.addi %mul3A_4, %add3A_224 : i32
    %dma_start3A_226 = arith.constant 2 : i32
    %dma_start3A_227 = arith.constant 44 : i32
    %dma_start3A_228 = arith.constant 2 : i32
    %dma_start3A_229 = arith.constant 0 : i32
    %dma_start3A_230 = arith.constant 0 : i32
    %dma_start3A_231 = tpu.memref_slice %arg6[%dma_start3A_226, %dma_start3A_229, %dma_start3A_230] : memref<8x128x64xf32, #tpu.memory_space<vmem>> -> memref<1x128x64xf32, #tpu.memory_space<vmem>>
    %dma_start3A_232 = tpu.memref_squeeze %dma_start3A_231 : memref<1x128x64xf32, #tpu.memory_space<vmem>> -> memref<128x64xf32, #tpu.memory_space<vmem>>
    %dma_start3A_233 = arith.constant 0 : i32
    %dma_start3A_234 = tpu.memref_slice %arg4[%add3A_225, %dma_start3A_227, %dma_start3A_233] : memref<16384x56x128xf32, #tpu.memory_space<hbm>> -> memref<128x1x64xf32, #tpu.memory_space<hbm>>
    %dma_start3A_235 = tpu.memref_squeeze %dma_start3A_234 : memref<128x1x64xf32, #tpu.memory_space<hbm>> -> memref<128x64xf32, #tpu.memory_space<hbm>>
    %dma_start3A_236 = tpu.memref_slice %arg8[%dma_start3A_228] : memref<8x!tpu.dma_semaphore, #tpu.memory_space<semaphore_mem>> -> memref<1x!tpu.dma_semaphore, #tpu.memory_space<semaphore_mem>>
    %dma_start3A_237 = tpu.memref_squeeze %dma_start3A_236 : memref<1x!tpu.dma_semaphore, #tpu.memory_space<semaphore_mem>> -> memref<!tpu.dma_semaphore, #tpu.memory_space<semaphore_mem>>
    %dma_start3A_238 = arith.constant 0 : i32
    %dma_start3A_239 = tpu.memref_slice %arg4[%add3A_225, %dma_start3A_227, %dma_start3A_238] : memref<16384x56x128xf32, #tpu.memory_space<hbm>> -> memref<128x1x64xf32, #tpu.memory_space<hbm>>
    %dma_start3A_240 = tpu.memref_squeeze %dma_start3A_239 : memref<128x1x64xf32, #tpu.memory_space<hbm>> -> memref<128x64xf32, #tpu.memory_space<hbm>>
    %dma_start3A_241 = arith.constant 0 : i32
    %dma_start3A_242 = arith.constant 0 : i32
    %dma_start3A_243 = tpu.memref_slice %arg6[%dma_start3A_226, %dma_start3A_241, %dma_start3A_242] : memref<8x128x64xf32, #tpu.memory_space<vmem>> -> memref<1x128x64xf32, #tpu.memory_space<vmem>>
    %dma_start3A_244 = tpu.memref_squeeze %dma_start3A_243 : memref<1x128x64xf32, #tpu.memory_space<vmem>> -> memref<128x64xf32, #tpu.memory_space<vmem>>
    tpu.enqueue_dma source(%dma_start3A_244 : memref<128x64xf32, #tpu.memory_space<vmem>>) target(%dma_start3A_240 : memref<128x64xf32, #tpu.memory_space<hbm>>) target_semaphore(%dma_start3A_237 : memref<!tpu.dma_semaphore, #tpu.memory_space<semaphore_mem>>)
    %dma_wait3A_245 = arith.constant 3 : i32
    %dma_wait3A_246 = arith.constant 3 : i32
    %dma_wait3A_247 = arith.constant 0 : i32
    %dma_wait3A_248 = arith.constant 0 : i32
    %dma_wait3A_249 = tpu.memref_slice %arg6[%dma_wait3A_245, %dma_wait3A_247, %dma_wait3A_248] : memref<8x128x64xf32, #tpu.memory_space<vmem>> -> memref<1x128x64xf32, #tpu.memory_space<vmem>>
    %dma_wait3A_250 = tpu.memref_squeeze %dma_wait3A_249 : memref<1x128x64xf32, #tpu.memory_space<vmem>> -> memref<128x64xf32, #tpu.memory_space<vmem>>
    %dma_wait3A_251 = arith.constant 0 : i32
    %dma_wait3A_252 = arith.constant 0 : i32
    %dma_wait3A_253 = tpu.memref_slice %arg2[%dma_wait3A_251, %dma_wait3A_252] : memref<1000000x64xf32, #tpu.memory_space<hbm>> -> memref<128x64xf32, #tpu.memory_space<hbm>>
    %dma_wait3A_254 = tpu.memref_slice %arg7[%dma_wait3A_246] : memref<8x!tpu.dma_semaphore, #tpu.memory_space<semaphore_mem>> -> memref<1x!tpu.dma_semaphore, #tpu.memory_space<semaphore_mem>>
    %dma_wait3A_255 = tpu.memref_squeeze %dma_wait3A_254 : memref<1x!tpu.dma_semaphore, #tpu.memory_space<semaphore_mem>> -> memref<!tpu.dma_semaphore, #tpu.memory_space<semaphore_mem>>
    %dma_wait3A_256 = arith.constant 0 : i32
    %dma_wait3A_257 = arith.constant 0 : i32
    %dma_wait3A_258 = tpu.memref_slice %arg6[%dma_wait3A_245, %dma_wait3A_256, %dma_wait3A_257] : memref<8x128x64xf32, #tpu.memory_space<vmem>> -> memref<1x128x64xf32, #tpu.memory_space<vmem>>
    %dma_wait3A_259 = tpu.memref_squeeze %dma_wait3A_258 : memref<1x128x64xf32, #tpu.memory_space<vmem>> -> memref<128x64xf32, #tpu.memory_space<vmem>>
    %dma_wait3A_260 = arith.constant 0 : i32
    %dma_wait3A_261 = arith.constant 0 : i32
    %dma_wait3A_262 = tpu.memref_slice %arg2[%dma_wait3A_260, %dma_wait3A_261] : memref<1000000x64xf32, #tpu.memory_space<hbm>> -> memref<128x64xf32, #tpu.memory_space<hbm>>
    tpu.wait_dma2 semaphore(%dma_wait3A_255 : memref<!tpu.dma_semaphore, #tpu.memory_space<semaphore_mem>>) src(%dma_wait3A_262 : memref<128x64xf32, #tpu.memory_space<hbm>>) dst(%dma_wait3A_259 : memref<128x64xf32, #tpu.memory_space<vmem>>)
    %add3A_263 = arith.constant 384 : i32
    %add3A_264 = arith.addi %mul3A_4, %add3A_263 : i32
    %dma_start3A_265 = arith.constant 3 : i32
    %dma_start3A_266 = arith.constant 45 : i32
    %dma_start3A_267 = arith.constant 3 : i32
    %dma_start3A_268 = arith.constant 0 : i32
    %dma_start3A_269 = arith.constant 0 : i32
    %dma_start3A_270 = tpu.memref_slice %arg6[%dma_start3A_265, %dma_start3A_268, %dma_start3A_269] : memref<8x128x64xf32, #tpu.memory_space<vmem>> -> memref<1x128x64xf32, #tpu.memory_space<vmem>>
    %dma_start3A_271 = tpu.memref_squeeze %dma_start3A_270 : memref<1x128x64xf32, #tpu.memory_space<vmem>> -> memref<128x64xf32, #tpu.memory_space<vmem>>
    %dma_start3A_272 = arith.constant 0 : i32
    %dma_start3A_273 = tpu.memref_slice %arg4[%add3A_264, %dma_start3A_266, %dma_start3A_272] : memref<16384x56x128xf32, #tpu.memory_space<hbm>> -> memref<128x1x64xf32, #tpu.memory_space<hbm>>
    %dma_start3A_274 = tpu.memref_squeeze %dma_start3A_273 : memref<128x1x64xf32, #tpu.memory_space<hbm>> -> memref<128x64xf32, #tpu.memory_space<hbm>>
    %dma_start3A_275 = tpu.memref_slice %arg8[%dma_start3A_267] : memref<8x!tpu.dma_semaphore, #tpu.memory_space<semaphore_mem>> -> memref<1x!tpu.dma_semaphore, #tpu.memory_space<semaphore_mem>>
    %dma_start3A_276 = tpu.memref_squeeze %dma_start3A_275 : memref<1x!tpu.dma_semaphore, #tpu.memory_space<semaphore_mem>> -> memref<!tpu.dma_semaphore, #tpu.memory_space<semaphore_mem>>
    %dma_start3A_277 = arith.constant 0 : i32
    %dma_start3A_278 = tpu.memref_slice %arg4[%add3A_264, %dma_start3A_266, %dma_start3A_277] : memref<16384x56x128xf32, #tpu.memory_space<hbm>> -> memref<128x1x64xf32, #tpu.memory_space<hbm>>
    %dma_start3A_279 = tpu.memref_squeeze %dma_start3A_278 : memref<128x1x64xf32, #tpu.memory_space<hbm>> -> memref<128x64xf32, #tpu.memory_space<hbm>>
    %dma_start3A_280 = arith.constant 0 : i32
    %dma_start3A_281 = arith.constant 0 : i32
    %dma_start3A_282 = tpu.memref_slice %arg6[%dma_start3A_265, %dma_start3A_280, %dma_start3A_281] : memref<8x128x64xf32, #tpu.memory_space<vmem>> -> memref<1x128x64xf32, #tpu.memory_space<vmem>>
    %dma_start3A_283 = tpu.memref_squeeze %dma_start3A_282 : memref<1x128x64xf32, #tpu.memory_space<vmem>> -> memref<128x64xf32, #tpu.memory_space<vmem>>
    tpu.enqueue_dma source(%dma_start3A_283 : memref<128x64xf32, #tpu.memory_space<vmem>>) target(%dma_start3A_279 : memref<128x64xf32, #tpu.memory_space<hbm>>) target_semaphore(%dma_start3A_276 : memref<!tpu.dma_semaphore, #tpu.memory_space<semaphore_mem>>)
    %dma_wait3A_284 = arith.constant 4 : i32
    %dma_wait3A_285 = arith.constant 4 : i32
    %dma_wait3A_286 = arith.constant 0 : i32
    %dma_wait3A_287 = arith.constant 0 : i32
    %dma_wait3A_288 = tpu.memref_slice %arg6[%dma_wait3A_284, %dma_wait3A_286, %dma_wait3A_287] : memref<8x128x64xf32, #tpu.memory_space<vmem>> -> memref<1x128x64xf32, #tpu.memory_space<vmem>>
    %dma_wait3A_289 = tpu.memref_squeeze %dma_wait3A_288 : memref<1x128x64xf32, #tpu.memory_space<vmem>> -> memref<128x64xf32, #tpu.memory_space<vmem>>
    %dma_wait3A_290 = arith.constant 0 : i32
    %dma_wait3A_291 = arith.constant 0 : i32
    %dma_wait3A_292 = tpu.memref_slice %arg2[%dma_wait3A_290, %dma_wait3A_291] : memref<1000000x64xf32, #tpu.memory_space<hbm>> -> memref<128x64xf32, #tpu.memory_space<hbm>>
    %dma_wait3A_293 = tpu.memref_slice %arg7[%dma_wait3A_285] : memref<8x!tpu.dma_semaphore, #tpu.memory_space<semaphore_mem>> -> memref<1x!tpu.dma_semaphore, #tpu.memory_space<semaphore_mem>>
    %dma_wait3A_294 = tpu.memref_squeeze %dma_wait3A_293 : memref<1x!tpu.dma_semaphore, #tpu.memory_space<semaphore_mem>> -> memref<!tpu.dma_semaphore, #tpu.memory_space<semaphore_mem>>
    %dma_wait3A_295 = arith.constant 0 : i32
    %dma_wait3A_296 = arith.constant 0 : i32
    %dma_wait3A_297 = tpu.memref_slice %arg6[%dma_wait3A_284, %dma_wait3A_295, %dma_wait3A_296] : memref<8x128x64xf32, #tpu.memory_space<vmem>> -> memref<1x128x64xf32, #tpu.memory_space<vmem>>
    %dma_wait3A_298 = tpu.memref_squeeze %dma_wait3A_297 : memref<1x128x64xf32, #tpu.memory_space<vmem>> -> memref<128x64xf32, #tpu.memory_space<vmem>>
    %dma_wait3A_299 = arith.constant 0 : i32
    %dma_wait3A_300 = arith.constant 0 : i32
    %dma_wait3A_301 = tpu.memref_slice %arg2[%dma_wait3A_299, %dma_wait3A_300] : memref<1000000x64xf32, #tpu.memory_space<hbm>> -> memref<128x64xf32, #tpu.memory_space<hbm>>
    tpu.wait_dma2 semaphore(%dma_wait3A_294 : memref<!tpu.dma_semaphore, #tpu.memory_space<semaphore_mem>>) src(%dma_wait3A_301 : memref<128x64xf32, #tpu.memory_space<hbm>>) dst(%dma_wait3A_298 : memref<128x64xf32, #tpu.memory_space<vmem>>)
    %add3A_302 = arith.constant 384 : i32
    %add3A_303 = arith.addi %mul3A_4, %add3A_302 : i32
    %dma_start3A_304 = arith.constant 4 : i32
    %dma_start3A_305 = arith.constant 46 : i32
    %dma_start3A_306 = arith.constant 4 : i32
    %dma_start3A_307 = arith.constant 0 : i32
    %dma_start3A_308 = arith.constant 0 : i32
    %dma_start3A_309 = tpu.memref_slice %arg6[%dma_start3A_304, %dma_start3A_307, %dma_start3A_308] : memref<8x128x64xf32, #tpu.memory_space<vmem>> -> memref<1x128x64xf32, #tpu.memory_space<vmem>>
    %dma_start3A_310 = tpu.memref_squeeze %dma_start3A_309 : memref<1x128x64xf32, #tpu.memory_space<vmem>> -> memref<128x64xf32, #tpu.memory_space<vmem>>
    %dma_start3A_311 = arith.constant 0 : i32
    %dma_start3A_312 = tpu.memref_slice %arg4[%add3A_303, %dma_start3A_305, %dma_start3A_311] : memref<16384x56x128xf32, #tpu.memory_space<hbm>> -> memref<128x1x64xf32, #tpu.memory_space<hbm>>
    %dma_start3A_313 = tpu.memref_squeeze %dma_start3A_312 : memref<128x1x64xf32, #tpu.memory_space<hbm>> -> memref<128x64xf32, #tpu.memory_space<hbm>>
    %dma_start3A_314 = tpu.memref_slice %arg8[%dma_start3A_306] : memref<8x!tpu.dma_semaphore, #tpu.memory_space<semaphore_mem>> -> memref<1x!tpu.dma_semaphore, #tpu.memory_space<semaphore_mem>>
    %dma_start3A_315 = tpu.memref_squeeze %dma_start3A_314 : memref<1x!tpu.dma_semaphore, #tpu.memory_space<semaphore_mem>> -> memref<!tpu.dma_semaphore, #tpu.memory_space<semaphore_mem>>
    %dma_start3A_316 = arith.constant 0 : i32
    %dma_start3A_317 = tpu.memref_slice %arg4[%add3A_303, %dma_start3A_305, %dma_start3A_316] : memref<16384x56x128xf32, #tpu.memory_space<hbm>> -> memref<128x1x64xf32, #tpu.memory_space<hbm>>
    %dma_start3A_318 = tpu.memref_squeeze %dma_start3A_317 : memref<128x1x64xf32, #tpu.memory_space<hbm>> -> memref<128x64xf32, #tpu.memory_space<hbm>>
    %dma_start3A_319 = arith.constant 0 : i32
    %dma_start3A_320 = arith.constant 0 : i32
    %dma_start3A_321 = tpu.memref_slice %arg6[%dma_start3A_304, %dma_start3A_319, %dma_start3A_320] : memref<8x128x64xf32, #tpu.memory_space<vmem>> -> memref<1x128x64xf32, #tpu.memory_space<vmem>>
    %dma_start3A_322 = tpu.memref_squeeze %dma_start3A_321 : memref<1x128x64xf32, #tpu.memory_space<vmem>> -> memref<128x64xf32, #tpu.memory_space<vmem>>
    tpu.enqueue_dma source(%dma_start3A_322 : memref<128x64xf32, #tpu.memory_space<vmem>>) target(%dma_start3A_318 : memref<128x64xf32, #tpu.memory_space<hbm>>) target_semaphore(%dma_start3A_315 : memref<!tpu.dma_semaphore, #tpu.memory_space<semaphore_mem>>)
    %dma_wait3A_323 = arith.constant 5 : i32
    %dma_wait3A_324 = arith.constant 5 : i32
    %dma_wait3A_325 = arith.constant 0 : i32
    %dma_wait3A_326 = arith.constant 0 : i32
    %dma_wait3A_327 = tpu.memref_slice %arg6[%dma_wait3A_323, %dma_wait3A_325, %dma_wait3A_326] : memref<8x128x64xf32, #tpu.memory_space<vmem>> -> memref<1x128x64xf32, #tpu.memory_space<vmem>>
    %dma_wait3A_328 = tpu.memref_squeeze %dma_wait3A_327 : memref<1x128x64xf32, #tpu.memory_space<vmem>> -> memref<128x64xf32, #tpu.memory_space<vmem>>
    %dma_wait3A_329 = arith.constant 0 : i32
    %dma_wait3A_330 = arith.constant 0 : i32
    %dma_wait3A_331 = tpu.memref_slice %arg2[%dma_wait3A_329, %dma_wait3A_330] : memref<1000000x64xf32, #tpu.memory_space<hbm>> -> memref<128x64xf32, #tpu.memory_space<hbm>>
    %dma_wait3A_332 = tpu.memref_slice %arg7[%dma_wait3A_324] : memref<8x!tpu.dma_semaphore, #tpu.memory_space<semaphore_mem>> -> memref<1x!tpu.dma_semaphore, #tpu.memory_space<semaphore_mem>>
    %dma_wait3A_333 = tpu.memref_squeeze %dma_wait3A_332 : memref<1x!tpu.dma_semaphore, #tpu.memory_space<semaphore_mem>> -> memref<!tpu.dma_semaphore, #tpu.memory_space<semaphore_mem>>
    %dma_wait3A_334 = arith.constant 0 : i32
    %dma_wait3A_335 = arith.constant 0 : i32
    %dma_wait3A_336 = tpu.memref_slice %arg6[%dma_wait3A_323, %dma_wait3A_334, %dma_wait3A_335] : memref<8x128x64xf32, #tpu.memory_space<vmem>> -> memref<1x128x64xf32, #tpu.memory_space<vmem>>
    %dma_wait3A_337 = tpu.memref_squeeze %dma_wait3A_336 : memref<1x128x64xf32, #tpu.memory_space<vmem>> -> memref<128x64xf32, #tpu.memory_space<vmem>>
    %dma_wait3A_338 = arith.constant 0 : i32
    %dma_wait3A_339 = arith.constant 0 : i32
    %dma_wait3A_340 = tpu.memref_slice %arg2[%dma_wait3A_338, %dma_wait3A_339] : memref<1000000x64xf32, #tpu.memory_space<hbm>> -> memref<128x64xf32, #tpu.memory_space<hbm>>
    tpu.wait_dma2 semaphore(%dma_wait3A_333 : memref<!tpu.dma_semaphore, #tpu.memory_space<semaphore_mem>>) src(%dma_wait3A_340 : memref<128x64xf32, #tpu.memory_space<hbm>>) dst(%dma_wait3A_337 : memref<128x64xf32, #tpu.memory_space<vmem>>)
    %add3A_341 = arith.constant 384 : i32
    %add3A_342 = arith.addi %mul3A_4, %add3A_341 : i32
    %dma_start3A_343 = arith.constant 5 : i32
    %dma_start3A_344 = arith.constant 47 : i32
    %dma_start3A_345 = arith.constant 5 : i32
    %dma_start3A_346 = arith.constant 0 : i32
    %dma_start3A_347 = arith.constant 0 : i32
    %dma_start3A_348 = tpu.memref_slice %arg6[%dma_start3A_343, %dma_start3A_346, %dma_start3A_347] : memref<8x128x64xf32, #tpu.memory_space<vmem>> -> memref<1x128x64xf32, #tpu.memory_space<vmem>>
    %dma_start3A_349 = tpu.memref_squeeze %dma_start3A_348 : memref<1x128x64xf32, #tpu.memory_space<vmem>> -> memref<128x64xf32, #tpu.memory_space<vmem>>
    %dma_start3A_350 = arith.constant 0 : i32
    %dma_start3A_351 = tpu.memref_slice %arg4[%add3A_342, %dma_start3A_344, %dma_start3A_350] : memref<16384x56x128xf32, #tpu.memory_space<hbm>> -> memref<128x1x64xf32, #tpu.memory_space<hbm>>
    %dma_start3A_352 = tpu.memref_squeeze %dma_start3A_351 : memref<128x1x64xf32, #tpu.memory_space<hbm>> -> memref<128x64xf32, #tpu.memory_space<hbm>>
    %dma_start3A_353 = tpu.memref_slice %arg8[%dma_start3A_345] : memref<8x!tpu.dma_semaphore, #tpu.memory_space<semaphore_mem>> -> memref<1x!tpu.dma_semaphore, #tpu.memory_space<semaphore_mem>>
    %dma_start3A_354 = tpu.memref_squeeze %dma_start3A_353 : memref<1x!tpu.dma_semaphore, #tpu.memory_space<semaphore_mem>> -> memref<!tpu.dma_semaphore, #tpu.memory_space<semaphore_mem>>
    %dma_start3A_355 = arith.constant 0 : i32
    %dma_start3A_356 = tpu.memref_slice %arg4[%add3A_342, %dma_start3A_344, %dma_start3A_355] : memref<16384x56x128xf32, #tpu.memory_space<hbm>> -> memref<128x1x64xf32, #tpu.memory_space<hbm>>
    %dma_start3A_357 = tpu.memref_squeeze %dma_start3A_356 : memref<128x1x64xf32, #tpu.memory_space<hbm>> -> memref<128x64xf32, #tpu.memory_space<hbm>>
    %dma_start3A_358 = arith.constant 0 : i32
    %dma_start3A_359 = arith.constant 0 : i32
    %dma_start3A_360 = tpu.memref_slice %arg6[%dma_start3A_343, %dma_start3A_358, %dma_start3A_359] : memref<8x128x64xf32, #tpu.memory_space<vmem>> -> memref<1x128x64xf32, #tpu.memory_space<vmem>>
    %dma_start3A_361 = tpu.memref_squeeze %dma_start3A_360 : memref<1x128x64xf32, #tpu.memory_space<vmem>> -> memref<128x64xf32, #tpu.memory_space<vmem>>
    tpu.enqueue_dma source(%dma_start3A_361 : memref<128x64xf32, #tpu.memory_space<vmem>>) target(%dma_start3A_357 : memref<128x64xf32, #tpu.memory_space<hbm>>) target_semaphore(%dma_start3A_354 : memref<!tpu.dma_semaphore, #tpu.memory_space<semaphore_mem>>)
    %dma_wait3A_362 = arith.constant 6 : i32
    %dma_wait3A_363 = arith.constant 6 : i32
    %dma_wait3A_364 = arith.constant 0 : i32
    %dma_wait3A_365 = arith.constant 0 : i32
    %dma_wait3A_366 = tpu.memref_slice %arg6[%dma_wait3A_362, %dma_wait3A_364, %dma_wait3A_365] : memref<8x128x64xf32, #tpu.memory_space<vmem>> -> memref<1x128x64xf32, #tpu.memory_space<vmem>>
    %dma_wait3A_367 = tpu.memref_squeeze %dma_wait3A_366 : memref<1x128x64xf32, #tpu.memory_space<vmem>> -> memref<128x64xf32, #tpu.memory_space<vmem>>
    %dma_wait3A_368 = arith.constant 0 : i32
    %dma_wait3A_369 = arith.constant 0 : i32
    %dma_wait3A_370 = tpu.memref_slice %arg2[%dma_wait3A_368, %dma_wait3A_369] : memref<1000000x64xf32, #tpu.memory_space<hbm>> -> memref<128x64xf32, #tpu.memory_space<hbm>>
    %dma_wait3A_371 = tpu.memref_slice %arg7[%dma_wait3A_363] : memref<8x!tpu.dma_semaphore, #tpu.memory_space<semaphore_mem>> -> memref<1x!tpu.dma_semaphore, #tpu.memory_space<semaphore_mem>>
    %dma_wait3A_372 = tpu.memref_squeeze %dma_wait3A_371 : memref<1x!tpu.dma_semaphore, #tpu.memory_space<semaphore_mem>> -> memref<!tpu.dma_semaphore, #tpu.memory_space<semaphore_mem>>
    %dma_wait3A_373 = arith.constant 0 : i32
    %dma_wait3A_374 = arith.constant 0 : i32
    %dma_wait3A_375 = tpu.memref_slice %arg6[%dma_wait3A_362, %dma_wait3A_373, %dma_wait3A_374] : memref<8x128x64xf32, #tpu.memory_space<vmem>> -> memref<1x128x64xf32, #tpu.memory_space<vmem>>
    %dma_wait3A_376 = tpu.memref_squeeze %dma_wait3A_375 : memref<1x128x64xf32, #tpu.memory_space<vmem>> -> memref<128x64xf32, #tpu.memory_space<vmem>>
    %dma_wait3A_377 = arith.constant 0 : i32
    %dma_wait3A_378 = arith.constant 0 : i32
    %dma_wait3A_379 = tpu.memref_slice %arg2[%dma_wait3A_377, %dma_wait3A_378] : memref<1000000x64xf32, #tpu.memory_space<hbm>> -> memref<128x64xf32, #tpu.memory_space<hbm>>
    tpu.wait_dma2 semaphore(%dma_wait3A_372 : memref<!tpu.dma_semaphore, #tpu.memory_space<semaphore_mem>>) src(%dma_wait3A_379 : memref<128x64xf32, #tpu.memory_space<hbm>>) dst(%dma_wait3A_376 : memref<128x64xf32, #tpu.memory_space<vmem>>)
    %add3A_380 = arith.constant 384 : i32
    %add3A_381 = arith.addi %mul3A_4, %add3A_380 : i32
    %dma_start3A_382 = arith.constant 6 : i32
    %dma_start3A_383 = arith.constant 48 : i32
    %dma_start3A_384 = arith.constant 6 : i32
    %dma_start3A_385 = arith.constant 0 : i32
    %dma_start3A_386 = arith.constant 0 : i32
    %dma_start3A_387 = tpu.memref_slice %arg6[%dma_start3A_382, %dma_start3A_385, %dma_start3A_386] : memref<8x128x64xf32, #tpu.memory_space<vmem>> -> memref<1x128x64xf32, #tpu.memory_space<vmem>>
    %dma_start3A_388 = tpu.memref_squeeze %dma_start3A_387 : memref<1x128x64xf32, #tpu.memory_space<vmem>> -> memref<128x64xf32, #tpu.memory_space<vmem>>
    %dma_start3A_389 = arith.constant 0 : i32
    %dma_start3A_390 = tpu.memref_slice %arg4[%add3A_381, %dma_start3A_383, %dma_start3A_389] : memref<16384x56x128xf32, #tpu.memory_space<hbm>> -> memref<128x1x64xf32, #tpu.memory_space<hbm>>
    %dma_start3A_391 = tpu.memref_squeeze %dma_start3A_390 : memref<128x1x64xf32, #tpu.memory_space<hbm>> -> memref<128x64xf32, #tpu.memory_space<hbm>>
    %dma_start3A_392 = tpu.memref_slice %arg8[%dma_start3A_384] : memref<8x!tpu.dma_semaphore, #tpu.memory_space<semaphore_mem>> -> memref<1x!tpu.dma_semaphore, #tpu.memory_space<semaphore_mem>>
    %dma_start3A_393 = tpu.memref_squeeze %dma_start3A_392 : memref<1x!tpu.dma_semaphore, #tpu.memory_space<semaphore_mem>> -> memref<!tpu.dma_semaphore, #tpu.memory_space<semaphore_mem>>
    %dma_start3A_394 = arith.constant 0 : i32
    %dma_start3A_395 = tpu.memref_slice %arg4[%add3A_381, %dma_start3A_383, %dma_start3A_394] : memref<16384x56x128xf32, #tpu.memory_space<hbm>> -> memref<128x1x64xf32, #tpu.memory_space<hbm>>
    %dma_start3A_396 = tpu.memref_squeeze %dma_start3A_395 : memref<128x1x64xf32, #tpu.memory_space<hbm>> -> memref<128x64xf32, #tpu.memory_space<hbm>>
    %dma_start3A_397 = arith.constant 0 : i32
    %dma_start3A_398 = arith.constant 0 : i32
    %dma_start3A_399 = tpu.memref_slice %arg6[%dma_start3A_382, %dma_start3A_397, %dma_start3A_398] : memref<8x128x64xf32, #tpu.memory_space<vmem>> -> memref<1x128x64xf32, #tpu.memory_space<vmem>>
    %dma_start3A_400 = tpu.memref_squeeze %dma_start3A_399 : memref<1x128x64xf32, #tpu.memory_space<vmem>> -> memref<128x64xf32, #tpu.memory_space<vmem>>
    tpu.enqueue_dma source(%dma_start3A_400 : memref<128x64xf32, #tpu.memory_space<vmem>>) target(%dma_start3A_396 : memref<128x64xf32, #tpu.memory_space<hbm>>) target_semaphore(%dma_start3A_393 : memref<!tpu.dma_semaphore, #tpu.memory_space<semaphore_mem>>)
    %dma_wait3A_401 = arith.constant 7 : i32
    %dma_wait3A_402 = arith.constant 7 : i32
    %dma_wait3A_403 = arith.constant 0 : i32
    %dma_wait3A_404 = arith.constant 0 : i32
    %dma_wait3A_405 = tpu.memref_slice %arg6[%dma_wait3A_401, %dma_wait3A_403, %dma_wait3A_404] : memref<8x128x64xf32, #tpu.memory_space<vmem>> -> memref<1x128x64xf32, #tpu.memory_space<vmem>>
    %dma_wait3A_406 = tpu.memref_squeeze %dma_wait3A_405 : memref<1x128x64xf32, #tpu.memory_space<vmem>> -> memref<128x64xf32, #tpu.memory_space<vmem>>
    %dma_wait3A_407 = arith.constant 0 : i32
    %dma_wait3A_408 = arith.constant 0 : i32
    %dma_wait3A_409 = tpu.memref_slice %arg2[%dma_wait3A_407, %dma_wait3A_408] : memref<1000000x64xf32, #tpu.memory_space<hbm>> -> memref<128x64xf32, #tpu.memory_space<hbm>>
    %dma_wait3A_410 = tpu.memref_slice %arg7[%dma_wait3A_402] : memref<8x!tpu.dma_semaphore, #tpu.memory_space<semaphore_mem>> -> memref<1x!tpu.dma_semaphore, #tpu.memory_space<semaphore_mem>>
    %dma_wait3A_411 = tpu.memref_squeeze %dma_wait3A_410 : memref<1x!tpu.dma_semaphore, #tpu.memory_space<semaphore_mem>> -> memref<!tpu.dma_semaphore, #tpu.memory_space<semaphore_mem>>
    %dma_wait3A_412 = arith.constant 0 : i32
    %dma_wait3A_413 = arith.constant 0 : i32
    %dma_wait3A_414 = tpu.memref_slice %arg6[%dma_wait3A_401, %dma_wait3A_412, %dma_wait3A_413] : memref<8x128x64xf32, #tpu.memory_space<vmem>> -> memref<1x128x64xf32, #tpu.memory_space<vmem>>
    %dma_wait3A_415 = tpu.memref_squeeze %dma_wait3A_414 : memref<1x128x64xf32, #tpu.memory_space<vmem>> -> memref<128x64xf32, #tpu.memory_space<vmem>>
    %dma_wait3A_416 = arith.constant 0 : i32
    %dma_wait3A_417 = arith.constant 0 : i32
    %dma_wait3A_418 = tpu.memref_slice %arg2[%dma_wait3A_416, %dma_wait3A_417] : memref<1000000x64xf32, #tpu.memory_space<hbm>> -> memref<128x64xf32, #tpu.memory_space<hbm>>
    tpu.wait_dma2 semaphore(%dma_wait3A_411 : memref<!tpu.dma_semaphore, #tpu.memory_space<semaphore_mem>>) src(%dma_wait3A_418 : memref<128x64xf32, #tpu.memory_space<hbm>>) dst(%dma_wait3A_415 : memref<128x64xf32, #tpu.memory_space<vmem>>)
    %add3A_419 = arith.constant 384 : i32
    %add3A_420 = arith.addi %mul3A_4, %add3A_419 : i32
    %dma_start3A_421 = arith.constant 7 : i32
    %dma_start3A_422 = arith.constant 49 : i32
    %dma_start3A_423 = arith.constant 7 : i32
    %dma_start3A_424 = arith.constant 0 : i32
    %dma_start3A_425 = arith.constant 0 : i32
    %dma_start3A_426 = tpu.memref_slice %arg6[%dma_start3A_421, %dma_start3A_424, %dma_start3A_425] : memref<8x128x64xf32, #tpu.memory_space<vmem>> -> memref<1x128x64xf32, #tpu.memory_space<vmem>>
    %dma_start3A_427 = tpu.memref_squeeze %dma_start3A_426 : memref<1x128x64xf32, #tpu.memory_space<vmem>> -> memref<128x64xf32, #tpu.memory_space<vmem>>
    %dma_start3A_428 = arith.constant 0 : i32
    %dma_start3A_429 = tpu.memref_slice %arg4[%add3A_420, %dma_start3A_422, %dma_start3A_428] : memref<16384x56x128xf32, #tpu.memory_space<hbm>> -> memref<128x1x64xf32, #tpu.memory_space<hbm>>
    %dma_start3A_430 = tpu.memref_squeeze %dma_start3A_429 : memref<128x1x64xf32, #tpu.memory_space<hbm>> -> memref<128x64xf32, #tpu.memory_space<hbm>>
    %dma_start3A_431 = tpu.memref_slice %arg8[%dma_start3A_423] : memref<8x!tpu.dma_semaphore, #tpu.memory_space<semaphore_mem>> -> memref<1x!tpu.dma_semaphore, #tpu.memory_space<semaphore_mem>>
    %dma_start3A_432 = tpu.memref_squeeze %dma_start3A_431 : memref<1x!tpu.dma_semaphore, #tpu.memory_space<semaphore_mem>> -> memref<!tpu.dma_semaphore, #tpu.memory_space<semaphore_mem>>
    %dma_start3A_433 = arith.constant 0 : i32
    %dma_start3A_434 = tpu.memref_slice %arg4[%add3A_420, %dma_start3A_422, %dma_start3A_433] : memref<16384x56x128xf32, #tpu.memory_space<hbm>> -> memref<128x1x64xf32, #tpu.memory_space<hbm>>
    %dma_start3A_435 = tpu.memref_squeeze %dma_start3A_434 : memref<128x1x64xf32, #tpu.memory_space<hbm>> -> memref<128x64xf32, #tpu.memory_space<hbm>>
    %dma_start3A_436 = arith.constant 0 : i32
    %dma_start3A_437 = arith.constant 0 : i32
    %dma_start3A_438 = tpu.memref_slice %arg6[%dma_start3A_421, %dma_start3A_436, %dma_start3A_437] : memref<8x128x64xf32, #tpu.memory_space<vmem>> -> memref<1x128x64xf32, #tpu.memory_space<vmem>>
    %dma_start3A_439 = tpu.memref_squeeze %dma_start3A_438 : memref<1x128x64xf32, #tpu.memory_space<vmem>> -> memref<128x64xf32, #tpu.memory_space<vmem>>
    tpu.enqueue_dma source(%dma_start3A_439 : memref<128x64xf32, #tpu.memory_space<vmem>>) target(%dma_start3A_435 : memref<128x64xf32, #tpu.memory_space<hbm>>) target_semaphore(%dma_start3A_432 : memref<!tpu.dma_semaphore, #tpu.memory_space<semaphore_mem>>)
    %dma_wait3A_440 = arith.constant 0 : i32
    %dma_wait3A_441 = arith.constant 0 : i32
    %dma_wait3A_442 = arith.constant 0 : i32
    %dma_wait3A_443 = arith.constant 0 : i32
    %dma_wait3A_444 = tpu.memref_slice %arg6[%dma_wait3A_440, %dma_wait3A_442, %dma_wait3A_443] : memref<8x128x64xf32, #tpu.memory_space<vmem>> -> memref<1x128x64xf32, #tpu.memory_space<vmem>>
    %dma_wait3A_445 = tpu.memref_squeeze %dma_wait3A_444 : memref<1x128x64xf32, #tpu.memory_space<vmem>> -> memref<128x64xf32, #tpu.memory_space<vmem>>
    %dma_wait3A_446 = arith.constant 0 : i32
    %dma_wait3A_447 = arith.constant 0 : i32
    %dma_wait3A_448 = tpu.memref_slice %arg2[%dma_wait3A_446, %dma_wait3A_447] : memref<1000000x64xf32, #tpu.memory_space<hbm>> -> memref<128x64xf32, #tpu.memory_space<hbm>>
    %dma_wait3A_449 = tpu.memref_slice %arg8[%dma_wait3A_441] : memref<8x!tpu.dma_semaphore, #tpu.memory_space<semaphore_mem>> -> memref<1x!tpu.dma_semaphore, #tpu.memory_space<semaphore_mem>>
    %dma_wait3A_450 = tpu.memref_squeeze %dma_wait3A_449 : memref<1x!tpu.dma_semaphore, #tpu.memory_space<semaphore_mem>> -> memref<!tpu.dma_semaphore, #tpu.memory_space<semaphore_mem>>
    %dma_wait3A_451 = arith.constant 0 : i32
    %dma_wait3A_452 = arith.constant 0 : i32
    %dma_wait3A_453 = tpu.memref_slice %arg6[%dma_wait3A_440, %dma_wait3A_451, %dma_wait3A_452] : memref<8x128x64xf32, #tpu.memory_space<vmem>> -> memref<1x128x64xf32, #tpu.memory_space<vmem>>
    %dma_wait3A_454 = tpu.memref_squeeze %dma_wait3A_453 : memref<1x128x64xf32, #tpu.memory_space<vmem>> -> memref<128x64xf32, #tpu.memory_space<vmem>>
    %dma_wait3A_455 = arith.constant 0 : i32
    %dma_wait3A_456 = arith.constant 0 : i32
    %dma_wait3A_457 = tpu.memref_slice %arg2[%dma_wait3A_455, %dma_wait3A_456] : memref<1000000x64xf32, #tpu.memory_space<hbm>> -> memref<128x64xf32, #tpu.memory_space<hbm>>
    tpu.wait_dma2 semaphore(%dma_wait3A_450 : memref<!tpu.dma_semaphore, #tpu.memory_space<semaphore_mem>>) src(%dma_wait3A_457 : memref<128x64xf32, #tpu.memory_space<hbm>>) dst(%dma_wait3A_454 : memref<128x64xf32, #tpu.memory_space<vmem>>)
    %dma_wait3A_458 = arith.constant 1 : i32
    %dma_wait3A_459 = arith.constant 1 : i32
    %dma_wait3A_460 = arith.constant 0 : i32
    %dma_wait3A_461 = arith.constant 0 : i32
    %dma_wait3A_462 = tpu.memref_slice %arg6[%dma_wait3A_458, %dma_wait3A_460, %dma_wait3A_461] : memref<8x128x64xf32, #tpu.memory_space<vmem>> -> memref<1x128x64xf32, #tpu.memory_space<vmem>>
    %dma_wait3A_463 = tpu.memref_squeeze %dma_wait3A_462 : memref<1x128x64xf32, #tpu.memory_space<vmem>> -> memref<128x64xf32, #tpu.memory_space<vmem>>
    %dma_wait3A_464 = arith.constant 0 : i32
    %dma_wait3A_465 = arith.constant 0 : i32
    %dma_wait3A_466 = tpu.memref_slice %arg2[%dma_wait3A_464, %dma_wait3A_465] : memref<1000000x64xf32, #tpu.memory_space<hbm>> -> memref<128x64xf32, #tpu.memory_space<hbm>>
    %dma_wait3A_467 = tpu.memref_slice %arg8[%dma_wait3A_459] : memref<8x!tpu.dma_semaphore, #tpu.memory_space<semaphore_mem>> -> memref<1x!tpu.dma_semaphore, #tpu.memory_space<semaphore_mem>>
    %dma_wait3A_468 = tpu.memref_squeeze %dma_wait3A_467 : memref<1x!tpu.dma_semaphore, #tpu.memory_space<semaphore_mem>> -> memref<!tpu.dma_semaphore, #tpu.memory_space<semaphore_mem>>
    %dma_wait3A_469 = arith.constant 0 : i32
    %dma_wait3A_470 = arith.constant 0 : i32
    %dma_wait3A_471 = tpu.memref_slice %arg6[%dma_wait3A_458, %dma_wait3A_469, %dma_wait3A_470] : memref<8x128x64xf32, #tpu.memory_space<vmem>> -> memref<1x128x64xf32, #tpu.memory_space<vmem>>
    %dma_wait3A_472 = tpu.memref_squeeze %dma_wait3A_471 : memref<1x128x64xf32, #tpu.memory_space<vmem>> -> memref<128x64xf32, #tpu.memory_space<vmem>>
    %dma_wait3A_473 = arith.constant 0 : i32
    %dma_wait3A_474 = arith.constant 0 : i32
    %dma_wait3A_475 = tpu.memref_slice %arg2[%dma_wait3A_473, %dma_wait3A_474] : memref<1000000x64xf32, #tpu.memory_space<hbm>> -> memref<128x64xf32, #tpu.memory_space<hbm>>
    tpu.wait_dma2 semaphore(%dma_wait3A_468 : memref<!tpu.dma_semaphore, #tpu.memory_space<semaphore_mem>>) src(%dma_wait3A_475 : memref<128x64xf32, #tpu.memory_space<hbm>>) dst(%dma_wait3A_472 : memref<128x64xf32, #tpu.memory_space<vmem>>)
    %dma_wait3A_476 = arith.constant 2 : i32
    %dma_wait3A_477 = arith.constant 2 : i32
    %dma_wait3A_478 = arith.constant 0 : i32
    %dma_wait3A_479 = arith.constant 0 : i32
    %dma_wait3A_480 = tpu.memref_slice %arg6[%dma_wait3A_476, %dma_wait3A_478, %dma_wait3A_479] : memref<8x128x64xf32, #tpu.memory_space<vmem>> -> memref<1x128x64xf32, #tpu.memory_space<vmem>>
    %dma_wait3A_481 = tpu.memref_squeeze %dma_wait3A_480 : memref<1x128x64xf32, #tpu.memory_space<vmem>> -> memref<128x64xf32, #tpu.memory_space<vmem>>
    %dma_wait3A_482 = arith.constant 0 : i32
    %dma_wait3A_483 = arith.constant 0 : i32
    %dma_wait3A_484 = tpu.memref_slice %arg2[%dma_wait3A_482, %dma_wait3A_483] : memref<1000000x64xf32, #tpu.memory_space<hbm>> -> memref<128x64xf32, #tpu.memory_space<hbm>>
    %dma_wait3A_485 = tpu.memref_slice %arg8[%dma_wait3A_477] : memref<8x!tpu.dma_semaphore, #tpu.memory_space<semaphore_mem>> -> memref<1x!tpu.dma_semaphore, #tpu.memory_space<semaphore_mem>>
    %dma_wait3A_486 = tpu.memref_squeeze %dma_wait3A_485 : memref<1x!tpu.dma_semaphore, #tpu.memory_space<semaphore_mem>> -> memref<!tpu.dma_semaphore, #tpu.memory_space<semaphore_mem>>
    %dma_wait3A_487 = arith.constant 0 : i32
    %dma_wait3A_488 = arith.constant 0 : i32
    %dma_wait3A_489 = tpu.memref_slice %arg6[%dma_wait3A_476, %dma_wait3A_487, %dma_wait3A_488] : memref<8x128x64xf32, #tpu.memory_space<vmem>> -> memref<1x128x64xf32, #tpu.memory_space<vmem>>
    %dma_wait3A_490 = tpu.memref_squeeze %dma_wait3A_489 : memref<1x128x64xf32, #tpu.memory_space<vmem>> -> memref<128x64xf32, #tpu.memory_space<vmem>>
    %dma_wait3A_491 = arith.constant 0 : i32
    %dma_wait3A_492 = arith.constant 0 : i32
    %dma_wait3A_493 = tpu.memref_slice %arg2[%dma_wait3A_491, %dma_wait3A_492] : memref<1000000x64xf32, #tpu.memory_space<hbm>> -> memref<128x64xf32, #tpu.memory_space<hbm>>
    tpu.wait_dma2 semaphore(%dma_wait3A_486 : memref<!tpu.dma_semaphore, #tpu.memory_space<semaphore_mem>>) src(%dma_wait3A_493 : memref<128x64xf32, #tpu.memory_space<hbm>>) dst(%dma_wait3A_490 : memref<128x64xf32, #tpu.memory_space<vmem>>)
    %dma_wait3A_494 = arith.constant 3 : i32
    %dma_wait3A_495 = arith.constant 3 : i32
    %dma_wait3A_496 = arith.constant 0 : i32
    %dma_wait3A_497 = arith.constant 0 : i32
    %dma_wait3A_498 = tpu.memref_slice %arg6[%dma_wait3A_494, %dma_wait3A_496, %dma_wait3A_497] : memref<8x128x64xf32, #tpu.memory_space<vmem>> -> memref<1x128x64xf32, #tpu.memory_space<vmem>>
    %dma_wait3A_499 = tpu.memref_squeeze %dma_wait3A_498 : memref<1x128x64xf32, #tpu.memory_space<vmem>> -> memref<128x64xf32, #tpu.memory_space<vmem>>
    %dma_wait3A_500 = arith.constant 0 : i32
    %dma_wait3A_501 = arith.constant 0 : i32
    %dma_wait3A_502 = tpu.memref_slice %arg2[%dma_wait3A_500, %dma_wait3A_501] : memref<1000000x64xf32, #tpu.memory_space<hbm>> -> memref<128x64xf32, #tpu.memory_space<hbm>>
    %dma_wait3A_503 = tpu.memref_slice %arg8[%dma_wait3A_495] : memref<8x!tpu.dma_semaphore, #tpu.memory_space<semaphore_mem>> -> memref<1x!tpu.dma_semaphore, #tpu.memory_space<semaphore_mem>>
    %dma_wait3A_504 = tpu.memref_squeeze %dma_wait3A_503 : memref<1x!tpu.dma_semaphore, #tpu.memory_space<semaphore_mem>> -> memref<!tpu.dma_semaphore, #tpu.memory_space<semaphore_mem>>
    %dma_wait3A_505 = arith.constant 0 : i32
    %dma_wait3A_506 = arith.constant 0 : i32
    %dma_wait3A_507 = tpu.memref_slice %arg6[%dma_wait3A_494, %dma_wait3A_505, %dma_wait3A_506] : memref<8x128x64xf32, #tpu.memory_space<vmem>> -> memref<1x128x64xf32, #tpu.memory_space<vmem>>
    %dma_wait3A_508 = tpu.memref_squeeze %dma_wait3A_507 : memref<1x128x64xf32, #tpu.memory_space<vmem>> -> memref<128x64xf32, #tpu.memory_space<vmem>>
    %dma_wait3A_509 = arith.constant 0 : i32
    %dma_wait3A_510 = arith.constant 0 : i32
    %dma_wait3A_511 = tpu.memref_slice %arg2[%dma_wait3A_509, %dma_wait3A_510] : memref<1000000x64xf32, #tpu.memory_space<hbm>> -> memref<128x64xf32, #tpu.memory_space<hbm>>
    tpu.wait_dma2 semaphore(%dma_wait3A_504 : memref<!tpu.dma_semaphore, #tpu.memory_space<semaphore_mem>>) src(%dma_wait3A_511 : memref<128x64xf32, #tpu.memory_space<hbm>>) dst(%dma_wait3A_508 : memref<128x64xf32, #tpu.memory_space<vmem>>)
    %dma_wait3A_512 = arith.constant 4 : i32
    %dma_wait3A_513 = arith.constant 4 : i32
    %dma_wait3A_514 = arith.constant 0 : i32
    %dma_wait3A_515 = arith.constant 0 : i32
    %dma_wait3A_516 = tpu.memref_slice %arg6[%dma_wait3A_512, %dma_wait3A_514, %dma_wait3A_515] : memref<8x128x64xf32, #tpu.memory_space<vmem>> -> memref<1x128x64xf32, #tpu.memory_space<vmem>>
    %dma_wait3A_517 = tpu.memref_squeeze %dma_wait3A_516 : memref<1x128x64xf32, #tpu.memory_space<vmem>> -> memref<128x64xf32, #tpu.memory_space<vmem>>
    %dma_wait3A_518 = arith.constant 0 : i32
    %dma_wait3A_519 = arith.constant 0 : i32
    %dma_wait3A_520 = tpu.memref_slice %arg2[%dma_wait3A_518, %dma_wait3A_519] : memref<1000000x64xf32, #tpu.memory_space<hbm>> -> memref<128x64xf32, #tpu.memory_space<hbm>>
    %dma_wait3A_521 = tpu.memref_slice %arg8[%dma_wait3A_513] : memref<8x!tpu.dma_semaphore, #tpu.memory_space<semaphore_mem>> -> memref<1x!tpu.dma_semaphore, #tpu.memory_space<semaphore_mem>>
    %dma_wait3A_522 = tpu.memref_squeeze %dma_wait3A_521 : memref<1x!tpu.dma_semaphore, #tpu.memory_space<semaphore_mem>> -> memref<!tpu.dma_semaphore, #tpu.memory_space<semaphore_mem>>
    %dma_wait3A_523 = arith.constant 0 : i32
    %dma_wait3A_524 = arith.constant 0 : i32
    %dma_wait3A_525 = tpu.memref_slice %arg6[%dma_wait3A_512, %dma_wait3A_523, %dma_wait3A_524] : memref<8x128x64xf32, #tpu.memory_space<vmem>> -> memref<1x128x64xf32, #tpu.memory_space<vmem>>
    %dma_wait3A_526 = tpu.memref_squeeze %dma_wait3A_525 : memref<1x128x64xf32, #tpu.memory_space<vmem>> -> memref<128x64xf32, #tpu.memory_space<vmem>>
    %dma_wait3A_527 = arith.constant 0 : i32
    %dma_wait3A_528 = arith.constant 0 : i32
    %dma_wait3A_529 = tpu.memref_slice %arg2[%dma_wait3A_527, %dma_wait3A_528] : memref<1000000x64xf32, #tpu.memory_space<hbm>> -> memref<128x64xf32, #tpu.memory_space<hbm>>
    tpu.wait_dma2 semaphore(%dma_wait3A_522 : memref<!tpu.dma_semaphore, #tpu.memory_space<semaphore_mem>>) src(%dma_wait3A_529 : memref<128x64xf32, #tpu.memory_space<hbm>>) dst(%dma_wait3A_526 : memref<128x64xf32, #tpu.memory_space<vmem>>)
    %dma_wait3A_530 = arith.constant 5 : i32
    %dma_wait3A_531 = arith.constant 5 : i32
    %dma_wait3A_532 = arith.constant 0 : i32
    %dma_wait3A_533 = arith.constant 0 : i32
    %dma_wait3A_534 = tpu.memref_slice %arg6[%dma_wait3A_530, %dma_wait3A_532, %dma_wait3A_533] : memref<8x128x64xf32, #tpu.memory_space<vmem>> -> memref<1x128x64xf32, #tpu.memory_space<vmem>>
    %dma_wait3A_535 = tpu.memref_squeeze %dma_wait3A_534 : memref<1x128x64xf32, #tpu.memory_space<vmem>> -> memref<128x64xf32, #tpu.memory_space<vmem>>
    %dma_wait3A_536 = arith.constant 0 : i32
    %dma_wait3A_537 = arith.constant 0 : i32
    %dma_wait3A_538 = tpu.memref_slice %arg2[%dma_wait3A_536, %dma_wait3A_537] : memref<1000000x64xf32, #tpu.memory_space<hbm>> -> memref<128x64xf32, #tpu.memory_space<hbm>>
    %dma_wait3A_539 = tpu.memref_slice %arg8[%dma_wait3A_531] : memref<8x!tpu.dma_semaphore, #tpu.memory_space<semaphore_mem>> -> memref<1x!tpu.dma_semaphore, #tpu.memory_space<semaphore_mem>>
    %dma_wait3A_540 = tpu.memref_squeeze %dma_wait3A_539 : memref<1x!tpu.dma_semaphore, #tpu.memory_space<semaphore_mem>> -> memref<!tpu.dma_semaphore, #tpu.memory_space<semaphore_mem>>
    %dma_wait3A_541 = arith.constant 0 : i32
    %dma_wait3A_542 = arith.constant 0 : i32
    %dma_wait3A_543 = tpu.memref_slice %arg6[%dma_wait3A_530, %dma_wait3A_541, %dma_wait3A_542] : memref<8x128x64xf32, #tpu.memory_space<vmem>> -> memref<1x128x64xf32, #tpu.memory_space<vmem>>
    %dma_wait3A_544 = tpu.memref_squeeze %dma_wait3A_543 : memref<1x128x64xf32, #tpu.memory_space<vmem>> -> memref<128x64xf32, #tpu.memory_space<vmem>>
    %dma_wait3A_545 = arith.constant 0 : i32
    %dma_wait3A_546 = arith.constant 0 : i32
    %dma_wait3A_547 = tpu.memref_slice %arg2[%dma_wait3A_545, %dma_wait3A_546] : memref<1000000x64xf32, #tpu.memory_space<hbm>> -> memref<128x64xf32, #tpu.memory_space<hbm>>
    tpu.wait_dma2 semaphore(%dma_wait3A_540 : memref<!tpu.dma_semaphore, #tpu.memory_space<semaphore_mem>>) src(%dma_wait3A_547 : memref<128x64xf32, #tpu.memory_space<hbm>>) dst(%dma_wait3A_544 : memref<128x64xf32, #tpu.memory_space<vmem>>)
    %dma_wait3A_548 = arith.constant 6 : i32
    %dma_wait3A_549 = arith.constant 6 : i32
    %dma_wait3A_550 = arith.constant 0 : i32
    %dma_wait3A_551 = arith.constant 0 : i32
    %dma_wait3A_552 = tpu.memref_slice %arg6[%dma_wait3A_548, %dma_wait3A_550, %dma_wait3A_551] : memref<8x128x64xf32, #tpu.memory_space<vmem>> -> memref<1x128x64xf32, #tpu.memory_space<vmem>>
    %dma_wait3A_553 = tpu.memref_squeeze %dma_wait3A_552 : memref<1x128x64xf32, #tpu.memory_space<vmem>> -> memref<128x64xf32, #tpu.memory_space<vmem>>
    %dma_wait3A_554 = arith.constant 0 : i32
    %dma_wait3A_555 = arith.constant 0 : i32
    %dma_wait3A_556 = tpu.memref_slice %arg2[%dma_wait3A_554, %dma_wait3A_555] : memref<1000000x64xf32, #tpu.memory_space<hbm>> -> memref<128x64xf32, #tpu.memory_space<hbm>>
    %dma_wait3A_557 = tpu.memref_slice %arg8[%dma_wait3A_549] : memref<8x!tpu.dma_semaphore, #tpu.memory_space<semaphore_mem>> -> memref<1x!tpu.dma_semaphore, #tpu.memory_space<semaphore_mem>>
    %dma_wait3A_558 = tpu.memref_squeeze %dma_wait3A_557 : memref<1x!tpu.dma_semaphore, #tpu.memory_space<semaphore_mem>> -> memref<!tpu.dma_semaphore, #tpu.memory_space<semaphore_mem>>
    %dma_wait3A_559 = arith.constant 0 : i32
    %dma_wait3A_560 = arith.constant 0 : i32
    %dma_wait3A_561 = tpu.memref_slice %arg6[%dma_wait3A_548, %dma_wait3A_559, %dma_wait3A_560] : memref<8x128x64xf32, #tpu.memory_space<vmem>> -> memref<1x128x64xf32, #tpu.memory_space<vmem>>
    %dma_wait3A_562 = tpu.memref_squeeze %dma_wait3A_561 : memref<1x128x64xf32, #tpu.memory_space<vmem>> -> memref<128x64xf32, #tpu.memory_space<vmem>>
    %dma_wait3A_563 = arith.constant 0 : i32
    %dma_wait3A_564 = arith.constant 0 : i32
    %dma_wait3A_565 = tpu.memref_slice %arg2[%dma_wait3A_563, %dma_wait3A_564] : memref<1000000x64xf32, #tpu.memory_space<hbm>> -> memref<128x64xf32, #tpu.memory_space<hbm>>
    tpu.wait_dma2 semaphore(%dma_wait3A_558 : memref<!tpu.dma_semaphore, #tpu.memory_space<semaphore_mem>>) src(%dma_wait3A_565 : memref<128x64xf32, #tpu.memory_space<hbm>>) dst(%dma_wait3A_562 : memref<128x64xf32, #tpu.memory_space<vmem>>)
    %dma_wait3A_566 = arith.constant 7 : i32
    %dma_wait3A_567 = arith.constant 7 : i32
    %dma_wait3A_568 = arith.constant 0 : i32
    %dma_wait3A_569 = arith.constant 0 : i32
    %dma_wait3A_570 = tpu.memref_slice %arg6[%dma_wait3A_566, %dma_wait3A_568, %dma_wait3A_569] : memref<8x128x64xf32, #tpu.memory_space<vmem>> -> memref<1x128x64xf32, #tpu.memory_space<vmem>>
    %dma_wait3A_571 = tpu.memref_squeeze %dma_wait3A_570 : memref<1x128x64xf32, #tpu.memory_space<vmem>> -> memref<128x64xf32, #tpu.memory_space<vmem>>
    %dma_wait3A_572 = arith.constant 0 : i32
    %dma_wait3A_573 = arith.constant 0 : i32
    %dma_wait3A_574 = tpu.memref_slice %arg2[%dma_wait3A_572, %dma_wait3A_573] : memref<1000000x64xf32, #tpu.memory_space<hbm>> -> memref<128x64xf32, #tpu.memory_space<hbm>>
    %dma_wait3A_575 = tpu.memref_slice %arg8[%dma_wait3A_567] : memref<8x!tpu.dma_semaphore, #tpu.memory_space<semaphore_mem>> -> memref<1x!tpu.dma_semaphore, #tpu.memory_space<semaphore_mem>>
    %dma_wait3A_576 = tpu.memref_squeeze %dma_wait3A_575 : memref<1x!tpu.dma_semaphore, #tpu.memory_space<semaphore_mem>> -> memref<!tpu.dma_semaphore, #tpu.memory_space<semaphore_mem>>
    %dma_wait3A_577 = arith.constant 0 : i32
    %dma_wait3A_578 = arith.constant 0 : i32
    %dma_wait3A_579 = tpu.memref_slice %arg6[%dma_wait3A_566, %dma_wait3A_577, %dma_wait3A_578] : memref<8x128x64xf32, #tpu.memory_space<vmem>> -> memref<1x128x64xf32, #tpu.memory_space<vmem>>
    %dma_wait3A_580 = tpu.memref_squeeze %dma_wait3A_579 : memref<1x128x64xf32, #tpu.memory_space<vmem>> -> memref<128x64xf32, #tpu.memory_space<vmem>>
    %dma_wait3A_581 = arith.constant 0 : i32
    %dma_wait3A_582 = arith.constant 0 : i32
    %dma_wait3A_583 = tpu.memref_slice %arg2[%dma_wait3A_581, %dma_wait3A_582] : memref<1000000x64xf32, #tpu.memory_space<hbm>> -> memref<128x64xf32, #tpu.memory_space<hbm>>
    tpu.wait_dma2 semaphore(%dma_wait3A_576 : memref<!tpu.dma_semaphore, #tpu.memory_space<semaphore_mem>>) src(%dma_wait3A_583 : memref<128x64xf32, #tpu.memory_space<hbm>>) dst(%dma_wait3A_580 : memref<128x64xf32, #tpu.memory_space<vmem>>)
    return
  }
}

</mosaic_0001>

<sc_bundles>
// kernel: kernel.3.cloned.1.call-start
scs
__scs_entry_jumppad:
0x0: {  	(pc) =	sbr.rel $0x88, $3  }
0x1: {  	(tag) =	ssettag $0x0;
	lr =	simm.s32 $0x1  }
0x2: {  	[smem:$0x3F9F] =	sst lr;
	_ =	strace $0xD0000000  }
0x3: {  	_ = 	snop  }
0x4: {  	_ = 	snop  }
0x5: {  	_ = 	snop  }
0x6: {  	_ = 	snop  }
0x7: {  	_ = 	snop  }
__scs_overlays_trampoline_lowered:
0x8: {  	[smem:$0x3FAE] =	sst s0  }
0x9: {  	[smem:$0x3FAF] =	sst s1  }
0xa: {  	[smem:$0x3FB0] =	sst s2  }
0xb: {  	[smem:$0x3FB1] =	sst s3  }
0xc: {  	[smem:$0x3FB2] =	sst s4  }
0xd: {  	[smem:$0x3FB3] =	sst s5  }
0xe: {  	[smem:$0x3FB4] =	sst s6  }
0xf: {  	[smem:$0x3FB5] =	sst s7  }
0x10: {  	[smem:$0x3FB6] =	sst s8  }
0x11: {  	[smem:$0x3FB7] =	sst s9;
	s0 =	simm.s32 @!p0 $0x0  }
0x12: {  	s1 =	sld [smem:$0x3F9D];
	s0 =	simm.s32 @p0 $0x1  }
0x13: {  	[smem:$0x3FB8] =	sst s0;
	s0 =	simm.s32 @!p1 $0x0  }
0x14: {  	s2 =	sld [smem:$0x3F9C];
	s0 =	simm.s32 @p1 $0x1  }
0x15: {  	[smem:$0x3FB9] =	sst s0;
	s0 =	simm.s32 @!p2 $0x0  }
0x16: {  	s3 =	sld [smem:$0x3FDB];
	s0 =	simm.s32 @p2 $0x1  }
0x17: {  	s4 =	simm.s32 $0x1BF5;
	[smem:$0x3FBB] =	sst s0  }
0x18: {  	s0 =	sld [smem:$0x3F9E];
	_ =	swait.ge [sflag:s4], $0x0  }
0x19: {  	s7 =	sld [smem:$0x3F9F]  }
0x1a: {  	s8 =	sadd.s32 $0xFFFFE003, lr  }
0x1b: {  	s9 =	sadd.s32 $0xFFFFFEF7, lr;
	s5 =	simm.s32 $0xFFFFFFFF;
	p2 =	slt.u32 s8, $0xFFFFF086  }
0x1c: {  	p1 =	slt.u32 s9, $0xF7A;
	s5 =	simm.s32 @!p2 $0x0  }
0x1d: {  	s5 =	simm.s32 @p1 $0x1;
	p0 =	seq.s32 s7, s2  }
0x1e: {  	s7 =	smul.u32 @!p0 $0xF7A, s2;
	p2 =	seq.s32 @!p0 s5, $0x0  }
0x1f: {  	s9 =	smul.u32 $0xF7A, s1;
	s8 =	simm.s32 @!p0 $0x1BF5;
	p2 =	por !p2, p0  }
0x20: {  	[sflag:s8] =	ssyncset.s32 @!p0 $0xFFFFF086;
	s6 =	sadd.s32 @!p0 s3, s7;
	s7 =	simm.s32 @!p0 $0x108  }
0x21: {  	s3 =	sadd.s32 s3, s9;
	s6 =	sadd.s32 @!p0 $0x88, s6;
	s7 =	simm.s32 @p2 $0x1082  }
0x22: {  	[simem:s7], [sflag:s8] =	dma.local @!p0 [hbm:s6], $0xF7A  }
0x23: {  	s9 =	sor.u32 $0xD0000000, s2;
	s6 =	simm.s32 $0x108;
	_ =	swait.ge @!p0 [sflag:s8], $0x0  }
0x24: {  	s3 =	sadd.s32 $0x88, s3;
	s6 =	simm.s32 @!p1 $0x1082;
	[sflag:s4] =	ssyncset.s32 $0xFFFFF086  }
0x25: {  	[simem:s6], [sflag:s4] =	dma.local [hbm:s3], $0xF7A  }
0x26: {  	[smem:$0x3F9F] =	sst s1;
	(tag) =	ssettag s2;
	_ =	strace s9  }
0x27: {  	s1 =	sld [smem:$0x3FAF]  }
0x28: {  	s2 =	sld [smem:$0x3FB0]  }
0x29: {  	s4 =	sld [smem:$0x3FB2]  }
0x2a: {  	p0 =	seq.s32 s5, $0x0;
	s5 =	sld [smem:$0x3FB3]  }
0x2b: {  	s6 =	sld [smem:$0x3FB4]  }
0x2c: {  	s7 =	sld [smem:$0x3FB5]  }
0x2d: {  	s3 =	simm.s32 $0x108;
	s8 =	sld [smem:$0x3FB6]  }
0x2e: {  	s3 =	simm.s32 @!p0 $0x1082;
	s9 =	sld [smem:$0x3FB7]  }
0x2f: {  	lr =	sadd.s32 s0, s3;
	s0 =	sld [smem:$0x3FAE]  }
0x30: {  	s3 =	sld [smem:$0x3FB1]  }
0x31: {  	[smem:$0x3FBA] =	sst s10  }
0x32: {  	s10 =	sld [smem:$0x3FB8];
	_ =	sdelay $0x3  }
0x33: {  	p0 =	seq.s32 s10, $0x1;
	s10 =	sld [smem:$0x3FBA];
	_ =	sdelay $0x3  }
0x34: {  	[smem:$0x3FBA] =	sst s10  }
0x35: {  	s10 =	sld [smem:$0x3FB9];
	_ =	sdelay $0x3  }
0x36: {  	p1 =	seq.s32 s10, $0x1;
	s10 =	sld [smem:$0x3FBA];
	_ =	sdelay $0x3  }
0x37: {  	[smem:$0x3FBA] =	sst s10  }
0x38: {  	s10 =	sld [smem:$0x3FBB]  }
0x39: {  	_ = 	snop;
	(pc) =	sbr.ind lr, $3  }
0x3a: {  	_ = 	snop  }
0x3b: {  	_ = 	snop  }
0x3c: {  	p2 =	seq.s32 s10, $0x1;
	s10 =	sld [smem:$0x3FBA]  }
0x3d: {  	_ =	shalt  }
0x3e: {  	_ =	shalt  }
0x3f: {  	_ =	shalt  }
0x40: {  	_ =	shalt  }
0x41: {  	_ =	shalt  }
0x42: {  	_ =	shalt  }
0x43: {  	_ =	shalt  }
0x44: {  	_ =	shalt  }
0x45: {  	_ =	shalt  }
0x46: {  	_ =	shalt  }
0x47: {  	_ =	shalt  }
0x48: {  	_ =	shalt  }
0x49: {  	_ =	shalt  }
0x4a: {  	_ =	shalt  }
0x4b: {  	_ =	shalt  }
0x4c: {  	_ =	shalt  }
0x4d: {  	_ =	shalt  }
0x4e: {  	_ =	shalt  }
0x4f: {  	_ =	shalt  }
0x50: {  	_ =	shalt  }
0x51: {  	_ =	shalt  }
0x52: {  	_ =	shalt  }
0x53: {  	_ =	shalt  }
0x54: {  	_ =	shalt  }
0x55: {  	_ =	shalt  }
0x56: {  	_ =	shalt  }
0x57: {  	_ =	shalt  }
0x58: {  	_ =	shalt  }
0x59: {  	_ =	shalt  }
0x5a: {  	_ =	shalt  }
0x5b: {  	_ =	shalt  }
0x5c: {  	_ =	shalt  }
0x5d: {  	_ =	shalt  }
0x5e: {  	_ =	shalt  }
0x5f: {  	_ =	shalt  }
0x60: {  	_ =	shalt  }
0x61: {  	_ =	shalt  }
0x62: {  	_ =	shalt  }
0x63: {  	_ =	shalt  }
0x64: {  	_ =	shalt  }
0x65: {  	_ =	shalt  }
0x66: {  	_ =	shalt  }
0x67: {  	_ =	shalt  }
0x68: {  	_ =	shalt  }
0x69: {  	_ =	shalt  }
0x6a: {  	_ =	shalt  }
0x6b: {  	_ =	shalt  }
0x6c: {  	_ =	shalt  }
0x6d: {  	_ =	shalt  }
0x6e: {  	_ =	shalt  }
0x6f: {  	_ =	shalt  }
0x70: {  	_ =	shalt  }
0x71: {  	_ =	shalt  }
0x72: {  	_ =	shalt  }
0x73: {  	_ =	shalt  }
0x74: {  	_ =	shalt  }
0x75: {  	_ =	shalt  }
0x76: {  	_ =	shalt  }
0x77: {  	_ =	shalt  }
0x78: {  	_ =	shalt  }
0x79: {  	_ =	shalt  }
0x7a: {  	_ =	shalt  }
0x7b: {  	_ =	shalt  }
0x7c: {  	_ =	shalt  }
0x7d: {  	_ =	shalt  }
0x7e: {  	_ =	shalt  }
0x7f: {  	_ =	shalt  }
0x80: {  	_ =	shalt  }
0x81: {  	_ =	shalt  }
0x82: {  	_ =	shalt  }
0x83: {  	_ =	shalt  }
0x84: {  	_ =	shalt  }
0x85: {  	_ =	shalt  }
0x86: {  	_ =	shalt  }
0x87: {  	_ =	shalt  }
.Lfunc_end0:
.L_simem_size_0:
called_computation.1_lowered:
.L_overlay_start_0:
0x88: {  	s2 =	sld [smem:$0x3FD9]  }
0x89: {  	s3 =	sld [smem:$0x3FFE];
	_ =	sdelay $0x1  }
0x8a: {  	s1 =	srdreg.scid  }
0x8b: {  	s0 =	sand.u32 $0x1, s1  }
0x8c: {  	s17 =	sshll.u32 s0, $0xA;
	s2 =	sadd.s32 s3, s2  }
0x8d: {  	s2 =	sadd.s32 s2, s17  }
0x8e: {  	[smem:$0x3FC6] =	sst s2  }
0x8f: {  	_ = 	snop  }
0x90: {  	s2 =	sld [smem:$0x3FD0];
	(tm) =	ssettm $0x1  }
0x91: {  	s18 =	sld [smem:$0x3FFB];
	_ =	sdelay $0x3  }
0x92: {  	_ =	strace s18  }
0x93: {  	s3 =	sld [smem:$0x3FFC];
	_ =	sdelay $0x3  }
0x94: {  	_ =	strace s3  }
0x95: {  	s3 =	sld [smem:$0x3FFD];
	_ =	sdelay $0x3  }
0x96: {  	_ =	strace s3  }
0x97: {  	_ =	strace $0x8FFFFFFF  }
0x98: {  	s19 =	sld [smem:$0x3FDB];
	_ =	sdelay $0x1  }
0x99: {  	s4 =	simm.s32 $_scs_section_size  }
0x9a: {  	s5 =	simm.s32 $_size__tile_overlayer_lowered;
	s6 =	simm.s32 $_tile_overlayer_lowered  }
0x9b: {  	s22 =	simm.s32 $0x1BFF;
	s21 =	sshll.u32 s6, $0x1;
	s3 =	sadd.s32 s4, s19  }
0x9c: {  	s7 =	simm.s32 $0x0;
	s20 =	sshll.u32 s5, $0x1;
	s5 =	sadd.s32 s21, s3  }
0x9d: {  	[timem:s7], [sflag:s22] =	dma.local [hbm:s5], s20  }
0x9e: {  	_ =	swait.ge [sflag:s22], s20  }
0x9f: {  	s4 =	ssub.s32 $0x0, s20;
	[sflag:s22] =	ssyncset.done $0x0  }
0xa0: {  	[sflag:s22] =	ssyncadd.s32 s4;
	_ =	sdelay $0x1  }
0xa1: {  	s23 =	simm.s32 $0x1B8B  }
0xa2: {  	_ =	swait.ge [sflag:s23], $0x1  }
0xa3: {  	[sflag:s23] =	ssyncset.done $0x0  }
0xa4: {  	s25 =	simm.s32 $0x1B8E;
	s24 =	sld [smem:$0x3FFE];
	[sflag:s23] =	ssyncadd.s32 $0xFFFFFFFF  }
0xa5: {  	s26 =	simm.s32 $execute0_lowered;
	[smem:$0x3FD2] =	sst s25  }
0xa6: {  	s5 =	sshll.u32 s26, $0x1;
	_ =	strace $0x80000046;
	[dreg:$0x1] =	wrdreg $0xFFFFFFFF  }
0xa7: {  	s28 =	simm.s32 $_size_execute0_lowered;
	s3 =	sadd.s32 s3, s5;
	[dreg:$0x0] =	wrdreg $0x0  }
0xa8: {  	s5 =	sshll.u32 s28, $0x1;
	[dreg:$0x2] =	wrdreg s3  }
0xa9: {  	[dreg:$0x3] =	wrdreg s5  }
0xaa: {  	[dreg:$0x4] =	wrdreg $0xC0  }
0xab: {  	_ =	task [dreg:s7], $0x5FFFF  }
0xac: {  	[dreg:$0x1] =	wrdreg $0xFFFFFFFF  }
0xad: {  	[dreg:$0x0] =	wrdreg $0x60  }
0xae: {  	[dreg:$0x2] =	wrdreg s24  }
0xaf: {  	[dreg:$0x3] =	wrdreg s2  }
0xb0: {  	[dreg:$0x4] =	wrdreg $0x9  }
0xb1: {  	_ =	task.clear_ibuf [dreg:s7], $0x5FFFF;
	_ =	strace $0x90000046  }
0xb2: {  	s29 =	simm.s32 $0x9;
	_ =	strace $0x80000048  }
0xb3: {  	_ =	swait.ge [sflag:s29], $0x1  }
0xb4: {  	[sflag:s29] =	ssyncadd.s32 $0xFFFFFFFF  }
0xb5: {  	_ =	strace $0x90000048  }
0xb6: {  	_ =	sfence  }
0xb7: {  	s30 =	sld [smem:$0x0];
	_ =	sdelay $0x2  }
0xb8: {  	s31 =	sshll.u32 s1, $0xD;
	s1 =	sshrl.u32 s1, $0x2  }
0xb9: {  	s3 =	sand.u32 $0x4000, s31;
	s1 =	sadd.s32 s1, s30  }
0xba: {  	s0 =	sor.u32 s3, s0;
	s1 =	sshll.u32 s1, $0x11  }
0xbb: {  	s0 =	sor.u32 s1, s0  }
0xbc: {  	s0 =	sadd.s32 $0x8F2B, s0  }
0xbd: {  	[sflag:s0] =	ssyncadd.remote.s32 $0x1  }
0xbe: {  	_ =	sfence.sel $0xFFFF  }
0xbf: {  	[dreg:$0x0] =	wrdreg $0xFFFFFFFF;
	(pc) =	sbr.abs _section_cstart, $3  }
0xc0: {  	[dreg:$0x1] =	wrdreg $0xFFFFFFFF  }
0xc1: {  	_ =	task.clear_ibuf [dreg:s7], $0x2FFFF;
	_ =	strace $0x9FFFFFFF  }
0xc2: {  	(tm) =	ssettm $0x7FFFFFFF  }
0xc3: {  	_ =	shalt  }
tec
execute0_lowered:
.L_overlay_start_1:
0x0: {  	(tag) =	ssettag $0x1  }
0x1: {  	s0 =	srdreg.scid;
	s1 =	rddreg [dreg:$0x0]  }
0x2: {  	s8 =	stileid.u32;
	s2 =	rddreg [dreg:$0x1]  }
0x3: {  	s6 =	simm.s32 $0x0;
	s0 =	sand.u32 $0x1, s0;
	s3 =	sshll.u32 s8, $0xA  }
0x4: {  	[smem:$0x7FF] =	sst s6;
	s20 =	sadd.s32 $0xF42E00, s1;
	s15 =	sadd.s32 $0xA00, s1  }
0x5: {  	s25 =	smul.u32 $0x700000, s8;
	s4 =	sshll.u32 s0, $0x9;
	_ =	strace $0x80000047  }
0x6: {  	s21 =	ssub.s32 $0x2, s0;
	s0 =	smul.u32 $0x380000, s0;
	s5 =	sor.u32 s4, s3  }
0x7: {  	[dreg:$0x3] =	wrdreg s20;
	s7 =	sshrl.u32 s21, $0x1;
	s19 =	smul.u32 $0x1C00, s5  }
0x8: {  	s5 =	sshrl.u32 s5, $0x3;
	s1 =	ssub.s32 s21, s7;
	s0 =	sadd.s32 s0, s25  }
0x9: {  	s2 =	sadd.s32 s2, s5;
	[dreg:$0x14] =	wrdreg s0;
	s6 =	sshrl.u32 s19, $0x3  }
0xa: {  	s1 =	smax.u32 s1, $0x1;
	[dreg:$0xa] =	wrdreg s2;
	s6 =	sadd.s32 s15, s6  }
0xb: {  	[dreg:$0x13] =	wrdreg s1;
	s22 =	sadd.s32 $0x542A0, s6  }
0xc: {  	s23 =	sadd.s32 $0x542B0, s6;
	[dreg:$0xb] =	wrdreg s22  }
0xd: {  	s24 =	sadd.s32 $0x542C0, s6;
	[dreg:$0xc] =	wrdreg s23  }
0xe: {  	s26 =	sadd.s32 $0x542D0, s6;
	[dreg:$0xd] =	wrdreg s24  }
0xf: {  	s28 =	sadd.s32 $0x542E0, s6;
	[dreg:$0xe] =	wrdreg s26  }
0x10: {  	s29 =	sadd.s32 $0x542F0, s6;
	[dreg:$0xf] =	wrdreg s28  }
0x11: {  	s30 =	sadd.s32 $0x54300, s6;
	[dreg:$0x10] =	wrdreg s29  }
0x12: {  	s31 =	sadd.s32 $0x54310, s6;
	[dreg:$0x11] =	wrdreg s30  }
0x13: {  	s1 =	simm.s32 $0x0;
	[dreg:$0x12] =	wrdreg s31  }
.LBB2_1:
0x14: {  	[dreg:$0x15] =	wrdreg s1  }
0x15: {  	s0 =	simm.s32 $0x0;
	s14 =	rddreg [dreg:$0xa]  }
0x16: {  	s2 =	simm.s32 $0x200;
	s5 =	simm.s32 $0x4000;
	s16 =	simm.s32 $0x11  }
0x17: {  	s11 =	simm.s32 $0x80;
	s12 =	simm.s32 $0x6400;
	s13 =	simm.s32 $0x8400  }
0x18: {  	s17 =	simm.s32 $0x400;
	s18 =	simm.s32 $0x600;
	s19 =	simm.s32 $0xC400  }
0x19: {  	s20 =	simm.s32 $0x800;
	s24 =	simm.s32 $0xE400;
	s21 =	simm.s32 $0xA00  }
0x1a: {  	s22 =	simm.s32 $0x10400;
	s3 =	simm.s32 $0x10400;
	s23 =	simm.s32 $0xC00  }
0x1b: {  	[tilespmem:s0], [sflag:$0x11] =	stream.strided.gather [hbm4b:s14+s2], $0x6400, s5, s2, $0x38;
	[tilespmem:$0x16400] =	vst v63  }
0x1c: {  	s9 =	simm.s32 $0x12400;
	s25 =	simm.s32 $0xE00;
	_ =	swait.ge [sflag:s16], $0x6400  }
0x1d: {  	s26 =	simm.s32 $0x14400;
	s6 =	simm.s32 $0x17;
	[sflag:s16] =	ssyncset.done $0x0  }
0x1e: {  	s8 =	simm.s32 $0x1;
	s4 =	rddreg [dreg:$0x3];
	[sflag:s16] =	ssyncadd.s32 $0xFFFF9C00  }
0x1f: {  	[tilespmem:s12], [sflag:$0x1] =	stream.indirect.gather [hbm4b:s4+s11], $0x40, s0, s11, $0xb8;
	[tilespmem:$0x16400] =	vst v63  }
0x20: {  	s28 =	simm.s32 $0x13;
	s30 =	simm.s32 $0x12;
	s29 =	simm.s32 $0xA  }
0x21: {  	[tilespmem:s13], [sflag:$0x2] =	stream.indirect.gather [hbm4b:s4+s11], $0x40, s2, s11, $0xb8;
	[tilespmem:$0x16400] =	vst v63  }
0x22: {  	s31 =	simm.s32 $0xB;
	s14 =	simm.s32 $0xA400;
	s5 =	simm.s32 $0x16  }
0x23: {  	[tilespmem:s14], [sflag:$0x3] =	stream.indirect.gather [hbm4b:s4+s11], $0x40, s17, s11, $0xb8;
	[tilespmem:$0x16400] =	vst v63  }
0x24: {  	[dreg:$0x6] =	wrdreg s6;
	s6 =	simm.s32 $0x2;
	s0 =	smulhi.u32 $0x51EB851F, s0  }
0x25: {  	[tilespmem:s19], [sflag:$0x4] =	stream.indirect.gather [hbm4b:s4+s11], $0x40, s18, s11, $0xb8;
	[tilespmem:$0x16400] =	vst v63  }
0x26: {  	[dreg:$0x5] =	wrdreg s5;
	s7 =	smulhi.u32 $0x51EB851F, s6;
	s0 =	sshrl.u32 s0, $0x4  }
0x27: {  	[tilespmem:s24], [sflag:$0x5] =	stream.indirect.gather [hbm4b:s4+s11], $0x40, s20, s11, $0xb8;
	[tilespmem:$0x16400] =	vst v63  }
0x28: {  	s10 =	rddreg [dreg:$0x14];
	s2 =	simm.s32 $0x15;
	s0 =	smul.u32 $0xDE700, s0  }
0x29: {  	[tilespmem:s22], [sflag:$0x6] =	stream.indirect.gather [hbm4b:s4+s11], $0x40, s21, s11, $0xb8;
	[tilespmem:$0x16400] =	vst v63  }
0x2a: {  	[dreg:$0x4] =	wrdreg s2;
	s17 =	sshrl.u32 s7, $0x4;
	s0 =	sadd.s32 s10, s0  }
0x2b: {  	[tilespmem:s9], [sflag:$0x7] =	stream.indirect.gather [hbm4b:s4+s11], $0x40, s23, s11, $0xb8;
	[tilespmem:$0x16400] =	vst v63  }
0x2c: {  	s18 =	simm.s32 $0x8;
	s16 =	sadd.s32 $0x80, s0;
	s0 =	sshrl.u32 s0, $0x3  }
0x2d: {  	[tilespmem:s26], [sflag:$0x8] =	stream.indirect.gather [hbm4b:s4+s11], $0x40, s25, s11, $0xb8;
	[tilespmem:$0x16400] =	vst v63  }
0x2e: {  	s0 =	sadd.s32 s15, s0;
	s2 =	sshrl.u32 s16, $0x3;
	_ =	swait.ge [sflag:s8], $0x2000  }
0x2f: {  	s16 =	simm.s32 $0x40;
	s21 =	simm.s32 $0x3;
	[sflag:s8] =	ssyncset.done $0x0  }
0x30: {  	s20 =	simm.s32 $0x1C00;
	s22 =	smulhi.u32 $0x51EB851F, s21;
	[sflag:s8] =	ssyncadd.s32 $0xFFFFE000  }
0x31: {  	[hbm4b:s0+s16] =	stream.strided.scatter [tilespmem:s12], [sflag:$0x9], $0x2000, s20, s16, $0x38;
	[tilespmem:$0x16400] =	vst v63  }
0x32: {  	s2 =	sadd.s32 s15, s2;
	s23 =	simm.s32 $0x1000;
	s0 =	smul.u32 $0xDE700, s17  }
0x33: {  	s1 =	sshrl.u32 s22, $0x4;
	s25 =	simm.s32 $0x14;
	_ =	swait.ge [sflag:s6], $0x2000  }
0x34: {  	s1 =	smul.u32 $0xDE700, s1;
	[sflag:s6] =	ssyncset.done $0x0;
	s0 =	sadd.s32 s0, s10  }
0x35: {  	[sflag:s6] =	ssyncadd.s32 $0xFFFFE000;
	s0 =	sadd.s32 $0x100, s0;
	s6 =	simm.s32 $0x4  }
0x36: {  	[hbm4b:s2+s16] =	stream.strided.scatter [tilespmem:s13], [sflag:$0xA], $0x2000, s20, s16, $0x38;
	[tilespmem:$0x16400] =	vst v63  }
0x37: {  	s1 =	sadd.s32 s1, s10;
	s7 =	smulhi.u32 $0x51EB851F, s6;
	s0 =	sshrl.u32 s0, $0x3  }
0x38: {  	s8 =	sadd.s32 $0x180, s1;
	_ =	swait.ge [sflag:s21], $0x2000;
	s0 =	sadd.s32 s15, s0  }
0x39: {  	[sflag:s21] =	ssyncset.done $0x0;
	s2 =	sshrl.u32 s7, $0x4;
	s7 =	simm.s32 $0x5  }
0x3a: {  	[sflag:s21] =	ssyncadd.s32 $0xFFFFE000;
	s17 =	smul.u32 $0xDE700, s2;
	s21 =	sshrl.u32 s8, $0x3  }
0x3b: {  	[hbm4b:s0+s16] =	stream.strided.scatter [tilespmem:s14], [sflag:$0xB], $0x2000, s20, s16, $0x38;
	[tilespmem:$0x16400] =	vst v63  }
0x3c: {  	s1 =	simm.s32 $0x11;
	s22 =	smulhi.u32 $0x51EB851F, s7;
	s2 =	sadd.s32 s15, s21  }
0x3d: {  	_ =	swait.ge [sflag:s6], $0x2000;
	s0 =	sadd.s32 s17, s10;
	s17 =	simm.s32 $0x10  }
0x3e: {  	s5 =	sshrl.u32 s22, $0x4;
	[sflag:s6] =	ssyncset.done $0x0;
	s0 =	sadd.s32 $0x200, s0  }
0x3f: {  	s8 =	smul.u32 $0xDE700, s5;
	[sflag:s6] =	ssyncadd.s32 $0xFFFFE000;
	s6 =	simm.s32 $0x6  }
0x40: {  	[hbm4b:s2+s16] =	stream.strided.scatter [tilespmem:s19], [sflag:$0xC], $0x2000, s20, s16, $0x38;
	[tilespmem:$0x16400] =	vst v63  }
0x41: {  	s22 =	simm.s32 $0x2000;
	s0 =	sshrl.u32 s0, $0x3;
	s21 =	smulhi.u32 $0x51EB851F, s6  }
0x42: {  	s0 =	sadd.s32 s15, s0;
	s2 =	sadd.s32 s8, s10;
	_ =	swait.ge [sflag:s7], $0x2000  }
0x43: {  	s2 =	sadd.s32 $0x280, s2;
	[sflag:s7] =	ssyncset.done $0x0;
	s5 =	sshrl.u32 s21, $0x4  }
0x44: {  	s21 =	simm.s32 $0x7;
	[sflag:s7] =	ssyncadd.s32 $0xFFFFE000;
	s7 =	smul.u32 $0xDE700, s5  }
0x45: {  	[hbm4b:s0+s16] =	stream.strided.scatter [tilespmem:s24], [sflag:$0xD], $0x2000, s20, s16, $0x38;
	[tilespmem:$0x16400] =	vst v63  }
0x46: {  	s2 =	sshrl.u32 s2, $0x3;
	s8 =	smulhi.u32 $0x51EB851F, s21;
	_ =	swait.ge [sflag:s6], $0x2000  }
0x47: {  	s2 =	sadd.s32 s15, s2;
	s5 =	simm.s32 $0xD;
	[sflag:s6] =	ssyncset.done $0x0  }
0x48: {  	s7 =	sadd.s32 s7, s10;
	s8 =	sshrl.u32 s8, $0x4;
	[sflag:s6] =	ssyncadd.s32 $0xFFFFE000  }
0x49: {  	[hbm4b:s2+s16] =	stream.strided.scatter [tilespmem:s3], [sflag:$0xE], $0x2000, s20, s16, $0x38;
	[tilespmem:$0x16400] =	vst v63  }
0x4a: {  	s0 =	simm.s32 $0xC;
	s6 =	sadd.s32 $0x300, s7;
	s2 =	smul.u32 $0xDE700, s8  }
0x4b: {  	s6 =	sshrl.u32 s6, $0x3;
	s3 =	simm.s32 $0x8;
	_ =	swait.ge [sflag:s21], $0x2000  }
0x4c: {  	s7 =	sadd.s32 s15, s6;
	s8 =	smulhi.u32 $0x51EB851F, s3;
	[sflag:s21] =	ssyncset.done $0x0  }
0x4d: {  	s6 =	simm.s32 $0xE;
	s2 =	sadd.s32 s2, s10;
	[sflag:s21] =	ssyncadd.s32 $0xFFFFE000  }
0x4e: {  	s8 =	sshrl.u32 s8, $0x4;
	s2 =	sadd.s32 $0x380, s2;
	s21 =	simm.s32 $0x9  }
0x4f: {  	[hbm4b:s7+s16] =	stream.strided.scatter [tilespmem:s9], [sflag:$0xF], $0x2000, s20, s16, $0x38;
	[tilespmem:$0x16400] =	vst v63  }
0x50: {  	s2 =	sshrl.u32 s2, $0x3;
	s9 =	smulhi.u32 $0x51EB851F, s21;
	_ =	swait.ge [sflag:s3], $0x2000  }
0x51: {  	s7 =	smul.u32 $0xFFFE7200, s8;
	s2 =	sadd.s32 s15, s2;
	[sflag:s3] =	ssyncset.done $0x0  }
0x52: {  	s8 =	sshrl.u32 s9, $0x4;
	[sflag:s3] =	ssyncadd.s32 $0xFFFFE000;
	s3 =	simm.s32 $0xA  }
0x53: {  	[hbm4b:s2+s16] =	stream.strided.scatter [tilespmem:s26], [sflag:$0x10], $0x2000, s20, s16, $0x38;
	[tilespmem:$0x16400] =	vst v63  }
0x54: {  	s7 =	sshra.s32 s7, $0x2;
	s16 =	smulhi.u32 $0x51EB851F, s3;
	_ =	swait.ge [sflag:s21], $0x2000  }
0x55: {  	s9 =	sadd.s32 $0x1000, s7;
	s2 =	smul.u32 $0xFFFE7200, s8;
	[sflag:s21] =	ssyncset.done $0x0  }
0x56: {  	s20 =	sshrl.u32 s16, $0x4;
	[sflag:s21] =	ssyncadd.s32 $0xFFFFE000;
	s21 =	simm.s32 $0xB  }
0x57: {  	[tilespmem:s12], [sflag:$0x1] =	stream.indirect.gather [hbm4b:s4+s11], $0x40, s9, s11, $0xb8;
	[tilespmem:$0x16400] =	vst v63  }
0x58: {  	s2 =	sshra.s32 s2, $0x2;
	s26 =	smulhi.u32 $0x51EB851F, s21;
	_ =	swait.ge [sflag:s3], $0x2000  }
0x59: {  	s8 =	smul.u32 $0xFFFE7200, s20;
	s2 =	sadd.s32 $0x1000, s2;
	[sflag:s3] =	ssyncset.done $0x0  }
0x5a: {  	s2 =	sadd.s32 $0x200, s2;
	s9 =	sshrl.u32 s26, $0x4;
	[sflag:s3] =	ssyncadd.s32 $0xFFFFE000  }
0x5b: {  	[tilespmem:s13], [sflag:$0x2] =	stream.indirect.gather [hbm4b:s4+s11], $0x40, s2, s11, $0xb8;
	[tilespmem:$0x16400] =	vst v63  }
0x5c: {  	s8 =	sshra.s32 s8, $0x2;
	s2 =	smul.u32 $0xFFFE7200, s9;
	s13 =	simm.s32 $0xC  }
0x5d: {  	s8 =	sadd.s32 $0x1000, s8;
	_ =	swait.ge [sflag:s21], $0x2000;
	s16 =	smulhi.u32 $0x51EB851F, s13  }
0x5e: {  	s7 =	simm.s32 $0xF;
	s8 =	sadd.s32 $0x400, s8;
	[sflag:s21] =	ssyncset.done $0x0  }
0x5f: {  	s2 =	sshra.s32 s2, $0x2;
	[sflag:s21] =	ssyncadd.s32 $0xFFFFE000;
	s20 =	sshrl.u32 s16, $0x4  }
0x60: {  	[tilespmem:s14], [sflag:$0x3] =	stream.indirect.gather [hbm4b:s4+s11], $0x40, s8, s11, $0xb8;
	[tilespmem:$0x16400] =	vst v63  }
0x61: {  	s2 =	sadd.s32 $0x1000, s2;
	s21 =	simm.s32 $0xD;
	s8 =	smul.u32 $0xFFFE7200, s20  }
0x62: {  	s26 =	smulhi.u32 $0x51EB851F, s21;
	s14 =	simm.s32 $0xE;
	_ =	swait.ge [sflag:s13], $0x2000  }
0x63: {  	s2 =	sadd.s32 $0x600, s2;
	s16 =	smulhi.u32 $0x51EB851F, s14;
	[sflag:s13] =	ssyncset.done $0x0  }
0x64: {  	s8 =	sshra.s32 s8, $0x2;
	[sflag:s13] =	ssyncadd.s32 $0xFFFFE000;
	s13 =	sshrl.u32 s26, $0x4  }
0x65: {  	[tilespmem:s19], [sflag:$0x4] =	stream.indirect.gather [hbm4b:s4+s11], $0x40, s2, s11, $0xb8;
	[tilespmem:$0x16400] =	vst v63  }
0x66: {  	s8 =	sadd.s32 $0x1000, s8;
	s2 =	smul.u32 $0xFFFE7200, s13;
	_ =	swait.ge [sflag:s21], $0x2000  }
0x67: {  	s20 =	simm.s32 $0xF;
	s8 =	sadd.s32 $0x800, s8;
	[sflag:s21] =	ssyncset.done $0x0  }
0x68: {  	s19 =	sshrl.u32 s16, $0x4;
	s2 =	sshra.s32 s2, $0x2;
	[sflag:s21] =	ssyncadd.s32 $0xFFFFE000  }
0x69: {  	[tilespmem:s24], [sflag:$0x5] =	stream.indirect.gather [hbm4b:s4+s11], $0x40, s8, s11, $0xb8;
	[tilespmem:$0x16400] =	vst v63  }
0x6a: {  	s2 =	sadd.s32 $0x1000, s2;
	s8 =	smul.u32 $0xFFFE7200, s19;
	_ =	swait.ge [sflag:s14], $0x2000  }
0x6b: {  	s21 =	smulhi.u32 $0x51EB851F, s20;
	s2 =	sadd.s32 $0xA00, s2;
	[sflag:s14] =	ssyncset.done $0x0  }
0x6c: {  	s24 =	simm.s32 $0x10400;
	s8 =	sshra.s32 s8, $0x2;
	[sflag:s14] =	ssyncadd.s32 $0xFFFFE000  }
0x6d: {  	[tilespmem:s24], [sflag:$0x6] =	stream.indirect.gather [hbm4b:s4+s11], $0x40, s2, s11, $0xb8;
	[tilespmem:$0x16400] =	vst v63  }
0x6e: {  	s26 =	sshrl.u32 s21, $0x4;
	s9 =	sadd.s32 $0x1000, s8;
	_ =	swait.ge [sflag:s20], $0x2000  }
0x6f: {  	s8 =	smov.u32 s10;
	s2 =	smul.u32 $0xFFFE7200, s26;
	[sflag:s20] =	ssyncset.done $0x0  }
.LBB2_2:
0x70: {  	s3 =	simm.s32 $0xF;
	s9 =	sadd.s32 $0xC00, s9;
	s10 =	rddreg [dreg:$0x4]  }
0x71: {  	s8 =	sadd.s32 $0x400, s8;
	s11 =	smov.u32 s18;
	s16 =	rddreg [dreg:$0x5]  }
0x72: {  	s12 =	simm.s32 $0x12400;
	s4 =	rddreg [dreg:$0x3];
	p0 =	sne.s32 s18, $0xB8  }
0x73: {  	s21 =	simm.s32 $0x10;
	s18 =	sadd.s32 $0x8, s18;
	s24 =	simm.s32 $0x14400  }
0x74: {  	s14 =	smov.u32 s1;
	s1 =	sadd.s32 $0x8, s1;
	[sflag:s3] =	ssyncadd.s32 $0xFFFFE000  }
0x75: {  	s19 =	smov.u32 s10;
	s20 =	smov.u32 s16;
	s3 =	simm.s32 $0x80  }
0x76: {  	s2 =	sshra.s32 s2, $0x2;
	s13 =	smulhi.u32 $0x51EB851F, s11;
	s11 =	smov.u32 s25  }
0x77: {  	s10 =	sadd.s32 $0x8, s10;
	s16 =	sadd.s32 $0x8, s16;
	[dreg:$0x9] =	wrdreg s19  }
0x78: {  	s25 =	sadd.s32 $0x8, s25;
	s14 =	smulhi.u32 $0x51EB851F, s14;
	[dreg:$0x7] =	wrdreg s20  }
0x79: {  	[tilespmem:s12], [sflag:$0x7] =	stream.indirect.gather [hbm4b:s4+s3], $0x40, s9, s3, $0xb8;
	[tilespmem:$0x16400] =	vst v63  }
0x7a: {  	s2 =	sadd.s32 s2, s23;
	s12 =	smov.u32 s28;
	s23 =	smov.u32 s22  }
0x7b: {  	s28 =	sadd.s32 $0x8, s28;
	s22 =	sadd.s32 $0x1000, s22;
	s11 =	smulhi.u32 $0x51EB851F, s11  }
0x7c: {  	_ =	swait.ge [sflag:s21], $0x2000;
	s2 =	sadd.s32 $0xE00, s2;
	[dreg:$0x4] =	wrdreg s10  }
0x7d: {  	s20 =	sshrl.u32 s13, $0x4;
	s13 =	smov.u32 s30;
	[dreg:$0x5] =	wrdreg s16  }
0x7e: {  	s10 =	simm.s32 $0x6400;
	s14 =	sshrl.u32 s14, $0x4;
	s12 =	smulhi.u32 $0x51EB851F, s12  }
0x7f: {  	s16 =	simm.s32 $0x40;
	s30 =	sadd.s32 $0x8, s30;
	s14 =	smul.u32 $0xFFFE7200, s14  }
0x80: {  	[sflag:s21] =	ssyncset.done $0x0;
	s26 =	rddreg [dreg:$0x6];
	s13 =	smulhi.u32 $0x51EB851F, s13  }
0x81: {  	[sflag:s21] =	ssyncadd.s32 $0xFFFFE000;
	s19 =	smov.u32 s26;
	s9 =	sadd.s32 $0x8, s26  }
0x82: {  	[tilespmem:s24], [sflag:$0x8] =	stream.indirect.gather [hbm4b:s4+s3], $0x40, s2, s3, $0xb8;
	[tilespmem:$0x16400] =	vst v63  }
0x83: {  	s21 =	simm.s32 $0x1;
	s12 =	sshrl.u32 s12, $0x4;
	[dreg:$0x8] =	wrdreg s19  }
0x84: {  	s19 =	smul.u32 $0xDE700, s20;
	s2 =	smov.u32 s17;
	[dreg:$0x6] =	wrdreg s9  }
0x85: {  	s24 =	smulhi.u32 $0x51EB851F, s29;
	s20 =	simm.s32 $0x1C00;
	s17 =	sadd.s32 $0x8, s17  }
0x86: {  	s29 =	sadd.s32 $0x8, s29;
	s9 =	simm.s32 $0xE400;
	s12 =	smul.u32 $0xFFFE7200, s12  }
0x87: {  	_ =	swait.ge [sflag:s21], $0x2000;
	s2 =	smulhi.u32 $0x51EB851F, s2;
	s19 =	sadd.s32 s8, s19  }
0x88: {  	[sflag:s21] =	ssyncset.done $0x0;
	s26 =	sadd.s32 $0x80, s19;
	s19 =	sshrl.u32 s19, $0x3  }
0x89: {  	[sflag:s21] =	ssyncadd.s32 $0xFFFFE000;
	s21 =	sshrl.u32 s24, $0x4;
	s19 =	sadd.s32 s15, s19  }
0x8a: {  	[hbm4b:s19+s16] =	stream.strided.scatter [tilespmem:s10], [sflag:$0x9], $0x2000, s20, s16, $0x38;
	[tilespmem:$0x16400] =	vst v63  }
0x8b: {  	s14 =	sshra.s32 s14, $0x2;
	s24 =	simm.s32 $0x2;
	s19 =	smul.u32 $0xDE700, s21  }
0x8c: {  	s26 =	sshrl.u32 s26, $0x3;
	s10 =	smulhi.u32 $0x51EB851F, s31;
	_ =	swait.ge [sflag:s24], $0x2000  }
0x8d: {  	s26 =	sadd.s32 s15, s26;
	s21 =	simm.s32 $0x8400;
	[sflag:s24] =	ssyncset.done $0x0  }
0x8e: {  	s19 =	sadd.s32 s19, s8;
	[sflag:s24] =	ssyncadd.s32 $0xFFFFE000;
	s24 =	sshrl.u32 s10, $0x4  }
0x8f: {  	[hbm4b:s26+s16] =	stream.strided.scatter [tilespmem:s21], [sflag:$0xA], $0x2000, s20, s16, $0x38;
	[tilespmem:$0x16400] =	vst v63  }
0x90: {  	s10 =	simm.s32 $0x3;
	s19 =	sadd.s32 $0x100, s19;
	s24 =	smul.u32 $0xDE700, s24  }
0x91: {  	s21 =	smulhi.u32 $0x51EB851F, s0;
	s19 =	sshrl.u32 s19, $0x3;
	_ =	swait.ge [sflag:s10], $0x2000  }
0x92: {  	s19 =	sadd.s32 s15, s19;
	[sflag:s10] =	ssyncset.done $0x0;
	s24 =	sadd.s32 s24, s8  }
0x93: {  	s26 =	sshrl.u32 s21, $0x4;
	[sflag:s10] =	ssyncadd.s32 $0xFFFFE000;
	s10 =	simm.s32 $0xA400  }
0x94: {  	[hbm4b:s19+s16] =	stream.strided.scatter [tilespmem:s10], [sflag:$0xB], $0x2000, s20, s16, $0x38;
	[tilespmem:$0x16400] =	vst v63  }
0x95: {  	s24 =	sadd.s32 $0x180, s24;
	s19 =	smul.u32 $0xDE700, s26;
	s26 =	simm.s32 $0x4  }
0x96: {  	s21 =	smulhi.u32 $0x51EB851F, s5;
	s24 =	sshrl.u32 s24, $0x3;
	_ =	swait.ge [sflag:s26], $0x2000  }
0x97: {  	s24 =	sadd.s32 s15, s24;
	[sflag:s26] =	ssyncset.done $0x0;
	s19 =	sadd.s32 s19, s8  }
0x98: {  	[sflag:s26] =	ssyncadd.s32 $0xFFFFE000;
	s26 =	sshrl.u32 s21, $0x4;
	s21 =	simm.s32 $0xC400  }
0x99: {  	[hbm4b:s24+s16] =	stream.strided.scatter [tilespmem:s21], [sflag:$0xC], $0x2000, s20, s16, $0x38;
	[tilespmem:$0x16400] =	vst v63  }
0x9a: {  	s19 =	sadd.s32 $0x200, s19;
	s24 =	smul.u32 $0xDE700, s26;
	s26 =	simm.s32 $0x5  }
0x9b: {  	s19 =	sshrl.u32 s19, $0x3;
	s21 =	smulhi.u32 $0x51EB851F, s6;
	_ =	swait.ge [sflag:s26], $0x2000  }
0x9c: {  	s2 =	sshrl.u32 s2, $0x4;
	s19 =	sadd.s32 s15, s19;
	[sflag:s26] =	ssyncset.done $0x0  }
0x9d: {  	s24 =	sadd.s32 s24, s8;
	[sflag:s26] =	ssyncadd.s32 $0xFFFFE000;
	s26 =	sshrl.u32 s21, $0x4  }
0x9e: {  	[hbm4b:s19+s16] =	stream.strided.scatter [tilespmem:s9], [sflag:$0xD], $0x2000, s20, s16, $0x38;
	[tilespmem:$0x16400] =	vst v63  }
0x9f: {  	s24 =	sadd.s32 $0x280, s24;
	s21 =	simm.s32 $0x6;
	s19 =	smul.u32 $0xDE700, s26  }
0xa0: {  	s24 =	sshrl.u32 s24, $0x3;
	s26 =	smulhi.u32 $0x51EB851F, s7;
	_ =	swait.ge [sflag:s21], $0x2000  }
0xa1: {  	s2 =	smul.u32 $0xFFFE7200, s2;
	s24 =	sadd.s32 s15, s24;
	[sflag:s21] =	ssyncset.done $0x0  }
0xa2: {  	s26 =	sshrl.u32 s26, $0x4;
	[sflag:s21] =	ssyncadd.s32 $0xFFFFE000;
	s21 =	simm.s32 $0x10400  }
0xa3: {  	[hbm4b:s24+s16] =	stream.strided.scatter [tilespmem:s21], [sflag:$0xE], $0x2000, s20, s16, $0x38;
	[tilespmem:$0x16400] =	vst v63  }
0xa4: {  	s19 =	sadd.s32 s19, s8;
	s24 =	smul.u32 $0xDE700, s26;
	s26 =	simm.s32 $0x7  }
0xa5: {  	s31 =	sadd.s32 $0x8, s31;
	s19 =	sadd.s32 $0x300, s19;
	_ =	swait.ge [sflag:s26], $0x2000  }
0xa6: {  	s2 =	sshra.s32 s2, $0x2;
	s19 =	sshrl.u32 s19, $0x3;
	[sflag:s26] =	ssyncset.done $0x0  }
0xa7: {  	s19 =	sadd.s32 s15, s19;
	[sflag:s26] =	ssyncadd.s32 $0xFFFFE000;
	s26 =	simm.s32 $0x12400  }
0xa8: {  	[hbm4b:s19+s16] =	stream.strided.scatter [tilespmem:s26], [sflag:$0xF], $0x2000, s20, s16, $0x38;
	[tilespmem:$0x16400] =	vst v63  }
0xa9: {  	s2 =	sadd.s32 s2, s23;
	s24 =	sadd.s32 s24, s8;
	s26 =	simm.s32 $0x8  }
0xaa: {  	s0 =	sadd.s32 $0x8, s0;
	s24 =	sadd.s32 $0x380, s24;
	_ =	swait.ge [sflag:s26], $0x2000  }
0xab: {  	s5 =	sadd.s32 $0x8, s5;
	s19 =	sshrl.u32 s24, $0x3;
	[sflag:s26] =	ssyncset.done $0x0  }
0xac: {  	s19 =	sadd.s32 s15, s19;
	[sflag:s26] =	ssyncadd.s32 $0xFFFFE000;
	s26 =	simm.s32 $0x14400  }
0xad: {  	[hbm4b:s19+s16] =	stream.strided.scatter [tilespmem:s26], [sflag:$0x10], $0x2000, s20, s16, $0x38;
	[tilespmem:$0x16400] =	vst v63  }
0xae: {  	s6 =	sadd.s32 $0x8, s6;
	s7 =	sadd.s32 $0x8, s7;
	s20 =	simm.s32 $0x9  }
0xaf: {  	s21 =	simm.s32 $0x6400;
	s24 =	sshrl.u32 s13, $0x4;
	_ =	swait.ge [sflag:s20], $0x2000  }
0xb0: {  	s13 =	sadd.s32 s14, s23;
	s14 =	simm.s32 $0x8400;
	[sflag:s20] =	ssyncset.done $0x0  }
0xb1: {  	s13 =	sadd.s32 $0x200, s13;
	s26 =	simm.s32 $0xA;
	[sflag:s20] =	ssyncadd.s32 $0xFFFFE000  }
0xb2: {  	[tilespmem:s21], [sflag:$0x1] =	stream.indirect.gather [hbm4b:s4+s3], $0x40, s2, s3, $0xb8;
	[tilespmem:$0x16400] =	vst v63  }
0xb3: {  	s19 =	simm.s32 $0x6400;
	s2 =	smul.u32 $0xFFFE7200, s24;
	_ =	swait.ge [sflag:s26], $0x2000  }
0xb4: {  	s20 =	simm.s32 $0x8400;
	s21 =	simm.s32 $0xB;
	[sflag:s26] =	ssyncset.done $0x0  }
0xb5: {  	s24 =	sshrl.u32 s11, $0x4;
	s2 =	sshra.s32 s2, $0x2;
	[sflag:s26] =	ssyncadd.s32 $0xFFFFE000  }
0xb6: {  	[tilespmem:s20], [sflag:$0x2] =	stream.indirect.gather [hbm4b:s4+s3], $0x40, s13, s3, $0xb8;
	[tilespmem:$0x16400] =	vst v63  }
0xb7: {  	s2 =	sadd.s32 s2, s23;
	s26 =	simm.s32 $0xC;
	_ =	swait.ge [sflag:s21], $0x2000  }
0xb8: {  	s2 =	sadd.s32 $0x400, s2;
	s13 =	simm.s32 $0xA400;
	[sflag:s21] =	ssyncset.done $0x0  }
0xb9: {  	s20 =	sshra.s32 s12, $0x2;
	s12 =	simm.s32 $0xC400;
	[sflag:s21] =	ssyncadd.s32 $0xFFFFE000  }
0xba: {  	[tilespmem:s10], [sflag:$0x3] =	stream.indirect.gather [hbm4b:s4+s3], $0x40, s2, s3, $0xb8;
	[tilespmem:$0x16400] =	vst v63  }
0xbb: {  	s11 =	sadd.s32 s20, s23;
	s2 =	smul.u32 $0xFFFE7200, s24;
	_ =	swait.ge [sflag:s26], $0x2000  }
0xbc: {  	s11 =	sadd.s32 $0x600, s11;
	s24 =	simm.s32 $0xC400;
	s21 =	rddreg [dreg:$0x9]  }
0xbd: {  	[sflag:s26] =	ssyncset.done $0x0;
	s2 =	sshra.s32 s2, $0x2;
	s10 =	smulhi.u32 $0x51EB851F, s21  }
0xbe: {  	[sflag:s26] =	ssyncadd.s32 $0xFFFFE000;
	s26 =	simm.s32 $0xD;
	s2 =	sadd.s32 s2, s23  }
0xbf: {  	[tilespmem:s24], [sflag:$0x4] =	stream.indirect.gather [hbm4b:s4+s3], $0x40, s11, s3, $0xb8;
	[tilespmem:$0x16400] =	vst v63  }
0xc0: {  	s2 =	sadd.s32 $0x800, s2;
	s10 =	sshrl.u32 s10, $0x4;
	_ =	swait.ge [sflag:s26], $0x2000  }
0xc1: {  	s10 =	smul.u32 $0xFFFE7200, s10;
	[sflag:s26] =	ssyncset.done $0x0;
	s20 =	rddreg [dreg:$0x7]  }
0xc2: {  	s24 =	simm.s32 $0xE400;
	s11 =	smulhi.u32 $0x51EB851F, s20;
	[sflag:s26] =	ssyncadd.s32 $0xFFFFE000  }
0xc3: {  	[tilespmem:s9], [sflag:$0x5] =	stream.indirect.gather [hbm4b:s4+s3], $0x40, s2, s3, $0xb8;
	[tilespmem:$0x16400] =	vst v63  }
0xc4: {  	s26 =	simm.s32 $0xE;
	s20 =	simm.s32 $0x10400;
	s10 =	sshra.s32 s10, $0x2  }
0xc5: {  	s21 =	sshrl.u32 s11, $0x4;
	_ =	swait.ge [sflag:s26], $0x2000;
	s10 =	sadd.s32 s10, s23  }
0xc6: {  	s11 =	simm.s32 $0x10400;
	s2 =	smul.u32 $0xFFFE7200, s21;
	[sflag:s26] =	ssyncset.done $0x0  }
.Ltmp0:
0xc7: {  	s16 =	rddreg [dreg:$0x8];
	s10 =	sadd.s32 $0xA00, s10;
	(pc) =	sbr.rel @p0 .LBB2_2-.Ltmp0, $4  }
0xc8: {  	s21 =	simm.s32 $0xF;
	s9 =	smulhi.u32 $0x51EB851F, s16;
	[sflag:s26] =	ssyncadd.s32 $0xFFFFE000  }
0xc9: {  	[tilespmem:s20], [sflag:$0x6] =	stream.indirect.gather [hbm4b:s4+s3], $0x40, s10, s3, $0xb8;
	[tilespmem:$0x16400] =	vst v63  }
0xca: {  	s26 =	sshra.s32 s2, $0x2;
	s9 =	sshrl.u32 s9, $0x4;
	_ =	swait.ge [sflag:s21], $0x2000  }
0xcb: {  	s2 =	smul.u32 $0xFFFE7200, s9;
	[sflag:s21] =	ssyncset.done $0x0;
	s9 =	sadd.s32 s26, s23  }
0xcc: {  	s5 =	simm.s32 $0xF  }
0xcd: {  	s0 =	sadd.s32 $0xC00, s9;
	s1 =	simm.s32 $0x80;
	s3 =	simm.s32 $0x12400  }
0xce: {  	s4 =	rddreg [dreg:$0x3];
	s6 =	simm.s32 $0x10;
	[sflag:s5] =	ssyncadd.s32 $0xFFFFE000  }
0xcf: {  	[tilespmem:s3], [sflag:$0x7] =	stream.indirect.gather [hbm4b:s4+s1], $0x40, s0, s1, $0xb8;
	[tilespmem:$0x16400] =	vst v63  }
0xd0: {  	s22 =	sshra.s32 s2, $0x2;
	_ =	swait.ge [sflag:s6], $0x2000  }
0xd1: {  	s25 =	simm.s32 $0x14400;
	s0 =	sadd.s32 s22, s23;
	[sflag:s6] =	ssyncset.done $0x0  }
0xd2: {  	s26 =	simm.s32 $0x1;
	s0 =	sadd.s32 $0xE00, s0;
	[sflag:s6] =	ssyncadd.s32 $0xFFFFE000  }
0xd3: {  	[tilespmem:s25], [sflag:$0x8] =	stream.indirect.gather [hbm4b:s4+s1], $0x40, s0, s1, $0xb8;
	[tilespmem:$0x16400] =	vst v63  }
0xd4: {  	_ =	swait.ge [sflag:s26], $0x2000  }
0xd5: {  	s29 =	simm.s32 $0x40;
	s30 =	simm.s32 $0x1C00;
	[sflag:s26] =	ssyncset.done $0x0  }
0xd6: {  	s31 =	simm.s32 $0x2;
	s28 =	rddreg [dreg:$0xb];
	[sflag:s26] =	ssyncadd.s32 $0xFFFFE000  }
0xd7: {  	[hbm4b:s28+s29] =	stream.strided.scatter [tilespmem:s19], [sflag:$0x9], $0x2000, s30, s29, $0x38;
	[tilespmem:$0x16400] =	vst v63  }
0xd8: {  	_ =	swait.ge [sflag:s31], $0x2000  }
0xd9: {  	[sflag:s31] =	ssyncset.done $0x0  }
0xda: {  	s8 =	simm.s32 $0x3;
	s7 =	rddreg [dreg:$0xc];
	[sflag:s31] =	ssyncadd.s32 $0xFFFFE000  }
0xdb: {  	[hbm4b:s7+s29] =	stream.strided.scatter [tilespmem:s14], [sflag:$0xA], $0x2000, s30, s29, $0x38;
	[tilespmem:$0x16400] =	vst v63  }
0xdc: {  	_ =	swait.ge [sflag:s8], $0x2000  }
0xdd: {  	[sflag:s8] =	ssyncset.done $0x0  }
0xde: {  	s10 =	simm.s32 $0x4;
	s9 =	rddreg [dreg:$0xd];
	[sflag:s8] =	ssyncadd.s32 $0xFFFFE000  }
0xdf: {  	[hbm4b:s9+s29] =	stream.strided.scatter [tilespmem:s13], [sflag:$0xB], $0x2000, s30, s29, $0x38;
	[tilespmem:$0x16400] =	vst v63  }
0xe0: {  	_ =	swait.ge [sflag:s10], $0x2000  }
0xe1: {  	[sflag:s10] =	ssyncset.done $0x0  }
0xe2: {  	s14 =	simm.s32 $0x5;
	s13 =	rddreg [dreg:$0xe];
	[sflag:s10] =	ssyncadd.s32 $0xFFFFE000  }
0xe3: {  	[hbm4b:s13+s29] =	stream.strided.scatter [tilespmem:s12], [sflag:$0xC], $0x2000, s30, s29, $0x38;
	[tilespmem:$0x16400] =	vst v63  }
0xe4: {  	_ =	swait.ge [sflag:s14], $0x2000  }
0xe5: {  	[sflag:s14] =	ssyncset.done $0x0  }
0xe6: {  	s17 =	simm.s32 $0x6;
	s16 =	rddreg [dreg:$0xf];
	[sflag:s14] =	ssyncadd.s32 $0xFFFFE000  }
0xe7: {  	[hbm4b:s16+s29] =	stream.strided.scatter [tilespmem:s24], [sflag:$0xD], $0x2000, s30, s29, $0x38;
	[tilespmem:$0x16400] =	vst v63  }
0xe8: {  	_ =	swait.ge [sflag:s17], $0x2000  }
0xe9: {  	[sflag:s17] =	ssyncset.done $0x0  }
0xea: {  	s19 =	simm.s32 $0x7;
	s18 =	rddreg [dreg:$0x10];
	[sflag:s17] =	ssyncadd.s32 $0xFFFFE000  }
0xeb: {  	[hbm4b:s18+s29] =	stream.strided.scatter [tilespmem:s11], [sflag:$0xE], $0x2000, s30, s29, $0x38;
	[tilespmem:$0x16400] =	vst v63  }
0xec: {  	_ =	swait.ge [sflag:s19], $0x2000  }
0xed: {  	[sflag:s19] =	ssyncset.done $0x0  }
0xee: {  	s21 =	simm.s32 $0x8;
	s20 =	rddreg [dreg:$0x11];
	[sflag:s19] =	ssyncadd.s32 $0xFFFFE000  }
0xef: {  	[hbm4b:s20+s29] =	stream.strided.scatter [tilespmem:s3], [sflag:$0xF], $0x2000, s30, s29, $0x38;
	[tilespmem:$0x16400] =	vst v63  }
0xf0: {  	_ =	swait.ge [sflag:s21], $0x2000  }
0xf1: {  	[sflag:s21] =	ssyncset.done $0x0  }
0xf2: {  	s23 =	simm.s32 $0x9;
	s22 =	rddreg [dreg:$0x12];
	[sflag:s21] =	ssyncadd.s32 $0xFFFFE000  }
0xf3: {  	[hbm4b:s22+s29] =	stream.strided.scatter [tilespmem:s25], [sflag:$0x10], $0x2000, s30, s29, $0x38;
	[tilespmem:$0x16400] =	vst v63  }
0xf4: {  	_ =	swait.ge [sflag:s23], $0x2000  }
0xf5: {  	[sflag:s23] =	ssyncset.done $0x0  }
0xf6: {  	s24 =	simm.s32 $0xA;
	[sflag:s23] =	ssyncadd.s32 $0xFFFFE000  }
0xf7: {  	_ =	swait.ge [sflag:s24], $0x2000  }
0xf8: {  	[sflag:s24] =	ssyncset.done $0x0  }
0xf9: {  	s25 =	simm.s32 $0xB;
	[sflag:s24] =	ssyncadd.s32 $0xFFFFE000  }
0xfa: {  	_ =	swait.ge [sflag:s25], $0x2000  }
0xfb: {  	[sflag:s25] =	ssyncset.done $0x0  }
0xfc: {  	s26 =	simm.s32 $0xC;
	[sflag:s25] =	ssyncadd.s32 $0xFFFFE000  }
0xfd: {  	_ =	swait.ge [sflag:s26], $0x2000  }
0xfe: {  	[sflag:s26] =	ssyncset.done $0x0  }
0xff: {  	s28 =	simm.s32 $0xD;
	[sflag:s26] =	ssyncadd.s32 $0xFFFFE000  }
0x100: {  	_ =	swait.ge [sflag:s28], $0x2000  }
0x101: {  	[sflag:s28] =	ssyncset.done $0x0  }
0x102: {  	s29 =	simm.s32 $0xE;
	[sflag:s28] =	ssyncadd.s32 $0xFFFFE000  }
0x103: {  	_ =	swait.ge [sflag:s29], $0x2000  }
0x104: {  	[sflag:s29] =	ssyncset.done $0x0  }
0x105: {  	[sflag:s29] =	ssyncadd.s32 $0xFFFFE000  }
0x106: {  	_ =	swait.ge [sflag:s5], $0x2000  }
0x107: {  	[sflag:s5] =	ssyncset.done $0x0  }
0x108: {  	[sflag:s5] =	ssyncadd.s32 $0xFFFFE000  }
0x109: {  	_ =	swait.ge [sflag:s6], $0x2000  }
0x10a: {  	s30 =	rddreg [dreg:$0x15]  }
0x10b: {  	s31 =	rddreg [dreg:$0x13];
	s1 =	sadd.s32 $0x1, s30  }
0x10c: {  	p0 =	sne.s32 s1, s31  }
.Ltmp1:
0x10d: {  	_ = 	snop;
	(pc) =	sbr.rel @p0 .LBB2_1-.Ltmp1, $3  }
0x10e: {  	_ =	sdelay $0x1  }
0x10f: {  	[sflag:s6] =	ssyncset.done $0x0  }
0x110: {  	[sflag:s6] =	ssyncadd.s32 $0xFFFFE000  }
0x111: {  	_ =	sfence.sel $0x180000  }
0x112: {  	[bflag:$0x0] =	sbarrier.arrive $0xFFFF  }
0x113: {  	_ =	strace $0x90000047  }
0x114: {  	s0 =	stileid.u32;
	[bflag:$0x2] =	sbarrier.arrive $0xFFFF  }
0x115: {  	p0 =	sne.s32 s0, $0x0;
	s0 =	rddreg [dreg:$0x2]  }
0x116: {  	s0 =	sadd.s32 @!p0 $0x100000, s0  }
0x117: {  	[sflag:s0] =	ssyncadd.tile.s32 @!p0 $0x1;
	_ =	shalt  }
.Lfunc_end2:
_tile_overlayer_lowered:
.L_overlay_start_2:
0x118: {  	(tag) =	ssettag $0x2  }
0x119: {  	s0 =	rddreg [dreg:$0x0];
	s2 =	stileid.u32  }
0x11a: {  	s1 =	rddreg [dreg:$0x1];
	p0 =	sne.s32 s2, $0x0  }
0x11b: {  	s3 =	rddreg [dreg:$0x2];
	[bflag:$0x3] =	sbarrier.arrive $0xFFFF;
	s2 =	simm.s32 @!p0 $0x1C11  }
0x11c: {  	[timem:s3], [sflag:s2] =	dma.local @!p0 [hbm:s0], s1  }
0x11d: {  	s0 =	simm.s32 @!p0 $0x11  }
0x11e: {  	_ =	swait.ge @!p0 [sflag:s0], s1  }
0x11f: {  	s1 =	ssub.s32 @!p0 $0x0, s1;
	[sflag:s0] =	ssyncset.done @!p0 $0x0  }
0x120: {  	[sflag:s0] =	ssyncadd.s32 @!p0 s1  }
0x121: {  	[bflag:$0x3] =	sbarrier.arrive $0xFFFF  }
0x122: {  	_ =	shalt  }

// kernel: sparse-core-data-format-call.cloned.1.call-start
scs
called_computation_lowered:
.L_overlay_start_0:
0x0: {  	s2 =	sld [smem:$0x3FD9]  }
0x1: {  	s3 =	sld [smem:$0x3FFE];
	_ =	sdelay $0x1  }
0x2: {  	s1 =	srdreg.scid  }
0x3: {  	s0 =	sand.u32 $0x1, s1  }
0x4: {  	s18 =	sshll.u32 s0, $0xA;
	s2 =	sadd.s32 s3, s2  }
0x5: {  	s2 =	sadd.s32 s2, s18  }
0x6: {  	[smem:$0x3FC6] =	sst s2  }
0x7: {  	_ = 	snop  }
0x8: {  	s2 =	sld [smem:$0x3FD0];
	(tm) =	ssettm $0x1  }
0x9: {  	s19 =	sld [smem:$0x3FFB];
	_ =	sdelay $0x3  }
0xa: {  	_ =	strace s19  }
0xb: {  	s3 =	sld [smem:$0x3FFC];
	_ =	sdelay $0x3  }
0xc: {  	_ =	strace s3  }
0xd: {  	s3 =	sld [smem:$0x3FFD];
	_ =	sdelay $0x3  }
0xe: {  	_ =	strace s3  }
0xf: {  	_ =	strace $0x8FFFFFFF  }
0x10: {  	s20 =	sld [smem:$0x3FDB];
	_ =	sdelay $0x1  }
0x11: {  	s4 =	simm.s32 $_scs_section_size  }
0x12: {  	s5 =	simm.s32 $_size__tile_overlayer_lowered;
	s6 =	simm.s32 $_tile_overlayer_lowered  }
0x13: {  	s23 =	simm.s32 $0x1BFF;
	s22 =	sshll.u32 s6, $0x1;
	s3 =	sadd.s32 s4, s20  }
0x14: {  	s7 =	simm.s32 $0x0;
	s21 =	sshll.u32 s5, $0x1;
	s5 =	sadd.s32 s22, s3  }
0x15: {  	[timem:s7], [sflag:s23] =	dma.local [hbm:s5], s21  }
0x16: {  	_ =	swait.ge [sflag:s23], s21  }
0x17: {  	s4 =	ssub.s32 $0x0, s21;
	[sflag:s23] =	ssyncset.done $0x0  }
0x18: {  	[sflag:s23] =	ssyncadd.s32 s4;
	_ =	sdelay $0x1  }
0x19: {  	s24 =	simm.s32 $0x1B8B  }
0x1a: {  	_ =	swait.ge [sflag:s24], $0x1  }
0x1b: {  	[sflag:s24] =	ssyncset.done $0x0  }
0x1c: {  	s26 =	simm.s32 $0x1B8E;
	s25 =	sld [smem:$0x3FFE];
	[sflag:s24] =	ssyncadd.s32 $0xFFFFFFFF  }
0x1d: {  	s27 =	simm.s32 $execute0_lowered;
	[smem:$0x3FD2] =	sst s26  }
0x1e: {  	s5 =	sshll.u32 s27, $0x1;
	_ =	strace $0x80000049;
	[dreg:$0x1] =	wrdreg $0xFFFFFFFF  }
0x1f: {  	s28 =	simm.s32 $_size_execute0_lowered;
	s3 =	sadd.s32 s3, s5;
	[dreg:$0x0] =	wrdreg $0x0  }
0x20: {  	s5 =	sshll.u32 s28, $0x1;
	[dreg:$0x2] =	wrdreg s3  }
0x21: {  	[dreg:$0x3] =	wrdreg s5  }
0x22: {  	[dreg:$0x4] =	wrdreg $0xC0  }
0x23: {  	_ =	task [dreg:s7], $0x5FFFF  }
0x24: {  	[dreg:$0x1] =	wrdreg $0xFFFFFFFF  }
0x25: {  	[dreg:$0x0] =	wrdreg $0x60  }
0x26: {  	[dreg:$0x2] =	wrdreg s25  }
0x27: {  	[dreg:$0x3] =	wrdreg s2  }
0x28: {  	[dreg:$0x4] =	wrdreg $0x9  }
0x29: {  	_ =	task.clear_ibuf [dreg:s7], $0x5FFFF;
	_ =	strace $0x90000049  }
0x2a: {  	s29 =	simm.s32 $0x9;
	_ =	strace $0x8000004B  }
0x2b: {  	_ =	swait.ge [sflag:s29], $0x1  }
0x2c: {  	[sflag:s29] =	ssyncadd.s32 $0xFFFFFFFF  }
0x2d: {  	_ =	strace $0x9000004B  }
0x2e: {  	_ =	sfence  }
0x2f: {  	s30 =	sld [smem:$0x0];
	_ =	sdelay $0x2  }
0x30: {  	s31 =	sshll.u32 s1, $0xD;
	s1 =	sshrl.u32 s1, $0x2  }
0x31: {  	s3 =	sand.u32 $0x4000, s31;
	s1 =	sadd.s32 s1, s30  }
0x32: {  	s0 =	sor.u32 s3, s0;
	s1 =	sshll.u32 s1, $0x11  }
0x33: {  	s0 =	sor.u32 s1, s0  }
0x34: {  	s0 =	sadd.s32 $0x8F2B, s0  }
0x35: {  	[sflag:s0] =	ssyncadd.remote.s32 $0x1  }
0x36: {  	_ =	sfence.sel $0xFFFF  }
0x37: {  	[dreg:$0x0] =	wrdreg $0xFFFFFFFF;
	(pc) =	sbr.abs _section_cstart, $3  }
0x38: {  	[dreg:$0x1] =	wrdreg $0xFFFFFFFF  }
0x39: {  	_ =	task.clear_ibuf [dreg:s7], $0x2FFFF;
	_ =	strace $0x9FFFFFFF  }
0x3a: {  	(tm) =	ssettm $0x7FFFFFFF  }
0x3b: {  	_ =	shalt  }
tec
execute0_lowered:
.L_overlay_start_1:
0x0: {  	(tag) =	ssettag $0x1  }
0x1: {  	s0 =	srdreg.scid  }
0x2: {  	s1 =	sshll.u32 s0, $0x4  }
0x3: {  	s0 =	stileid.u32;
	s1 =	sand.u32 $0x10, s1  }
0x4: {  	s1 =	sor.u32 s0, s1  }
0x5: {  	s6 =	rddreg [dreg:$0x0];
	s4 =	simm.s32 $0x1;
	s2 =	sshll.u32 s1, $0x7  }
0x6: {  	s7 =	simm.s32 $0x2;
	s12 =	simm.s32 $0x0;
	s1 =	ssub.s32 $0x4000, s2  }
0x7: {  	s8 =	simm.s32 $0x20000;
	s13 =	simm.s32 $0x0;
	s3 =	sand.u32 $0xF80, s1  }
0x8: {  	s9 =	simm.s32 $0x0;
	s5 =	sshrl.u32 s1, $0xC;
	p0 =	sne.s32 s3, $0x0  }
.Ltmp0:
0x9: {  	s1 =	rddreg [dreg:$0x2];
	s4 =	simm.s32 @!p0 $0x0;
	(pc) =	sbr.rel .LBB1_1-.Ltmp0, $4  }
0xa: {  	s11 =	simm.s32 $0x0;
	s3 =	rddreg [dreg:$0x1];
	s5 =	sadd.s32 s4, s5  }
0xb: {  	_ =	strace $0x8000004A;
	s4 =	simm.s32 $0x1;
	s5 =	smul.u32 $0x32, s5  }
0xc: {  	s6 =	sadd.s32 $0xA00, s6;
	s10 =	smov.u32 s2;
	[sflag:s4] =	ssyncpa.u1 $0x0  }
0xd: {  	p0 =	por $0x0, $0x0;
	[sflag:s7] =	ssyncpa.u1 $0x0;
	s7 =	sor.u32 $0x1, s5  }
.LBB1_4:
0xe: {  	s16 =	sshll.u32 s13, $0x3;
	s17 =	sand.u32 $0x78, s13  }
0xf: {  	s30 =	sand.u32 $0x1F800, s13;
	s12 =	sshll.u32 s12, $0x11;
	s16 =	sand.u32 $0x3C00, s16  }
0x10: {  	[tilespmem:s15+$0x810 ss:$0x81] =	vst.msk $0xffff, v2;
	s31 =	sand.u32 $0x7, s13;
	s16 =	sor.u32 s17, s16;
	s17 =	sadd.s32 s3, s30  }
0x11: {  	[tilespmem:s15+$0x1020 ss:$0x81] =	vst.msk $0xffff, v0;
	s13 =	sshll.u32 s31, $0x12;
	s12 =	sadd.s32 s12, s17;
	s16 =	sshrl.u32 s16, $0x3  }
0x12: {  	[tilespmem:s15+$0x0 ss:$0x81] =	vst.msk $0xffff, v1;
	s13 =	sor.u32 $0x400, s13;
	s12 =	sadd.s32 s16, s12  }
0x13: {  	[hbm4b:s12+s13] =	stream.strided.scatter [tilespmem:s14], [sflag:$0x2], $0x2000, s8, s13, $0x20;
	[tilespmem:$0x8080] =	vst v63  }
.LBB1_5:
0x14: {  	s14 =	sadd.s32 $0x1, s9  }
0x15: {  	s12 =	sadd.s32 $0x1000, s10;
	s16 =	smov.u32 s10;
	p2 =	sgt.s32 s14, $0x31  }
0x16: {  	s16 =	smov.u32 @p2 s12  }
0x17: {  	s14 =	simm.s32 @p2 $0x0;
	p2 =	sgt.s32 s16, $0x3FFF  }
0x18: {  	s16 =	smov.u32 @p2 s2;
	p2 =	sne.s32 s11, s7  }
.Ltmp1:
0x19: {  	p1 =	slt.u32 s11, $0x2;
	(pc) =	sbr.rel @!p2 .LBB1_6-.Ltmp1, $4  }
0x1a: {  	s15 =	simm.s32 @!p1 $0x2  }
0x1b: {  	s13 =	smov.u32 s10;
	p0 =	por !p0, !p0;
	_ =	swait.ge @!p1 [sflag:s15], $0x2000  }
0x1c: {  	s12 =	smov.u32 s9;
	[sflag:s15] =	ssyncset.done @!p1 $0x0;
	s9 =	smov.u32 s14  }
0x1d: {  	s11 =	sadd.s32 $0x1, s11;
	[sflag:s15] =	ssyncadd.s32 @!p1 $0xFFFFE000;
	s10 =	smov.u32 s16  }
.LBB1_1:
0x1e: {  	p1 =	sge.u32 s11, s5  }
0x1f: {  	s14 =	sand.u32 @!p1 $0x1FFFFFF, s9  }
0x20: {  	s15 =	smulhi.u32 @!p1 $0x4924925, s14;
	_ =	sdelay $0x1  }
0x21: {  	s15 =	smul.u32 @!p1 $0x38, s15  }
0x22: {  	s16 =	sxor.u32 @!p1 $0xFFFFFFFF, s11;
	s17 =	smul.u32 @!p1 $0x380, s10  }
0x23: {  	s31 =	sadd.s32 $0xFFFFFFFF, s11;
	s16 =	sshll.u32 @!p1 s16, $0xD;
	s14 =	ssub.s32 @!p1 s14, s15  }
0x24: {  	s15 =	sand.u32 @!p1 $0x2000, s16;
	s16 =	sadd.s32 @!p1 s6, s17;
	s14 =	sshll.u32 @!p1 s14, $0x4  }
0x25: {  	s17 =	simm.s32 @!p1 $0x1C00;
	s14 =	sadd.s32 @!p1 s14, s16;
	s16 =	simm.s32 @!p1 $0x40  }
0x26: {  	[tilespmem:s15], [sflag:$0x1] =	stream.strided.gather @!p1 [hbm4b:s14+s16], $0x2000, s17, s16, $0x38;
	[tilespmem:$0x8080] =	vst v63  }
0x27: {  	p1 =	sge.u32 s31, s5  }
.Ltmp2:
0x28: {  	_ = 	snop;
	(pc) =	sbr.rel @p1 .LBB1_5-.Ltmp2, $1  }
0x29: {  	_ =	sdelay $0x3  }
0x2a: {  	s14 =	simm.s32 $0x1  }
0x2b: {  	_ =	swait.ge [sflag:s4], $0x2000;
	s14 =	simm.s32 @!p0 $0x0  }
0x2c: {  	[sflag:s4] =	ssyncset.done $0x0;
	s15 =	sshll.u32 s14, $0xD  }
0x2d: {  	[sflag:s4] =	ssyncadd.s32 $0xFFFFE000;
	s18 =	sor.u32 $0x20, s15  }
0x2e: {  	s14 =	smul.u32 $0x8100, s14;
	v3 =	vld [tilespmem:s18+$0x10]  }
0x2f: {  	s30 =	sand.u32 $0x1, s11;
	v2 =	vld [tilespmem:s18+$0xFFFFFFF0]  }
0x30: {  	s15 =	smul.u32 $0x8100, s30;
	s14 =	sshrl.u32 s14, $0x2;
	v0 =	vld [tilespmem:s18+$0x0]  }
0x31: {  	v1 =	vld [tilespmem:s18+$0xFFFFFFE0];
	s16 =	sor.u32 $0x4000, s14  }
0x32: {  	s31 =	sshrl.u32 s15, $0x2;
	s15 =	sadd.s32 $0x0, s16  }
0x33: {  	s17 =	simm.s32 $0x4;
	s18 =	sadd.s32 $0x40, s18;
	s14 =	sor.u32 $0x4000, s31;
	[tilespmem:s15+$0x1830 ss:$0x81] =	vst.msk $0xffff, v3  }
.LBB1_3:
0x34: {  	v3 =	vld [tilespmem:s18+$0x10];
	p1 =	sne.s32 s17, $0x1FC;
	[tilespmem:s15+$0x810 ss:$0x81] =	vst.msk $0xffff, v2;
	s19 =	smov.u32 s17;
	s17 =	sadd.s32 $0x4, s17  }
.Ltmp3:
0x35: {  	v2 =	vld [tilespmem:s18+$0xFFFFFFF0];
	[tilespmem:s15+$0x1020 ss:$0x81] =	vst.msk $0xffff, v0;
	(pc) =	sbr.rel @p1 .LBB1_3-.Ltmp3, $4  }
0x36: {  	v0 =	vld [tilespmem:s18+$0x0];
	[tilespmem:s15+$0x0 ss:$0x81] =	vst.msk $0xffff, v1  }
0x37: {  	s15 =	sshra.s32 s19, $0x2;
	v1 =	vld [tilespmem:s18+$0xFFFFFFE0]  }
0x38: {  	s15 =	sadd.s32 s15, s16  }
0x39: {  	s18 =	sadd.s32 $0x40, s18;
	[tilespmem:s15+$0x1830 ss:$0x81] =	vst.msk $0xffff, v3  }
.Ltmp4:
0x3a: {  	_ = 	snop;
	(pc) =	sbr.rel .LBB1_4-.Ltmp4, $1  }
0x3b: {  	_ =	sdelay $0x3  }
.LBB1_6:
0x3c: {  	_ =	sfence.sel $0x180000  }
0x3d: {  	s2 =	simm.s32 $0x1;
	[bflag:$0x0] =	sbarrier.arrive $0xFFFF  }
0x3e: {  	s31 =	simm.s32 $0x2;
	[sflag:s2] =	ssyncpa.u1 $0x1  }
0x3f: {  	[sflag:s31] =	ssyncpa.u1 $0x1  }
0x40: {  	p0 =	sne.s32 s0, $0x0;
	_ =	strace $0x9000004A  }
0x41: {  	s0 =	sadd.s32 @!p0 $0x100000, s1;
	[bflag:$0x2] =	sbarrier.arrive $0xFFFF  }
0x42: {  	[sflag:s0] =	ssyncadd.tile.s32 @!p0 $0x1;
	_ =	shalt  }
.Lfunc_end1:
_tile_overlayer_lowered:
.L_overlay_start_2:
0x43: {  	(tag) =	ssettag $0x2  }
0x44: {  	s0 =	rddreg [dreg:$0x0];
	s2 =	stileid.u32  }
0x45: {  	s1 =	rddreg [dreg:$0x1];
	p0 =	sne.s32 s2, $0x0  }
0x46: {  	s3 =	rddreg [dreg:$0x2];
	[bflag:$0x3] =	sbarrier.arrive $0xFFFF;
	s2 =	simm.s32 @!p0 $0x1C01  }
0x47: {  	[timem:s3], [sflag:s2] =	dma.local @!p0 [hbm:s0], s1  }
0x48: {  	s0 =	simm.s32 @!p0 $0x1  }
0x49: {  	_ =	swait.ge @!p0 [sflag:s0], s1  }
0x4a: {  	s1 =	ssub.s32 @!p0 $0x0, s1;
	[sflag:s0] =	ssyncset.done @!p0 $0x0  }
0x4b: {  	[sflag:s0] =	ssyncadd.s32 @!p0 s1  }
0x4c: {  	[bflag:$0x3] =	sbarrier.arrive $0xFFFF  }
0x4d: {  	_ =	shalt  }

</sc_bundles>
